<compile_context>
chip_gen: v7x
topology: tpu7x:2x2x1
jax: 0.10.2.dev20260603
libtpu: 0.0.44.dev20260713+nightly
codegen_flags: <defaults>
</compile_context>

<pallas_src>
import functools

import jax
import jax.numpy as jnp
from jax import lax
from jax.experimental import pallas as pl
from jax.experimental.pallas import tpu as pltpu
from jax.experimental.pallas import tpu_sc as plsc

N, E, D, H = 10000, 320000, 128, 128

NC, NS = 2, 16
CHK = 125
EPT = E // (NC * NS)
ROWS = EPT // CHK
HALF = ROWS // 2
NBUF = 2
NPT = 624
TAIL = N - NS * NPT
ZROWS = 48
DEGW = 128
DEG_FIRE = 8


def _zero_shared(zb, shared, sub):
  def _zero(j, _):
    pltpu.sync_copy(zb, shared.at[pl.ds(sub * NPT + j * ZROWS, ZROWS), :])
    return 0
  lax.fori_loop(0, NPT // ZROWS, _zero, 0)

  @pl.when(sub == NS - 1)
  def _tail():
    pltpu.sync_copy(zb.at[pl.ds(0, TAIL), :],
                    shared.at[pl.ds(NS * NPT, TAIL), :])


def _writeout_shared(shared, out_hbm, core, sub):
  pltpu.sync_copy(shared.at[pl.ds(sub * NPT, NPT), :],
                  out_hbm.at[core, pl.ds(sub * NPT, NPT), :])

  @pl.when(sub == NS - 1)
  def _tail():
    pltpu.sync_copy(shared.at[pl.ds(NS * NPT, TAIL), :],
                    out_hbm.at[core, pl.ds(NS * NPT, TAIL), :])


def _fill_rows(ref, rows, width, value):
  per_row = width // 16
  def _st(i, _):
    ref[i // per_row, pl.ds((i % per_row) * 16, 16)] = jnp.full(
        (16,), value, jnp.float32)
    return 0
  lax.fori_loop(0, rows * per_row, _st, 0)


def _agg_body(h_hbm, src_hbm, dst_hbm, parts_hbm, acc, src_v, dst_v,
              m0, m1, s0, s1):
  msgs = (m0, m1)
  sems = (s0, s1)
  core = lax.axis_index("c")
  sub = lax.axis_index("s")

  _fill_rows(m0, ZROWS, D, 0.0)
  _zero_shared(m0.at[pl.ds(0, ZROWS), :], acc, sub)
  plsc.subcore_barrier()

  row0 = (core * NS + sub) * ROWS
  for half in range(ROWS // HALF):
    pltpu.sync_copy(src_hbm.at[pl.ds(row0 + half * HALF, HALF), :], src_v)
    pltpu.sync_copy(dst_hbm.at[pl.ds(row0 + half * HALF, HALF), :], dst_v)

    for b in range(NBUF):
      pltpu.async_copy(h_hbm.at[src_v.at[b]], msgs[b], sems[b])

    def _group(g, _):
      for b in range(NBUF):
        c = g * NBUF + b
        pltpu.make_async_copy(h_hbm.at[src_v.at[c]], msgs[b], sems[b]).wait()
        pltpu.sync_copy(msgs[b], acc.at[dst_v.at[c]], add=True)

        @pl.when(c + NBUF < HALF)
        def _refill():
          pltpu.async_copy(h_hbm.at[src_v.at[c + NBUF]], msgs[b], sems[b])
      return 0
    lax.fori_loop(0, HALF // NBUF, _group, 0)

  plsc.subcore_barrier()
  _writeout_shared(acc, parts_hbm, core, sub)


_agg = pl.kernel(
    _agg_body,
    out_type=jax.ShapeDtypeStruct((NC, N, D), jnp.float32),
    mesh=plsc.VectorSubcoreMesh(core_axis_name="c", subcore_axis_name="s"),
    scratch_types=[
        pltpu.VMEM_SHARED((N, D), jnp.float32),
        pltpu.VMEM((HALF, CHK), jnp.int32),
        pltpu.VMEM((HALF, CHK), jnp.int32),
    ] + [pltpu.VMEM((CHK, D), jnp.float32)] * NBUF
    + [pltpu.SemaphoreType.DMA] * NBUF,
)


def _deg_body(dst_hbm, deg_hbm, dacc, dst_v, ones_v, zbd, sem):
  core = lax.axis_index("c")
  sub = lax.axis_index("s")

  _fill_rows(zbd, ZROWS, DEGW, 0.0)
  _zero_shared(zbd, dacc, sub)
  _fill_rows(ones_v, CHK, DEGW, 1.0)
  plsc.subcore_barrier()

  row0 = (core * NS + sub) * ROWS
  pltpu.sync_copy(dst_hbm.at[pl.ds(row0, ROWS), :], dst_v)

  def _group(g, _):
    for b in range(DEG_FIRE):
      pltpu.async_copy(ones_v, dacc.at[dst_v.at[g * DEG_FIRE + b]], sem,
                       add=True)
    for b in range(DEG_FIRE):
      pltpu.make_async_copy(ones_v, dacc.at[dst_v.at[g * DEG_FIRE + b]],
                            sem).wait()
    return 0
  lax.fori_loop(0, ROWS // DEG_FIRE, _group, 0)

  plsc.subcore_barrier()
  _writeout_shared(dacc, deg_hbm, core, sub)


_deg = pl.kernel(
    _deg_body,
    out_type=jax.ShapeDtypeStruct((NC, N, DEGW), jnp.float32),
    mesh=plsc.VectorSubcoreMesh(core_axis_name="c", subcore_axis_name="s"),
    scratch_types=[
        pltpu.VMEM_SHARED((N, DEGW), jnp.float32),
        pltpu.VMEM((ROWS, CHK), jnp.int32),
        pltpu.VMEM((CHK, DEGW), jnp.float32),
        pltpu.VMEM((ZROWS, DEGW), jnp.float32),
        pltpu.SemaphoreType.DMA,
    ],
)


def _layer_body(residual, parts_ref, deg_ref, h_ref, wl_ref, bl_ref, wr_ref,
                g_ref, bt_ref, out_ref):
  agg = parts_ref[0] + parts_ref[1]
  deg = deg_ref[0][:, :1] + deg_ref[1][:, :1]
  agg = agg / jnp.maximum(deg, 1.0)
  h = h_ref[...]
  z = lax.dot_general(agg, wl_ref[...], (((1,), (1,)), ((), ())),
                      preferred_element_type=jnp.float32)
  z = z + bl_ref[...]
  z = z + lax.dot_general(h, wr_ref[...], (((1,), (1,)), ((), ())),
                          preferred_element_type=jnp.float32)
  mu = jnp.mean(z, axis=-1, keepdims=True)
  var = jnp.mean((z - mu) ** 2, axis=-1, keepdims=True)
  zn = (z - mu) * lax.rsqrt(var + 1e-5) * g_ref[...] + bt_ref[...]
  if residual:
    zn = zn + h
  out_ref[...] = jnp.maximum(zn, 0.0)


def _make_layer(residual):
  blk = 1000
  grid = N // blk
  return pl.pallas_call(
      functools.partial(_layer_body, residual),
      grid=(grid,),
      in_specs=[
          pl.BlockSpec((NC, blk, D), lambda i: (0, i, 0)),
          pl.BlockSpec((NC, blk, DEGW), lambda i: (0, i, 0)),
          pl.BlockSpec((blk, D), lambda i: (i, 0)),
          pl.BlockSpec((H, D), lambda i: (0, 0)),
          pl.BlockSpec((1, H), lambda i: (0, 0)),
          pl.BlockSpec((H, H), lambda i: (0, 0)),
          pl.BlockSpec((1, H), lambda i: (0, 0)),
          pl.BlockSpec((1, H), lambda i: (0, 0)),
      ],
      out_specs=pl.BlockSpec((blk, D), lambda i: (i, 0)),
      out_shape=jax.ShapeDtypeStruct((N, D), jnp.float32),
  )


_layer1 = _make_layer(False)
_layer2 = _make_layer(True)


@jax.jit
def kernel(x, edge_index, W_l1, b_l1, W_r1, g1, bt1, W_l2, b_l2, W_r2, g2,
           bt2):
  src = edge_index[0].astype(jnp.int32).reshape(E // CHK, CHK)
  dst = edge_index[1].astype(jnp.int32).reshape(E // CHK, CHK)

  degp = _deg(dst)
  parts1 = _agg(x, src, dst)
  h1 = _layer1(parts1, degp, x, W_l1, b_l1.reshape(1, H), W_r1,
               g1.reshape(1, H), bt1.reshape(1, H))
  parts2 = _agg(h1, src, dst)
  h2 = _layer2(parts2, degp, h1, W_l2, b_l2.reshape(1, H), W_r2,
               g2.reshape(1, H), bt2.reshape(1, H))
  return h2

# --- scband reference (transcript-rebuilt; emitter-appended) ---
"""Pipeline reference for scband-gnnbackbone-20933670601307 (READ-ONLY COPY).

The authoritative reference and input builder live on the scoring server;
editing this copy changes nothing except your own understanding.
"""

import jax, jax.numpy as jnp
import numpy as np

N, E, D, H = 10000, 320000, 128, 128


def setup_inputs(seed: int = 0) -> dict:
    key = jax.random.key(seed)
    ks = jax.random.split(key, 16)
    x = jax.random.normal(ks[0], (N, D), dtype=jnp.float32)
    edge_index = jax.random.randint(ks[1], (2, E), 0, N)
    # SAGEConv layer 1 params: lin_l (neighbor agg, with bias), lin_r (root)
    W_l1 = jax.random.normal(ks[2], (H, D), dtype=jnp.float32) * 0.05
    b_l1 = jnp.zeros((H,), dtype=jnp.float32)
    W_r1 = jax.random.normal(ks[3], (H, D), dtype=jnp.float32) * 0.05
    g1 = jnp.ones((H,), dtype=jnp.float32)
    bt1 = jnp.zeros((H,), dtype=jnp.float32)
    # SAGEConv layer 2 params
    W_l2 = jax.random.normal(ks[4], (H, H), dtype=jnp.float32) * 0.05
    b_l2 = jnp.zeros((H,), dtype=jnp.float32)
    W_r2 = jax.random.normal(ks[5], (H, H), dtype=jnp.float32) * 0.05
    g2 = jnp.ones((H,), dtype=jnp.float32)
    bt2 = jnp.zeros((H,), dtype=jnp.float32)
    return {"x": x, "edge_index": edge_index,
            "W_l1": W_l1, "b_l1": b_l1, "W_r1": W_r1, "g1": g1, "bt1": bt1,
            "W_l2": W_l2, "b_l2": b_l2, "W_r2": W_r2, "g2": g2, "bt2": bt2}


def _sage_conv(h, src, dst, W_l, b_l, W_r):
    # mean aggregation of source features at destination nodes (PyG SAGEConv default)
    msgs = jnp.take(h, src, axis=0)
    agg = jax.ops.segment_sum(msgs, dst, num_segments=N)
    deg = jax.ops.segment_sum(jnp.ones((src.shape[0], 1), dtype=h.dtype), dst, num_segments=N)
    agg = agg / jnp.maximum(deg, 1.0)
    return agg @ W_l.T + b_l + h @ W_r.T


def _layer_norm(h, g, b, eps=1e-5):
    mu = jnp.mean(h, axis=-1, keepdims=True)
    var = jnp.mean((h - mu) ** 2, axis=-1, keepdims=True)
    return (h - mu) / jnp.sqrt(var + eps) * g + b


def reference(x, edge_index, W_l1, b_l1, W_r1, g1, bt1, W_l2, b_l2, W_r2, g2, bt2):
    src = edge_index[0]
    dst = edge_index[1]
    # Layer 1 (no residual at i=0), dropout is identity in eval mode
    h = x
    h_new = _sage_conv(h, src, dst, W_l1, b_l1, W_r1)
    h_new = _layer_norm(h_new, g1, bt1)
    h = jax.nn.relu(h_new)
    # Layer 2 (residual)
    h_new = _sage_conv(h, src, dst, W_l2, b_l2, W_r2)
    h_new = _layer_norm(h_new, g2, bt2)
    h_new = h_new + h
    h = jax.nn.relu(h_new)
    return h

if __name__ == "__main__":
    import jax
    _d = setup_inputs()
    print(jax.jit(kernel)(*tuple(_d.values())))

</pallas_src>

<mosaic_0001>
#map = affine_map<(d0, d1) -> (0, 0)>
#map1 = affine_map<(d0, d1) -> (0, 0, 0)>
module attributes {stable_mosaic.version = 14 : i64} {
  func.func @_deg_body(%arg0: i32, %arg1: i32, %arg2: memref<2560x125xi32, #tpu.memory_space<hbm>>, %arg3: memref<2x10000x128xf32, #tpu.memory_space<hbm>>, %arg4: memref<10000x128xf32, #tpu.memory_space<vmem_shared>>, %arg5: memref<80x125xi32, #tpu.memory_space<vmem>>, %arg6: memref<125x128xf32, #tpu.memory_space<vmem>>, %arg7: memref<48x128xf32, #tpu.memory_space<vmem>>, %arg8: memref<!tpu.dma_semaphore, #tpu.memory_space<semaphore_mem>>) attributes {dimension_semantics = [#tpu.dimension_semantics<core_parallel>, #tpu.dimension_semantics<subcore_parallel>], iteration_bounds = array<i64: 2, 16>, scalar_prefetch = 0 : i64, scratch_operands = 5 : i64, tpu.core_type = #tpu.core_type<sc_vector_subcore>, window_params = [{transform_indices = #map}, {transform_indices = #map1}]} {
    %scan3A = arith.constant 0 : i32
    %scan3A_0 = arith.constant 0 : i32
    %scan3A_1 = arith.constant 384 : i32
    %scan3A_2 = arith.addi %scan3A_0, %scan3A_1 : i32
    %scan3A_3 = arith.constant 1 : i32
    %scan3A_4 = scf.for %scan3A_42 = %scan3A_0 to %scan3A_2 step %scan3A_3 iter_args(%scan3A_43 = %scan3A) -> (i32)  : i32 {
      %broadcast_in_dim3A = arith.constant 0.000000e+00 : f32
      %broadcast_in_dim3A_44 = vector.broadcast %broadcast_in_dim3A : f32 to vector<16xf32>
      %jit3A = arith.constant 8 : i32
      %div3A = arith.divsi %scan3A_42, %jit3A : i32
      %sign3A = arith.constant 0 : i32
      %sign3A_45 = arith.cmpi sgt, %scan3A_42, %sign3A : i32
      %sign3A_46 = arith.extui %sign3A_45 : i1 to i32
      %sign3A_47 = arith.constant 0 : i32
      %sign3A_48 = arith.cmpi slt, %scan3A_42, %sign3A_47 : i32
      %sign3A_49 = arith.extui %sign3A_48 : i1 to i32
      %sign3A_50 = arith.subi %sign3A_46, %sign3A_49 : i32
      %sign3A_51 = arith.constant 0 : i32
      %sign3A_52 = arith.cmpi sgt, %jit3A, %sign3A_51 : i32
      %sign3A_53 = arith.extui %sign3A_52 : i1 to i32
      %sign3A_54 = arith.constant 0 : i32
      %sign3A_55 = arith.cmpi slt, %jit3A, %sign3A_54 : i32
      %sign3A_56 = arith.extui %sign3A_55 : i1 to i32
      %sign3A_57 = arith.subi %sign3A_53, %sign3A_56 : i32
      %ne3A = arith.cmpi ne, %sign3A_50, %sign3A_57 : i32
      %rem3A = arith.remsi %scan3A_42, %jit3A : i32
      %ne3A_58 = arith.constant 0 : i32
      %ne3A_59 = arith.cmpi ne, %rem3A, %ne3A_58 : i32
      %and3A = arith.andi %ne3A, %ne3A_59 : i1
      %sub3A = arith.constant 1 : i32
      %sub3A_60 = arith.subi %div3A, %sub3A : i32
      %select_n3A = arith.select %and3A, %sub3A_60, %div3A : i32
      %jit3A_61 = arith.constant 8 : i32
      %eq3A_62 = arith.constant 0 : i32
      %eq3A_63 = arith.cmpi eq, %jit3A_61, %eq3A_62 : i32
      %jit3A_64 = arith.constant 1 : i32
      %select_n3A_65 = arith.select %eq3A_63, %jit3A_64, %jit3A_61 : i32
      %rem3A_66 = arith.remsi %scan3A_42, %select_n3A_65 : i32
      %ne3A_67 = arith.constant 0 : i32
      %ne3A_68 = arith.cmpi ne, %rem3A_66, %ne3A_67 : i32
      %lt3A = arith.constant 0 : i32
      %lt3A_69 = arith.cmpi slt, %rem3A_66, %lt3A : i32
      %lt3A_70 = arith.constant 0 : i32
      %lt3A_71 = arith.cmpi slt, %select_n3A_65, %lt3A_70 : i32
      %ne3A_72 = arith.xori %lt3A_69, %lt3A_71 : i1
      %and3A_73 = arith.andi %ne3A_72, %ne3A_68 : i1
      %add3A_74 = arith.addi %rem3A_66, %select_n3A_65 : i32
      %select_n3A_75 = arith.select %and3A_73, %add3A_74, %rem3A_66 : i32
      %mul3A_76 = arith.constant 16 : i32
      %mul3A_77 = arith.muli %select_n3A_75, %mul3A_76 : i32
      %swap3A = arith.index_cast %select_n3A : i32 to index
      %swap3A_78 = arith.index_cast %mul3A_77 : i32 to index
      %swap3A_79 = tpu.vector_load %arg7[%swap3A, %swap3A_78] {strides = array<i32>} : memref<48x128xf32, #tpu.memory_space<vmem>>, vector<1x16xf32>,
      %swap3A_80 = vector.shape_cast %swap3A_79 : vector<1x16xf32> to vector<16xf32>
      %swap3A_81 = vector.shape_cast %broadcast_in_dim3A_44 : vector<16xf32> to vector<1x16xf32>
      tpu.vector_store %arg7[%swap3A, %swap3A_78], %swap3A_81 {strides = array<i32>} : memref<48x128xf32, #tpu.memory_space<vmem>>, vector<1x16xf32>,
      %scan3A_82 = arith.constant 0 : i32
      scf.yield %scan3A_82 : i32
    }
    %scan3A_5 = arith.constant 384 : i32
    %scan3A_6 = arith.constant 0 : i32
    %scan3A_7 = arith.constant 0 : i32
    %scan3A_8 = arith.constant 13 : i32
    %scan3A_9 = arith.addi %scan3A_7, %scan3A_8 : i32
    %scan3A_10 = arith.constant 1 : i32
    %scan3A_11 = scf.for %scan3A_42 = %scan3A_7 to %scan3A_9 step %scan3A_10 iter_args(%scan3A_43 = %scan3A_6) -> (i32)  : i32 {
      %mul3A_44 = arith.constant 624 : i32
      %mul3A_45 = arith.muli %arg1, %mul3A_44 : i32
      %mul3A_46 = arith.constant 48 : i32
      %mul3A_47 = arith.muli %scan3A_42, %mul3A_46 : i32
      %add3A_48 = arith.addi %mul3A_45, %mul3A_47 : i32
      "tpu.region"() ({
        %run_scoped3A = tpu.sem_alloc : memref<!tpu.dma_semaphore, #tpu.memory_space<semaphore_mem>>
        %dma_start3A = arith.constant 0 : i32
        %dma_start3A_50 = tpu.memref_slice %arg4[%add3A_48, %dma_start3A] : memref<10000x128xf32, #tpu.memory_space<vmem_shared>> -> memref<48x128xf32, #tpu.memory_space<vmem_shared>>
        %dma_start3A_51 = arith.constant 0 : i32
        %dma_start3A_52 = tpu.memref_slice %arg4[%add3A_48, %dma_start3A_51] : memref<10000x128xf32, #tpu.memory_space<vmem_shared>> -> memref<48x128xf32, #tpu.memory_space<vmem_shared>>
        tpu.enqueue_dma source(%arg7 : memref<48x128xf32, #tpu.memory_space<vmem>>) target(%dma_start3A_52 : memref<48x128xf32, #tpu.memory_space<vmem_shared>>) target_semaphore(%run_scoped3A : memref<!tpu.dma_semaphore, #tpu.memory_space<semaphore_mem>>)
        %dma_wait3A = arith.constant 0 : i32
        %dma_wait3A_53 = tpu.memref_slice %arg4[%add3A_48, %dma_wait3A] : memref<10000x128xf32, #tpu.memory_space<vmem_shared>> -> memref<48x128xf32, #tpu.memory_space<vmem_shared>>
        %dma_wait3A_54 = arith.constant 0 : i32
        %dma_wait3A_55 = tpu.memref_slice %arg4[%add3A_48, %dma_wait3A_54] : memref<10000x128xf32, #tpu.memory_space<vmem_shared>> -> memref<48x128xf32, #tpu.memory_space<vmem_shared>>
        tpu.wait_dma2 semaphore(%run_scoped3A : memref<!tpu.dma_semaphore, #tpu.memory_space<semaphore_mem>>) src(%arg7 : memref<48x128xf32, #tpu.memory_space<vmem>>) dst(%dma_wait3A_55 : memref<48x128xf32, #tpu.memory_space<vmem_shared>>)
        tpu.yield
      }) : () -> ()
      %scan3A_49 = arith.constant 0 : i32
      scf.yield %scan3A_49 : i32
    }
    %scan3A_12 = arith.constant 13 : i32
    %eq3A = arith.constant 15 : i32
    %eq3A_13 = arith.cmpi eq, %arg1, %eq3A : i32
    %convert_element_type3A = arith.extui %eq3A_13 : i1 to i32
    %cond3A = arith.constant 0 : i32
    %cond3A_14 = arith.cmpi ne, %convert_element_type3A, %cond3A : i32
    scf.if %cond3A_14 {
      "tpu.region"() ({
        %run_scoped3A = tpu.sem_alloc : memref<!tpu.dma_semaphore, #tpu.memory_space<semaphore_mem>>
        %dma_start3A = arith.constant 0 : i32
        %dma_start3A_42 = arith.constant 0 : i32
        %dma_start3A_43 = tpu.memref_slice %arg7[%dma_start3A, %dma_start3A_42] : memref<48x128xf32, #tpu.memory_space<vmem>> -> memref<16x128xf32, #tpu.memory_space<vmem>>
        %dma_start3A_44 = arith.constant 9984 : i32
        %dma_start3A_45 = arith.constant 0 : i32
        %dma_start3A_46 = tpu.memref_slice %arg4[%dma_start3A_44, %dma_start3A_45] : memref<10000x128xf32, #tpu.memory_space<vmem_shared>> -> memref<16x128xf32, #tpu.memory_space<vmem_shared>>
        %dma_start3A_47 = arith.constant 9984 : i32
        %dma_start3A_48 = arith.constant 0 : i32
        %dma_start3A_49 = tpu.memref_slice %arg4[%dma_start3A_47, %dma_start3A_48] : memref<10000x128xf32, #tpu.memory_space<vmem_shared>> -> memref<16x128xf32, #tpu.memory_space<vmem_shared>>
        %dma_start3A_50 = arith.constant 0 : i32
        %dma_start3A_51 = arith.constant 0 : i32
        %dma_start3A_52 = tpu.memref_slice %arg7[%dma_start3A_50, %dma_start3A_51] : memref<48x128xf32, #tpu.memory_space<vmem>> -> memref<16x128xf32, #tpu.memory_space<vmem>>
        tpu.enqueue_dma source(%dma_start3A_52 : memref<16x128xf32, #tpu.memory_space<vmem>>) target(%dma_start3A_49 : memref<16x128xf32, #tpu.memory_space<vmem_shared>>) target_semaphore(%run_scoped3A : memref<!tpu.dma_semaphore, #tpu.memory_space<semaphore_mem>>)
        %dma_wait3A = arith.constant 0 : i32
        %dma_wait3A_53 = arith.constant 0 : i32
        %dma_wait3A_54 = tpu.memref_slice %arg7[%dma_wait3A, %dma_wait3A_53] : memref<48x128xf32, #tpu.memory_space<vmem>> -> memref<16x128xf32, #tpu.memory_space<vmem>>
        %dma_wait3A_55 = arith.constant 9984 : i32
        %dma_wait3A_56 = arith.constant 0 : i32
        %dma_wait3A_57 = tpu.memref_slice %arg4[%dma_wait3A_55, %dma_wait3A_56] : memref<10000x128xf32, #tpu.memory_space<vmem_shared>> -> memref<16x128xf32, #tpu.memory_space<vmem_shared>>
        %dma_wait3A_58 = arith.constant 9984 : i32
        %dma_wait3A_59 = arith.constant 0 : i32
        %dma_wait3A_60 = tpu.memref_slice %arg4[%dma_wait3A_58, %dma_wait3A_59] : memref<10000x128xf32, #tpu.memory_space<vmem_shared>> -> memref<16x128xf32, #tpu.memory_space<vmem_shared>>
        %dma_wait3A_61 = arith.constant 0 : i32
        %dma_wait3A_62 = arith.constant 0 : i32
        %dma_wait3A_63 = tpu.memref_slice %arg7[%dma_wait3A_61, %dma_wait3A_62] : memref<48x128xf32, #tpu.memory_space<vmem>> -> memref<16x128xf32, #tpu.memory_space<vmem>>
        tpu.wait_dma2 semaphore(%run_scoped3A : memref<!tpu.dma_semaphore, #tpu.memory_space<semaphore_mem>>) src(%dma_wait3A_63 : memref<16x128xf32, #tpu.memory_space<vmem>>) dst(%dma_wait3A_60 : memref<16x128xf32, #tpu.memory_space<vmem_shared>>)
        tpu.yield
      }) : () -> ()
    } else {
    }
    %scan3A_15 = arith.constant 0 : i32
    %scan3A_16 = arith.constant 0 : i32
    %scan3A_17 = arith.constant 1000 : i32
    %scan3A_18 = arith.addi %scan3A_16, %scan3A_17 : i32
    %scan3A_19 = arith.constant 1 : i32
    %scan3A_20 = scf.for %scan3A_42 = %scan3A_16 to %scan3A_18 step %scan3A_19 iter_args(%scan3A_43 = %scan3A_15) -> (i32)  : i32 {
      %broadcast_in_dim3A = arith.constant 1.000000e+00 : f32
      %broadcast_in_dim3A_44 = vector.broadcast %broadcast_in_dim3A : f32 to vector<16xf32>
      %jit3A = arith.constant 8 : i32
      %div3A = arith.divsi %scan3A_42, %jit3A : i32
      %sign3A = arith.constant 0 : i32
      %sign3A_45 = arith.cmpi sgt, %scan3A_42, %sign3A : i32
      %sign3A_46 = arith.extui %sign3A_45 : i1 to i32
      %sign3A_47 = arith.constant 0 : i32
      %sign3A_48 = arith.cmpi slt, %scan3A_42, %sign3A_47 : i32
      %sign3A_49 = arith.extui %sign3A_48 : i1 to i32
      %sign3A_50 = arith.subi %sign3A_46, %sign3A_49 : i32
      %sign3A_51 = arith.constant 0 : i32
      %sign3A_52 = arith.cmpi sgt, %jit3A, %sign3A_51 : i32
      %sign3A_53 = arith.extui %sign3A_52 : i1 to i32
      %sign3A_54 = arith.constant 0 : i32
      %sign3A_55 = arith.cmpi slt, %jit3A, %sign3A_54 : i32
      %sign3A_56 = arith.extui %sign3A_55 : i1 to i32
      %sign3A_57 = arith.subi %sign3A_53, %sign3A_56 : i32
      %ne3A = arith.cmpi ne, %sign3A_50, %sign3A_57 : i32
      %rem3A = arith.remsi %scan3A_42, %jit3A : i32
      %ne3A_58 = arith.constant 0 : i32
      %ne3A_59 = arith.cmpi ne, %rem3A, %ne3A_58 : i32
      %and3A = arith.andi %ne3A, %ne3A_59 : i1
      %sub3A = arith.constant 1 : i32
      %sub3A_60 = arith.subi %div3A, %sub3A : i32
      %select_n3A = arith.select %and3A, %sub3A_60, %div3A : i32
      %jit3A_61 = arith.constant 8 : i32
      %eq3A_62 = arith.constant 0 : i32
      %eq3A_63 = arith.cmpi eq, %jit3A_61, %eq3A_62 : i32
      %jit3A_64 = arith.constant 1 : i32
      %select_n3A_65 = arith.select %eq3A_63, %jit3A_64, %jit3A_61 : i32
      %rem3A_66 = arith.remsi %scan3A_42, %select_n3A_65 : i32
      %ne3A_67 = arith.constant 0 : i32
      %ne3A_68 = arith.cmpi ne, %rem3A_66, %ne3A_67 : i32
      %lt3A = arith.constant 0 : i32
      %lt3A_69 = arith.cmpi slt, %rem3A_66, %lt3A : i32
      %lt3A_70 = arith.constant 0 : i32
      %lt3A_71 = arith.cmpi slt, %select_n3A_65, %lt3A_70 : i32
      %ne3A_72 = arith.xori %lt3A_69, %lt3A_71 : i1
      %and3A_73 = arith.andi %ne3A_72, %ne3A_68 : i1
      %add3A_74 = arith.addi %rem3A_66, %select_n3A_65 : i32
      %select_n3A_75 = arith.select %and3A_73, %add3A_74, %rem3A_66 : i32
      %mul3A_76 = arith.constant 16 : i32
      %mul3A_77 = arith.muli %select_n3A_75, %mul3A_76 : i32
      %swap3A = arith.index_cast %select_n3A : i32 to index
      %swap3A_78 = arith.index_cast %mul3A_77 : i32 to index
      %swap3A_79 = tpu.vector_load %arg6[%swap3A, %swap3A_78] {strides = array<i32>} : memref<125x128xf32, #tpu.memory_space<vmem>>, vector<1x16xf32>,
      %swap3A_80 = vector.shape_cast %swap3A_79 : vector<1x16xf32> to vector<16xf32>
      %swap3A_81 = vector.shape_cast %broadcast_in_dim3A_44 : vector<16xf32> to vector<1x16xf32>
      tpu.vector_store %arg6[%swap3A, %swap3A_78], %swap3A_81 {strides = array<i32>} : memref<125x128xf32, #tpu.memory_space<vmem>>, vector<1x16xf32>,
      %scan3A_82 = arith.constant 0 : i32
      scf.yield %scan3A_82 : i32
    }
    %scan3A_21 = arith.constant 1000 : i32
    %barrier3A = arith.constant 0 : index
    tpu.barrier barrier_id(%barrier3A)
    %mul3A = arith.constant 16 : i32
    %mul3A_22 = arith.muli %arg0, %mul3A : i32
    %add3A = arith.addi %mul3A_22, %arg1 : i32
    %mul3A_23 = arith.constant 80 : i32
    %mul3A_24 = arith.muli %add3A, %mul3A_23 : i32
    "tpu.region"() ({
      %run_scoped3A = tpu.sem_alloc : memref<!tpu.dma_semaphore, #tpu.memory_space<semaphore_mem>>
      %dma_start3A = arith.constant 0 : i32
      %dma_start3A_42 = tpu.memref_slice %arg2[%mul3A_24, %dma_start3A] : memref<2560x125xi32, #tpu.memory_space<hbm>> -> memref<80x125xi32, #tpu.memory_space<hbm>>
      %dma_start3A_43 = arith.constant 0 : i32
      %dma_start3A_44 = tpu.memref_slice %arg2[%mul3A_24, %dma_start3A_43] : memref<2560x125xi32, #tpu.memory_space<hbm>> -> memref<80x125xi32, #tpu.memory_space<hbm>>
      tpu.enqueue_dma source(%dma_start3A_44 : memref<80x125xi32, #tpu.memory_space<hbm>>) target(%arg5 : memref<80x125xi32, #tpu.memory_space<vmem>>) target_semaphore(%run_scoped3A : memref<!tpu.dma_semaphore, #tpu.memory_space<semaphore_mem>>)
      %dma_wait3A = arith.constant 0 : i32
      %dma_wait3A_45 = tpu.memref_slice %arg2[%mul3A_24, %dma_wait3A] : memref<2560x125xi32, #tpu.memory_space<hbm>> -> memref<80x125xi32, #tpu.memory_space<hbm>>
      %dma_wait3A_46 = arith.constant 0 : i32
      %dma_wait3A_47 = tpu.memref_slice %arg2[%mul3A_24, %dma_wait3A_46] : memref<2560x125xi32, #tpu.memory_space<hbm>> -> memref<80x125xi32, #tpu.memory_space<hbm>>
      tpu.wait_dma2 semaphore(%run_scoped3A : memref<!tpu.dma_semaphore, #tpu.memory_space<semaphore_mem>>) src(%dma_wait3A_47 : memref<80x125xi32, #tpu.memory_space<hbm>>) dst(%arg5 : memref<80x125xi32, #tpu.memory_space<vmem>>)
      tpu.yield
    }) : () -> ()
    %scan3A_25 = arith.constant 0 : i32
    %scan3A_26 = arith.constant 0 : i32
    %scan3A_27 = arith.constant 10 : i32
    %scan3A_28 = arith.addi %scan3A_26, %scan3A_27 : i32
    %scan3A_29 = arith.constant 1 : i32
    %scan3A_30 = scf.for %scan3A_42 = %scan3A_26 to %scan3A_28 step %scan3A_29 iter_args(%scan3A_43 = %scan3A_25) -> (i32)  : i32 {
      %mul3A_44 = arith.constant 8 : i32
      %mul3A_45 = arith.muli %scan3A_42, %mul3A_44 : i32
      %add3A_46 = arith.constant 0 : i32
      %add3A_47 = arith.addi %mul3A_45, %add3A_46 : i32
      %dma_start3A = arith.constant 0 : i32
      %dma_start3A_48 = tpu.memref_slice %arg5[%add3A_47, %dma_start3A] : memref<80x125xi32, #tpu.memory_space<vmem>> -> memref<1x125xi32, #tpu.memory_space<vmem>>
      %dma_start3A_49 = tpu.memref_squeeze %dma_start3A_48 : memref<1x125xi32, #tpu.memory_space<vmem>> -> memref<125xi32, #tpu.memory_space<vmem>>
      %dma_start3A_50 = arith.constant 0 : i32
      %dma_start3A_51 = arith.constant 0 : i32
      %dma_start3A_52 = tpu.memref_slice %arg4[%dma_start3A_50, %dma_start3A_51] : memref<10000x128xf32, #tpu.memory_space<vmem_shared>> -> memref<10000x128xf32, #tpu.memory_space<vmem_shared>>
      tpu.enqueue_indirect_dma source(%arg6 : memref<125x128xf32, #tpu.memory_space<vmem>>) target(%dma_start3A_52 : memref<10000x128xf32, #tpu.memory_space<vmem_shared>>) offsets(%dma_start3A_49 : memref<125xi32, #tpu.memory_space<vmem>>) semaphore(%arg8 : memref<!tpu.dma_semaphore, #tpu.memory_space<semaphore_mem>>) {add = true}
      %mul3A_53 = arith.constant 8 : i32
      %mul3A_54 = arith.muli %scan3A_42, %mul3A_53 : i32
      %add3A_55 = arith.constant 1 : i32
      %add3A_56 = arith.addi %mul3A_54, %add3A_55 : i32
      %dma_start3A_57 = arith.constant 0 : i32
      %dma_start3A_58 = tpu.memref_slice %arg5[%add3A_56, %dma_start3A_57] : memref<80x125xi32, #tpu.memory_space<vmem>> -> memref<1x125xi32, #tpu.memory_space<vmem>>
      %dma_start3A_59 = tpu.memref_squeeze %dma_start3A_58 : memref<1x125xi32, #tpu.memory_space<vmem>> -> memref<125xi32, #tpu.memory_space<vmem>>
      %dma_start3A_60 = arith.constant 0 : i32
      %dma_start3A_61 = arith.constant 0 : i32
      %dma_start3A_62 = tpu.memref_slice %arg4[%dma_start3A_60, %dma_start3A_61] : memref<10000x128xf32, #tpu.memory_space<vmem_shared>> -> memref<10000x128xf32, #tpu.memory_space<vmem_shared>>
      tpu.enqueue_indirect_dma source(%arg6 : memref<125x128xf32, #tpu.memory_space<vmem>>) target(%dma_start3A_62 : memref<10000x128xf32, #tpu.memory_space<vmem_shared>>) offsets(%dma_start3A_59 : memref<125xi32, #tpu.memory_space<vmem>>) semaphore(%arg8 : memref<!tpu.dma_semaphore, #tpu.memory_space<semaphore_mem>>) {add = true}
      %mul3A_63 = arith.constant 8 : i32
      %mul3A_64 = arith.muli %scan3A_42, %mul3A_63 : i32
      %add3A_65 = arith.constant 2 : i32
      %add3A_66 = arith.addi %mul3A_64, %add3A_65 : i32
      %dma_start3A_67 = arith.constant 0 : i32
      %dma_start3A_68 = tpu.memref_slice %arg5[%add3A_66, %dma_start3A_67] : memref<80x125xi32, #tpu.memory_space<vmem>> -> memref<1x125xi32, #tpu.memory_space<vmem>>
      %dma_start3A_69 = tpu.memref_squeeze %dma_start3A_68 : memref<1x125xi32, #tpu.memory_space<vmem>> -> memref<125xi32, #tpu.memory_space<vmem>>
      %dma_start3A_70 = arith.constant 0 : i32
      %dma_start3A_71 = arith.constant 0 : i32
      %dma_start3A_72 = tpu.memref_slice %arg4[%dma_start3A_70, %dma_start3A_71] : memref<10000x128xf32, #tpu.memory_space<vmem_shared>> -> memref<10000x128xf32, #tpu.memory_space<vmem_shared>>
      tpu.enqueue_indirect_dma source(%arg6 : memref<125x128xf32, #tpu.memory_space<vmem>>) target(%dma_start3A_72 : memref<10000x128xf32, #tpu.memory_space<vmem_shared>>) offsets(%dma_start3A_69 : memref<125xi32, #tpu.memory_space<vmem>>) semaphore(%arg8 : memref<!tpu.dma_semaphore, #tpu.memory_space<semaphore_mem>>) {add = true}
      %mul3A_73 = arith.constant 8 : i32
      %mul3A_74 = arith.muli %scan3A_42, %mul3A_73 : i32
      %add3A_75 = arith.constant 3 : i32
      %add3A_76 = arith.addi %mul3A_74, %add3A_75 : i32
      %dma_start3A_77 = arith.constant 0 : i32
      %dma_start3A_78 = tpu.memref_slice %arg5[%add3A_76, %dma_start3A_77] : memref<80x125xi32, #tpu.memory_space<vmem>> -> memref<1x125xi32, #tpu.memory_space<vmem>>
      %dma_start3A_79 = tpu.memref_squeeze %dma_start3A_78 : memref<1x125xi32, #tpu.memory_space<vmem>> -> memref<125xi32, #tpu.memory_space<vmem>>
      %dma_start3A_80 = arith.constant 0 : i32
      %dma_start3A_81 = arith.constant 0 : i32
      %dma_start3A_82 = tpu.memref_slice %arg4[%dma_start3A_80, %dma_start3A_81] : memref<10000x128xf32, #tpu.memory_space<vmem_shared>> -> memref<10000x128xf32, #tpu.memory_space<vmem_shared>>
      tpu.enqueue_indirect_dma source(%arg6 : memref<125x128xf32, #tpu.memory_space<vmem>>) target(%dma_start3A_82 : memref<10000x128xf32, #tpu.memory_space<vmem_shared>>) offsets(%dma_start3A_79 : memref<125xi32, #tpu.memory_space<vmem>>) semaphore(%arg8 : memref<!tpu.dma_semaphore, #tpu.memory_space<semaphore_mem>>) {add = true}
      %mul3A_83 = arith.constant 8 : i32
      %mul3A_84 = arith.muli %scan3A_42, %mul3A_83 : i32
      %add3A_85 = arith.constant 4 : i32
      %add3A_86 = arith.addi %mul3A_84, %add3A_85 : i32
      %dma_start3A_87 = arith.constant 0 : i32
      %dma_start3A_88 = tpu.memref_slice %arg5[%add3A_86, %dma_start3A_87] : memref<80x125xi32, #tpu.memory_space<vmem>> -> memref<1x125xi32, #tpu.memory_space<vmem>>
      %dma_start3A_89 = tpu.memref_squeeze %dma_start3A_88 : memref<1x125xi32, #tpu.memory_space<vmem>> -> memref<125xi32, #tpu.memory_space<vmem>>
      %dma_start3A_90 = arith.constant 0 : i32
      %dma_start3A_91 = arith.constant 0 : i32
      %dma_start3A_92 = tpu.memref_slice %arg4[%dma_start3A_90, %dma_start3A_91] : memref<10000x128xf32, #tpu.memory_space<vmem_shared>> -> memref<10000x128xf32, #tpu.memory_space<vmem_shared>>
      tpu.enqueue_indirect_dma source(%arg6 : memref<125x128xf32, #tpu.memory_space<vmem>>) target(%dma_start3A_92 : memref<10000x128xf32, #tpu.memory_space<vmem_shared>>) offsets(%dma_start3A_89 : memref<125xi32, #tpu.memory_space<vmem>>) semaphore(%arg8 : memref<!tpu.dma_semaphore, #tpu.memory_space<semaphore_mem>>) {add = true}
      %mul3A_93 = arith.constant 8 : i32
      %mul3A_94 = arith.muli %scan3A_42, %mul3A_93 : i32
      %add3A_95 = arith.constant 5 : i32
      %add3A_96 = arith.addi %mul3A_94, %add3A_95 : i32
      %dma_start3A_97 = arith.constant 0 : i32
      %dma_start3A_98 = tpu.memref_slice %arg5[%add3A_96, %dma_start3A_97] : memref<80x125xi32, #tpu.memory_space<vmem>> -> memref<1x125xi32, #tpu.memory_space<vmem>>
      %dma_start3A_99 = tpu.memref_squeeze %dma_start3A_98 : memref<1x125xi32, #tpu.memory_space<vmem>> -> memref<125xi32, #tpu.memory_space<vmem>>
      %dma_start3A_100 = arith.constant 0 : i32
      %dma_start3A_101 = arith.constant 0 : i32
      %dma_start3A_102 = tpu.memref_slice %arg4[%dma_start3A_100, %dma_start3A_101] : memref<10000x128xf32, #tpu.memory_space<vmem_shared>> -> memref<10000x128xf32, #tpu.memory_space<vmem_shared>>
      tpu.enqueue_indirect_dma source(%arg6 : memref<125x128xf32, #tpu.memory_space<vmem>>) target(%dma_start3A_102 : memref<10000x128xf32, #tpu.memory_space<vmem_shared>>) offsets(%dma_start3A_99 : memref<125xi32, #tpu.memory_space<vmem>>) semaphore(%arg8 : memref<!tpu.dma_semaphore, #tpu.memory_space<semaphore_mem>>) {add = true}
      %mul3A_103 = arith.constant 8 : i32
      %mul3A_104 = arith.muli %scan3A_42, %mul3A_103 : i32
      %add3A_105 = arith.constant 6 : i32
      %add3A_106 = arith.addi %mul3A_104, %add3A_105 : i32
      %dma_start3A_107 = arith.constant 0 : i32
      %dma_start3A_108 = tpu.memref_slice %arg5[%add3A_106, %dma_start3A_107] : memref<80x125xi32, #tpu.memory_space<vmem>> -> memref<1x125xi32, #tpu.memory_space<vmem>>
      %dma_start3A_109 = tpu.memref_squeeze %dma_start3A_108 : memref<1x125xi32, #tpu.memory_space<vmem>> -> memref<125xi32, #tpu.memory_space<vmem>>
      %dma_start3A_110 = arith.constant 0 : i32
      %dma_start3A_111 = arith.constant 0 : i32
      %dma_start3A_112 = tpu.memref_slice %arg4[%dma_start3A_110, %dma_start3A_111] : memref<10000x128xf32, #tpu.memory_space<vmem_shared>> -> memref<10000x128xf32, #tpu.memory_space<vmem_shared>>
      tpu.enqueue_indirect_dma source(%arg6 : memref<125x128xf32, #tpu.memory_space<vmem>>) target(%dma_start3A_112 : memref<10000x128xf32, #tpu.memory_space<vmem_shared>>) offsets(%dma_start3A_109 : memref<125xi32, #tpu.memory_space<vmem>>) semaphore(%arg8 : memref<!tpu.dma_semaphore, #tpu.memory_space<semaphore_mem>>) {add = true}
      %mul3A_113 = arith.constant 8 : i32
      %mul3A_114 = arith.muli %scan3A_42, %mul3A_113 : i32
      %add3A_115 = arith.constant 7 : i32
      %add3A_116 = arith.addi %mul3A_114, %add3A_115 : i32
      %dma_start3A_117 = arith.constant 0 : i32
      %dma_start3A_118 = tpu.memref_slice %arg5[%add3A_116, %dma_start3A_117] : memref<80x125xi32, #tpu.memory_space<vmem>> -> memref<1x125xi32, #tpu.memory_space<vmem>>
      %dma_start3A_119 = tpu.memref_squeeze %dma_start3A_118 : memref<1x125xi32, #tpu.memory_space<vmem>> -> memref<125xi32, #tpu.memory_space<vmem>>
      %dma_start3A_120 = arith.constant 0 : i32
      %dma_start3A_121 = arith.constant 0 : i32
      %dma_start3A_122 = tpu.memref_slice %arg4[%dma_start3A_120, %dma_start3A_121] : memref<10000x128xf32, #tpu.memory_space<vmem_shared>> -> memref<10000x128xf32, #tpu.memory_space<vmem_shared>>
      tpu.enqueue_indirect_dma source(%arg6 : memref<125x128xf32, #tpu.memory_space<vmem>>) target(%dma_start3A_122 : memref<10000x128xf32, #tpu.memory_space<vmem_shared>>) offsets(%dma_start3A_119 : memref<125xi32, #tpu.memory_space<vmem>>) semaphore(%arg8 : memref<!tpu.dma_semaphore, #tpu.memory_space<semaphore_mem>>) {add = true}
      %mul3A_123 = arith.constant 8 : i32
      %mul3A_124 = arith.muli %scan3A_42, %mul3A_123 : i32
      %add3A_125 = arith.constant 0 : i32
      %add3A_126 = arith.addi %mul3A_124, %add3A_125 : i32
      %dma_wait3A = arith.constant 0 : i32
      %dma_wait3A_127 = tpu.memref_slice %arg5[%add3A_126, %dma_wait3A] : memref<80x125xi32, #tpu.memory_space<vmem>> -> memref<1x125xi32, #tpu.memory_space<vmem>>
      %dma_wait3A_128 = tpu.memref_squeeze %dma_wait3A_127 : memref<1x125xi32, #tpu.memory_space<vmem>> -> memref<125xi32, #tpu.memory_space<vmem>>
      %dma_wait3A_129 = arith.constant 0 : i32
      %dma_wait3A_130 = arith.constant 0 : i32
      %dma_wait3A_131 = tpu.memref_slice %arg4[%dma_wait3A_129, %dma_wait3A_130] : memref<10000x128xf32, #tpu.memory_space<vmem_shared>> -> memref<10000x128xf32, #tpu.memory_space<vmem_shared>>
      tpu.wait_indirect_dma semaphore(%arg8 : memref<!tpu.dma_semaphore, #tpu.memory_space<semaphore_mem>>) src(%arg6 : memref<125x128xf32, #tpu.memory_space<vmem>>) dst(%dma_wait3A_131 : memref<10000x128xf32, #tpu.memory_space<vmem_shared>>)
      %mul3A_132 = arith.constant 8 : i32
      %mul3A_133 = arith.muli %scan3A_42, %mul3A_132 : i32
      %add3A_134 = arith.constant 1 : i32
      %add3A_135 = arith.addi %mul3A_133, %add3A_134 : i32
      %dma_wait3A_136 = arith.constant 0 : i32
      %dma_wait3A_137 = tpu.memref_slice %arg5[%add3A_135, %dma_wait3A_136] : memref<80x125xi32, #tpu.memory_space<vmem>> -> memref<1x125xi32, #tpu.memory_space<vmem>>
      %dma_wait3A_138 = tpu.memref_squeeze %dma_wait3A_137 : memref<1x125xi32, #tpu.memory_space<vmem>> -> memref<125xi32, #tpu.memory_space<vmem>>
      %dma_wait3A_139 = arith.constant 0 : i32
      %dma_wait3A_140 = arith.constant 0 : i32
      %dma_wait3A_141 = tpu.memref_slice %arg4[%dma_wait3A_139, %dma_wait3A_140] : memref<10000x128xf32, #tpu.memory_space<vmem_shared>> -> memref<10000x128xf32, #tpu.memory_space<vmem_shared>>
      tpu.wait_indirect_dma semaphore(%arg8 : memref<!tpu.dma_semaphore, #tpu.memory_space<semaphore_mem>>) src(%arg6 : memref<125x128xf32, #tpu.memory_space<vmem>>) dst(%dma_wait3A_141 : memref<10000x128xf32, #tpu.memory_space<vmem_shared>>)
      %mul3A_142 = arith.constant 8 : i32
      %mul3A_143 = arith.muli %scan3A_42, %mul3A_142 : i32
      %add3A_144 = arith.constant 2 : i32
      %add3A_145 = arith.addi %mul3A_143, %add3A_144 : i32
      %dma_wait3A_146 = arith.constant 0 : i32
      %dma_wait3A_147 = tpu.memref_slice %arg5[%add3A_145, %dma_wait3A_146] : memref<80x125xi32, #tpu.memory_space<vmem>> -> memref<1x125xi32, #tpu.memory_space<vmem>>
      %dma_wait3A_148 = tpu.memref_squeeze %dma_wait3A_147 : memref<1x125xi32, #tpu.memory_space<vmem>> -> memref<125xi32, #tpu.memory_space<vmem>>
      %dma_wait3A_149 = arith.constant 0 : i32
      %dma_wait3A_150 = arith.constant 0 : i32
      %dma_wait3A_151 = tpu.memref_slice %arg4[%dma_wait3A_149, %dma_wait3A_150] : memref<10000x128xf32, #tpu.memory_space<vmem_shared>> -> memref<10000x128xf32, #tpu.memory_space<vmem_shared>>
      tpu.wait_indirect_dma semaphore(%arg8 : memref<!tpu.dma_semaphore, #tpu.memory_space<semaphore_mem>>) src(%arg6 : memref<125x128xf32, #tpu.memory_space<vmem>>) dst(%dma_wait3A_151 : memref<10000x128xf32, #tpu.memory_space<vmem_shared>>)
      %mul3A_152 = arith.constant 8 : i32
      %mul3A_153 = arith.muli %scan3A_42, %mul3A_152 : i32
      %add3A_154 = arith.constant 3 : i32
      %add3A_155 = arith.addi %mul3A_153, %add3A_154 : i32
      %dma_wait3A_156 = arith.constant 0 : i32
      %dma_wait3A_157 = tpu.memref_slice %arg5[%add3A_155, %dma_wait3A_156] : memref<80x125xi32, #tpu.memory_space<vmem>> -> memref<1x125xi32, #tpu.memory_space<vmem>>
      %dma_wait3A_158 = tpu.memref_squeeze %dma_wait3A_157 : memref<1x125xi32, #tpu.memory_space<vmem>> -> memref<125xi32, #tpu.memory_space<vmem>>
      %dma_wait3A_159 = arith.constant 0 : i32
      %dma_wait3A_160 = arith.constant 0 : i32
      %dma_wait3A_161 = tpu.memref_slice %arg4[%dma_wait3A_159, %dma_wait3A_160] : memref<10000x128xf32, #tpu.memory_space<vmem_shared>> -> memref<10000x128xf32, #tpu.memory_space<vmem_shared>>
      tpu.wait_indirect_dma semaphore(%arg8 : memref<!tpu.dma_semaphore, #tpu.memory_space<semaphore_mem>>) src(%arg6 : memref<125x128xf32, #tpu.memory_space<vmem>>) dst(%dma_wait3A_161 : memref<10000x128xf32, #tpu.memory_space<vmem_shared>>)
      %mul3A_162 = arith.constant 8 : i32
      %mul3A_163 = arith.muli %scan3A_42, %mul3A_162 : i32
      %add3A_164 = arith.constant 4 : i32
      %add3A_165 = arith.addi %mul3A_163, %add3A_164 : i32
      %dma_wait3A_166 = arith.constant 0 : i32
      %dma_wait3A_167 = tpu.memref_slice %arg5[%add3A_165, %dma_wait3A_166] : memref<80x125xi32, #tpu.memory_space<vmem>> -> memref<1x125xi32, #tpu.memory_space<vmem>>
      %dma_wait3A_168 = tpu.memref_squeeze %dma_wait3A_167 : memref<1x125xi32, #tpu.memory_space<vmem>> -> memref<125xi32, #tpu.memory_space<vmem>>
      %dma_wait3A_169 = arith.constant 0 : i32
      %dma_wait3A_170 = arith.constant 0 : i32
      %dma_wait3A_171 = tpu.memref_slice %arg4[%dma_wait3A_169, %dma_wait3A_170] : memref<10000x128xf32, #tpu.memory_space<vmem_shared>> -> memref<10000x128xf32, #tpu.memory_space<vmem_shared>>
      tpu.wait_indirect_dma semaphore(%arg8 : memref<!tpu.dma_semaphore, #tpu.memory_space<semaphore_mem>>) src(%arg6 : memref<125x128xf32, #tpu.memory_space<vmem>>) dst(%dma_wait3A_171 : memref<10000x128xf32, #tpu.memory_space<vmem_shared>>)
      %mul3A_172 = arith.constant 8 : i32
      %mul3A_173 = arith.muli %scan3A_42, %mul3A_172 : i32
      %add3A_174 = arith.constant 5 : i32
      %add3A_175 = arith.addi %mul3A_173, %add3A_174 : i32
      %dma_wait3A_176 = arith.constant 0 : i32
      %dma_wait3A_177 = tpu.memref_slice %arg5[%add3A_175, %dma_wait3A_176] : memref<80x125xi32, #tpu.memory_space<vmem>> -> memref<1x125xi32, #tpu.memory_space<vmem>>
      %dma_wait3A_178 = tpu.memref_squeeze %dma_wait3A_177 : memref<1x125xi32, #tpu.memory_space<vmem>> -> memref<125xi32, #tpu.memory_space<vmem>>
      %dma_wait3A_179 = arith.constant 0 : i32
      %dma_wait3A_180 = arith.constant 0 : i32
      %dma_wait3A_181 = tpu.memref_slice %arg4[%dma_wait3A_179, %dma_wait3A_180] : memref<10000x128xf32, #tpu.memory_space<vmem_shared>> -> memref<10000x128xf32, #tpu.memory_space<vmem_shared>>
      tpu.wait_indirect_dma semaphore(%arg8 : memref<!tpu.dma_semaphore, #tpu.memory_space<semaphore_mem>>) src(%arg6 : memref<125x128xf32, #tpu.memory_space<vmem>>) dst(%dma_wait3A_181 : memref<10000x128xf32, #tpu.memory_space<vmem_shared>>)
      %mul3A_182 = arith.constant 8 : i32
      %mul3A_183 = arith.muli %scan3A_42, %mul3A_182 : i32
      %add3A_184 = arith.constant 6 : i32
      %add3A_185 = arith.addi %mul3A_183, %add3A_184 : i32
      %dma_wait3A_186 = arith.constant 0 : i32
      %dma_wait3A_187 = tpu.memref_slice %arg5[%add3A_185, %dma_wait3A_186] : memref<80x125xi32, #tpu.memory_space<vmem>> -> memref<1x125xi32, #tpu.memory_space<vmem>>
      %dma_wait3A_188 = tpu.memref_squeeze %dma_wait3A_187 : memref<1x125xi32, #tpu.memory_space<vmem>> -> memref<125xi32, #tpu.memory_space<vmem>>
      %dma_wait3A_189 = arith.constant 0 : i32
      %dma_wait3A_190 = arith.constant 0 : i32
      %dma_wait3A_191 = tpu.memref_slice %arg4[%dma_wait3A_189, %dma_wait3A_190] : memref<10000x128xf32, #tpu.memory_space<vmem_shared>> -> memref<10000x128xf32, #tpu.memory_space<vmem_shared>>
      tpu.wait_indirect_dma semaphore(%arg8 : memref<!tpu.dma_semaphore, #tpu.memory_space<semaphore_mem>>) src(%arg6 : memref<125x128xf32, #tpu.memory_space<vmem>>) dst(%dma_wait3A_191 : memref<10000x128xf32, #tpu.memory_space<vmem_shared>>)
      %mul3A_192 = arith.constant 8 : i32
      %mul3A_193 = arith.muli %scan3A_42, %mul3A_192 : i32
      %add3A_194 = arith.constant 7 : i32
      %add3A_195 = arith.addi %mul3A_193, %add3A_194 : i32
      %dma_wait3A_196 = arith.constant 0 : i32
      %dma_wait3A_197 = tpu.memref_slice %arg5[%add3A_195, %dma_wait3A_196] : memref<80x125xi32, #tpu.memory_space<vmem>> -> memref<1x125xi32, #tpu.memory_space<vmem>>
      %dma_wait3A_198 = tpu.memref_squeeze %dma_wait3A_197 : memref<1x125xi32, #tpu.memory_space<vmem>> -> memref<125xi32, #tpu.memory_space<vmem>>
      %dma_wait3A_199 = arith.constant 0 : i32
      %dma_wait3A_200 = arith.constant 0 : i32
      %dma_wait3A_201 = tpu.memref_slice %arg4[%dma_wait3A_199, %dma_wait3A_200] : memref<10000x128xf32, #tpu.memory_space<vmem_shared>> -> memref<10000x128xf32, #tpu.memory_space<vmem_shared>>
      tpu.wait_indirect_dma semaphore(%arg8 : memref<!tpu.dma_semaphore, #tpu.memory_space<semaphore_mem>>) src(%arg6 : memref<125x128xf32, #tpu.memory_space<vmem>>) dst(%dma_wait3A_201 : memref<10000x128xf32, #tpu.memory_space<vmem_shared>>)
      %scan3A_202 = arith.constant 0 : i32
      scf.yield %scan3A_202 : i32
    }
    %scan3A_31 = arith.constant 10 : i32
    %barrier3A_32 = arith.constant 0 : index
    tpu.barrier barrier_id(%barrier3A_32)
    %mul3A_33 = arith.constant 624 : i32
    %mul3A_34 = arith.muli %arg1, %mul3A_33 : i32
    %mul3A_35 = arith.constant 624 : i32
    %mul3A_36 = arith.muli %arg1, %mul3A_35 : i32
    "tpu.region"() ({
      %run_scoped3A = tpu.sem_alloc : memref<!tpu.dma_semaphore, #tpu.memory_space<semaphore_mem>>
      %dma_start3A = arith.constant 0 : i32
      %dma_start3A_42 = tpu.memref_slice %arg3[%arg0, %mul3A_36, %dma_start3A] : memref<2x10000x128xf32, #tpu.memory_space<hbm>> -> memref<1x624x128xf32, #tpu.memory_space<hbm>>
      %dma_start3A_43 = tpu.memref_squeeze %dma_start3A_42 : memref<1x624x128xf32, #tpu.memory_space<hbm>> -> memref<624x128xf32, #tpu.memory_space<hbm>>
      %dma_start3A_44 = arith.constant 0 : i32
      %dma_start3A_45 = tpu.memref_slice %arg4[%mul3A_34, %dma_start3A_44] : memref<10000x128xf32, #tpu.memory_space<vmem_shared>> -> memref<624x128xf32, #tpu.memory_space<vmem_shared>>
      tpu.enqueue_dma source(%dma_start3A_45 : memref<624x128xf32, #tpu.memory_space<vmem_shared>>) target(%dma_start3A_43 : memref<624x128xf32, #tpu.memory_space<hbm>>) target_semaphore(%run_scoped3A : memref<!tpu.dma_semaphore, #tpu.memory_space<semaphore_mem>>)
      %dma_wait3A = arith.constant 0 : i32
      %dma_wait3A_46 = tpu.memref_slice %arg3[%arg0, %mul3A_36, %dma_wait3A] : memref<2x10000x128xf32, #tpu.memory_space<hbm>> -> memref<1x624x128xf32, #tpu.memory_space<hbm>>
      %dma_wait3A_47 = tpu.memref_squeeze %dma_wait3A_46 : memref<1x624x128xf32, #tpu.memory_space<hbm>> -> memref<624x128xf32, #tpu.memory_space<hbm>>
      %dma_wait3A_48 = arith.constant 0 : i32
      %dma_wait3A_49 = tpu.memref_slice %arg4[%mul3A_34, %dma_wait3A_48] : memref<10000x128xf32, #tpu.memory_space<vmem_shared>> -> memref<624x128xf32, #tpu.memory_space<vmem_shared>>
      tpu.wait_dma2 semaphore(%run_scoped3A : memref<!tpu.dma_semaphore, #tpu.memory_space<semaphore_mem>>) src(%dma_wait3A_49 : memref<624x128xf32, #tpu.memory_space<vmem_shared>>) dst(%dma_wait3A_47 : memref<624x128xf32, #tpu.memory_space<hbm>>)
      tpu.yield
    }) : () -> ()
    %eq3A_37 = arith.constant 15 : i32
    %eq3A_38 = arith.cmpi eq, %arg1, %eq3A_37 : i32
    %convert_element_type3A_39 = arith.extui %eq3A_38 : i1 to i32
    %cond3A_40 = arith.constant 0 : i32
    %cond3A_41 = arith.cmpi ne, %convert_element_type3A_39, %cond3A_40 : i32
    scf.if %cond3A_41 {
      "tpu.region"() ({
        %run_scoped3A = tpu.sem_alloc : memref<!tpu.dma_semaphore, #tpu.memory_space<semaphore_mem>>
        %dma_start3A = arith.constant 9984 : i32
        %dma_start3A_42 = arith.constant 0 : i32
        %dma_start3A_43 = tpu.memref_slice %arg3[%arg0, %dma_start3A, %dma_start3A_42] : memref<2x10000x128xf32, #tpu.memory_space<hbm>> -> memref<1x16x128xf32, #tpu.memory_space<hbm>>
        %dma_start3A_44 = tpu.memref_squeeze %dma_start3A_43 : memref<1x16x128xf32, #tpu.memory_space<hbm>> -> memref<16x128xf32, #tpu.memory_space<hbm>>
        %dma_start3A_45 = arith.constant 9984 : i32
        %dma_start3A_46 = arith.constant 0 : i32
        %dma_start3A_47 = tpu.memref_slice %arg4[%dma_start3A_45, %dma_start3A_46] : memref<10000x128xf32, #tpu.memory_space<vmem_shared>> -> memref<16x128xf32, #tpu.memory_space<vmem_shared>>
        tpu.enqueue_dma source(%dma_start3A_47 : memref<16x128xf32, #tpu.memory_space<vmem_shared>>) target(%dma_start3A_44 : memref<16x128xf32, #tpu.memory_space<hbm>>) target_semaphore(%run_scoped3A : memref<!tpu.dma_semaphore, #tpu.memory_space<semaphore_mem>>)
        %dma_wait3A = arith.constant 9984 : i32
        %dma_wait3A_48 = arith.constant 0 : i32
        %dma_wait3A_49 = tpu.memref_slice %arg3[%arg0, %dma_wait3A, %dma_wait3A_48] : memref<2x10000x128xf32, #tpu.memory_space<hbm>> -> memref<1x16x128xf32, #tpu.memory_space<hbm>>
        %dma_wait3A_50 = tpu.memref_squeeze %dma_wait3A_49 : memref<1x16x128xf32, #tpu.memory_space<hbm>> -> memref<16x128xf32, #tpu.memory_space<hbm>>
        %dma_wait3A_51 = arith.constant 9984 : i32
        %dma_wait3A_52 = arith.constant 0 : i32
        %dma_wait3A_53 = tpu.memref_slice %arg4[%dma_wait3A_51, %dma_wait3A_52] : memref<10000x128xf32, #tpu.memory_space<vmem_shared>> -> memref<16x128xf32, #tpu.memory_space<vmem_shared>>
        tpu.wait_dma2 semaphore(%run_scoped3A : memref<!tpu.dma_semaphore, #tpu.memory_space<semaphore_mem>>) src(%dma_wait3A_53 : memref<16x128xf32, #tpu.memory_space<vmem_shared>>) dst(%dma_wait3A_50 : memref<16x128xf32, #tpu.memory_space<hbm>>)
        tpu.yield
      }) : () -> ()
    } else {
    }
    return
  }
}

#map = affine_map<(d0, d1) -> (0, 0)>
#map1 = affine_map<(d0, d1) -> (0, 0, 0)>
module attributes {stable_mosaic.version = 14 : i64} {
  func.func @_agg_body(%arg0: i32, %arg1: i32, %arg2: memref<10000x128xf32, #tpu.memory_space<hbm>>, %arg3: memref<2560x125xi32, #tpu.memory_space<hbm>>, %arg4: memref<2560x125xi32, #tpu.memory_space<hbm>>, %arg5: memref<2x10000x128xf32, #tpu.memory_space<hbm>>, %arg6: memref<10000x128xf32, #tpu.memory_space<vmem_shared>>, %arg7: memref<40x125xi32, #tpu.memory_space<vmem>>, %arg8: memref<40x125xi32, #tpu.memory_space<vmem>>, %arg9: memref<125x128xf32, #tpu.memory_space<vmem>>, %arg10: memref<125x128xf32, #tpu.memory_space<vmem>>, %arg11: memref<!tpu.dma_semaphore, #tpu.memory_space<semaphore_mem>>, %arg12: memref<!tpu.dma_semaphore, #tpu.memory_space<semaphore_mem>>) attributes {dimension_semantics = [#tpu.dimension_semantics<core_parallel>, #tpu.dimension_semantics<subcore_parallel>], iteration_bounds = array<i64: 2, 16>, scalar_prefetch = 0 : i64, scratch_operands = 7 : i64, tpu.core_type = #tpu.core_type<sc_vector_subcore>, window_params = [{transform_indices = #map}, {transform_indices = #map}, {transform_indices = #map}, {transform_indices = #map1}]} {
    %scan3A = arith.constant 0 : i32
    %scan3A_0 = arith.constant 0 : i32
    %scan3A_1 = arith.constant 384 : i32
    %scan3A_2 = arith.addi %scan3A_0, %scan3A_1 : i32
    %scan3A_3 = arith.constant 1 : i32
    %scan3A_4 = scf.for %scan3A_77 = %scan3A_0 to %scan3A_2 step %scan3A_3 iter_args(%scan3A_78 = %scan3A) -> (i32)  : i32 {
      %broadcast_in_dim3A = arith.constant 0.000000e+00 : f32
      %broadcast_in_dim3A_79 = vector.broadcast %broadcast_in_dim3A : f32 to vector<16xf32>
      %jit3A = arith.constant 8 : i32
      %div3A = arith.divsi %scan3A_77, %jit3A : i32
      %sign3A = arith.constant 0 : i32
      %sign3A_80 = arith.cmpi sgt, %scan3A_77, %sign3A : i32
      %sign3A_81 = arith.extui %sign3A_80 : i1 to i32
      %sign3A_82 = arith.constant 0 : i32
      %sign3A_83 = arith.cmpi slt, %scan3A_77, %sign3A_82 : i32
      %sign3A_84 = arith.extui %sign3A_83 : i1 to i32
      %sign3A_85 = arith.subi %sign3A_81, %sign3A_84 : i32
      %sign3A_86 = arith.constant 0 : i32
      %sign3A_87 = arith.cmpi sgt, %jit3A, %sign3A_86 : i32
      %sign3A_88 = arith.extui %sign3A_87 : i1 to i32
      %sign3A_89 = arith.constant 0 : i32
      %sign3A_90 = arith.cmpi slt, %jit3A, %sign3A_89 : i32
      %sign3A_91 = arith.extui %sign3A_90 : i1 to i32
      %sign3A_92 = arith.subi %sign3A_88, %sign3A_91 : i32
      %ne3A = arith.cmpi ne, %sign3A_85, %sign3A_92 : i32
      %rem3A = arith.remsi %scan3A_77, %jit3A : i32
      %ne3A_93 = arith.constant 0 : i32
      %ne3A_94 = arith.cmpi ne, %rem3A, %ne3A_93 : i32
      %and3A = arith.andi %ne3A, %ne3A_94 : i1
      %sub3A = arith.constant 1 : i32
      %sub3A_95 = arith.subi %div3A, %sub3A : i32
      %select_n3A = arith.select %and3A, %sub3A_95, %div3A : i32
      %jit3A_96 = arith.constant 8 : i32
      %eq3A_97 = arith.constant 0 : i32
      %eq3A_98 = arith.cmpi eq, %jit3A_96, %eq3A_97 : i32
      %jit3A_99 = arith.constant 1 : i32
      %select_n3A_100 = arith.select %eq3A_98, %jit3A_99, %jit3A_96 : i32
      %rem3A_101 = arith.remsi %scan3A_77, %select_n3A_100 : i32
      %ne3A_102 = arith.constant 0 : i32
      %ne3A_103 = arith.cmpi ne, %rem3A_101, %ne3A_102 : i32
      %lt3A = arith.constant 0 : i32
      %lt3A_104 = arith.cmpi slt, %rem3A_101, %lt3A : i32
      %lt3A_105 = arith.constant 0 : i32
      %lt3A_106 = arith.cmpi slt, %select_n3A_100, %lt3A_105 : i32
      %ne3A_107 = arith.xori %lt3A_104, %lt3A_106 : i1
      %and3A_108 = arith.andi %ne3A_107, %ne3A_103 : i1
      %add3A_109 = arith.addi %rem3A_101, %select_n3A_100 : i32
      %select_n3A_110 = arith.select %and3A_108, %add3A_109, %rem3A_101 : i32
      %mul3A_111 = arith.constant 16 : i32
      %mul3A_112 = arith.muli %select_n3A_110, %mul3A_111 : i32
      %swap3A = arith.index_cast %select_n3A : i32 to index
      %swap3A_113 = arith.index_cast %mul3A_112 : i32 to index
      %swap3A_114 = tpu.vector_load %arg9[%swap3A, %swap3A_113] {strides = array<i32>} : memref<125x128xf32, #tpu.memory_space<vmem>>, vector<1x16xf32>,
      %swap3A_115 = vector.shape_cast %swap3A_114 : vector<1x16xf32> to vector<16xf32>
      %swap3A_116 = vector.shape_cast %broadcast_in_dim3A_79 : vector<16xf32> to vector<1x16xf32>
      tpu.vector_store %arg9[%swap3A, %swap3A_113], %swap3A_116 {strides = array<i32>} : memref<125x128xf32, #tpu.memory_space<vmem>>, vector<1x16xf32>,
      %scan3A_117 = arith.constant 0 : i32
      scf.yield %scan3A_117 : i32
    }
    %scan3A_5 = arith.constant 384 : i32
    %scan3A_6 = arith.constant 0 : i32
    %scan3A_7 = arith.constant 0 : i32
    %scan3A_8 = arith.constant 13 : i32
    %scan3A_9 = arith.addi %scan3A_7, %scan3A_8 : i32
    %scan3A_10 = arith.constant 1 : i32
    %scan3A_11 = scf.for %scan3A_77 = %scan3A_7 to %scan3A_9 step %scan3A_10 iter_args(%scan3A_78 = %scan3A_6) -> (i32)  : i32 {
      %mul3A_79 = arith.constant 624 : i32
      %mul3A_80 = arith.muli %arg1, %mul3A_79 : i32
      %mul3A_81 = arith.constant 48 : i32
      %mul3A_82 = arith.muli %scan3A_77, %mul3A_81 : i32
      %add3A_83 = arith.addi %mul3A_80, %mul3A_82 : i32
      "tpu.region"() ({
        %run_scoped3A = tpu.sem_alloc : memref<!tpu.dma_semaphore, #tpu.memory_space<semaphore_mem>>
        %dma_start3A_85 = arith.constant 0 : i32
        %dma_start3A_86 = arith.constant 0 : i32
        %dma_start3A_87 = tpu.memref_slice %arg9[%dma_start3A_85, %dma_start3A_86] : memref<125x128xf32, #tpu.memory_space<vmem>> -> memref<48x128xf32, #tpu.memory_space<vmem>>
        %dma_start3A_88 = arith.constant 0 : i32
        %dma_start3A_89 = tpu.memref_slice %arg6[%add3A_83, %dma_start3A_88] : memref<10000x128xf32, #tpu.memory_space<vmem_shared>> -> memref<48x128xf32, #tpu.memory_space<vmem_shared>>
        %dma_start3A_90 = arith.constant 0 : i32
        %dma_start3A_91 = tpu.memref_slice %arg6[%add3A_83, %dma_start3A_90] : memref<10000x128xf32, #tpu.memory_space<vmem_shared>> -> memref<48x128xf32, #tpu.memory_space<vmem_shared>>
        %dma_start3A_92 = arith.constant 0 : i32
        %dma_start3A_93 = arith.constant 0 : i32
        %dma_start3A_94 = tpu.memref_slice %arg9[%dma_start3A_92, %dma_start3A_93] : memref<125x128xf32, #tpu.memory_space<vmem>> -> memref<48x128xf32, #tpu.memory_space<vmem>>
        tpu.enqueue_dma source(%dma_start3A_94 : memref<48x128xf32, #tpu.memory_space<vmem>>) target(%dma_start3A_91 : memref<48x128xf32, #tpu.memory_space<vmem_shared>>) target_semaphore(%run_scoped3A : memref<!tpu.dma_semaphore, #tpu.memory_space<semaphore_mem>>)
        %dma_wait3A = arith.constant 0 : i32
        %dma_wait3A_95 = arith.constant 0 : i32
        %dma_wait3A_96 = tpu.memref_slice %arg9[%dma_wait3A, %dma_wait3A_95] : memref<125x128xf32, #tpu.memory_space<vmem>> -> memref<48x128xf32, #tpu.memory_space<vmem>>
        %dma_wait3A_97 = arith.constant 0 : i32
        %dma_wait3A_98 = tpu.memref_slice %arg6[%add3A_83, %dma_wait3A_97] : memref<10000x128xf32, #tpu.memory_space<vmem_shared>> -> memref<48x128xf32, #tpu.memory_space<vmem_shared>>
        %dma_wait3A_99 = arith.constant 0 : i32
        %dma_wait3A_100 = tpu.memref_slice %arg6[%add3A_83, %dma_wait3A_99] : memref<10000x128xf32, #tpu.memory_space<vmem_shared>> -> memref<48x128xf32, #tpu.memory_space<vmem_shared>>
        %dma_wait3A_101 = arith.constant 0 : i32
        %dma_wait3A_102 = arith.constant 0 : i32
        %dma_wait3A_103 = tpu.memref_slice %arg9[%dma_wait3A_101, %dma_wait3A_102] : memref<125x128xf32, #tpu.memory_space<vmem>> -> memref<48x128xf32, #tpu.memory_space<vmem>>
        tpu.wait_dma2 semaphore(%run_scoped3A : memref<!tpu.dma_semaphore, #tpu.memory_space<semaphore_mem>>) src(%dma_wait3A_103 : memref<48x128xf32, #tpu.memory_space<vmem>>) dst(%dma_wait3A_100 : memref<48x128xf32, #tpu.memory_space<vmem_shared>>)
        tpu.yield
      }) : () -> ()
      %scan3A_84 = arith.constant 0 : i32
      scf.yield %scan3A_84 : i32
    }
    %scan3A_12 = arith.constant 13 : i32
    %eq3A = arith.constant 15 : i32
    %eq3A_13 = arith.cmpi eq, %arg1, %eq3A : i32
    %convert_element_type3A = arith.extui %eq3A_13 : i1 to i32
    %cond3A = arith.constant 0 : i32
    %cond3A_14 = arith.cmpi ne, %convert_element_type3A, %cond3A : i32
    scf.if %cond3A_14 {
      "tpu.region"() ({
        %run_scoped3A = tpu.sem_alloc : memref<!tpu.dma_semaphore, #tpu.memory_space<semaphore_mem>>
        %dma_start3A_77 = arith.constant 0 : i32
        %dma_start3A_78 = arith.constant 0 : i32
        %dma_start3A_79 = tpu.memref_slice %arg9[%dma_start3A_77, %dma_start3A_78] : memref<125x128xf32, #tpu.memory_space<vmem>> -> memref<48x128xf32, #tpu.memory_space<vmem>>
        %dma_start3A_80 = arith.constant 0 : i32
        %dma_start3A_81 = arith.constant 0 : i32
        %dma_start3A_82 = tpu.memref_slice %dma_start3A_79[%dma_start3A_80, %dma_start3A_81] : memref<48x128xf32, #tpu.memory_space<vmem>> -> memref<16x128xf32, #tpu.memory_space<vmem>>
        %dma_start3A_83 = arith.constant 9984 : i32
        %dma_start3A_84 = arith.constant 0 : i32
        %dma_start3A_85 = tpu.memref_slice %arg6[%dma_start3A_83, %dma_start3A_84] : memref<10000x128xf32, #tpu.memory_space<vmem_shared>> -> memref<16x128xf32, #tpu.memory_space<vmem_shared>>
        %dma_start3A_86 = arith.constant 9984 : i32
        %dma_start3A_87 = arith.constant 0 : i32
        %dma_start3A_88 = tpu.memref_slice %arg6[%dma_start3A_86, %dma_start3A_87] : memref<10000x128xf32, #tpu.memory_space<vmem_shared>> -> memref<16x128xf32, #tpu.memory_space<vmem_shared>>
        %dma_start3A_89 = arith.constant 0 : i32
        %dma_start3A_90 = arith.constant 0 : i32
        %dma_start3A_91 = tpu.memref_slice %arg9[%dma_start3A_89, %dma_start3A_90] : memref<125x128xf32, #tpu.memory_space<vmem>> -> memref<48x128xf32, #tpu.memory_space<vmem>>
        %dma_start3A_92 = arith.constant 0 : i32
        %dma_start3A_93 = arith.constant 0 : i32
        %dma_start3A_94 = tpu.memref_slice %dma_start3A_91[%dma_start3A_92, %dma_start3A_93] : memref<48x128xf32, #tpu.memory_space<vmem>> -> memref<16x128xf32, #tpu.memory_space<vmem>>
        tpu.enqueue_dma source(%dma_start3A_94 : memref<16x128xf32, #tpu.memory_space<vmem>>) target(%dma_start3A_88 : memref<16x128xf32, #tpu.memory_space<vmem_shared>>) target_semaphore(%run_scoped3A : memref<!tpu.dma_semaphore, #tpu.memory_space<semaphore_mem>>)
        %dma_wait3A = arith.constant 0 : i32
        %dma_wait3A_95 = arith.constant 0 : i32
        %dma_wait3A_96 = tpu.memref_slice %arg9[%dma_wait3A, %dma_wait3A_95] : memref<125x128xf32, #tpu.memory_space<vmem>> -> memref<48x128xf32, #tpu.memory_space<vmem>>
        %dma_wait3A_97 = arith.constant 0 : i32
        %dma_wait3A_98 = arith.constant 0 : i32
        %dma_wait3A_99 = tpu.memref_slice %dma_wait3A_96[%dma_wait3A_97, %dma_wait3A_98] : memref<48x128xf32, #tpu.memory_space<vmem>> -> memref<16x128xf32, #tpu.memory_space<vmem>>
        %dma_wait3A_100 = arith.constant 9984 : i32
        %dma_wait3A_101 = arith.constant 0 : i32
        %dma_wait3A_102 = tpu.memref_slice %arg6[%dma_wait3A_100, %dma_wait3A_101] : memref<10000x128xf32, #tpu.memory_space<vmem_shared>> -> memref<16x128xf32, #tpu.memory_space<vmem_shared>>
        %dma_wait3A_103 = arith.constant 9984 : i32
        %dma_wait3A_104 = arith.constant 0 : i32
        %dma_wait3A_105 = tpu.memref_slice %arg6[%dma_wait3A_103, %dma_wait3A_104] : memref<10000x128xf32, #tpu.memory_space<vmem_shared>> -> memref<16x128xf32, #tpu.memory_space<vmem_shared>>
        %dma_wait3A_106 = arith.constant 0 : i32
        %dma_wait3A_107 = arith.constant 0 : i32
        %dma_wait3A_108 = tpu.memref_slice %arg9[%dma_wait3A_106, %dma_wait3A_107] : memref<125x128xf32, #tpu.memory_space<vmem>> -> memref<48x128xf32, #tpu.memory_space<vmem>>
        %dma_wait3A_109 = arith.constant 0 : i32
        %dma_wait3A_110 = arith.constant 0 : i32
        %dma_wait3A_111 = tpu.memref_slice %dma_wait3A_108[%dma_wait3A_109, %dma_wait3A_110] : memref<48x128xf32, #tpu.memory_space<vmem>> -> memref<16x128xf32, #tpu.memory_space<vmem>>
        tpu.wait_dma2 semaphore(%run_scoped3A : memref<!tpu.dma_semaphore, #tpu.memory_space<semaphore_mem>>) src(%dma_wait3A_111 : memref<16x128xf32, #tpu.memory_space<vmem>>) dst(%dma_wait3A_105 : memref<16x128xf32, #tpu.memory_space<vmem_shared>>)
        tpu.yield
      }) : () -> ()
    } else {
    }
    %barrier3A = arith.constant 0 : index
    tpu.barrier barrier_id(%barrier3A)
    %mul3A = arith.constant 16 : i32
    %mul3A_15 = arith.muli %arg0, %mul3A : i32
    %add3A = arith.addi %mul3A_15, %arg1 : i32
    %mul3A_16 = arith.constant 80 : i32
    %mul3A_17 = arith.muli %add3A, %mul3A_16 : i32
    %add3A_18 = arith.constant 0 : i32
    %add3A_19 = arith.addi %mul3A_17, %add3A_18 : i32
    "tpu.region"() ({
      %run_scoped3A = tpu.sem_alloc : memref<!tpu.dma_semaphore, #tpu.memory_space<semaphore_mem>>
      %dma_start3A_77 = arith.constant 0 : i32
      %dma_start3A_78 = tpu.memref_slice %arg3[%add3A_19, %dma_start3A_77] : memref<2560x125xi32, #tpu.memory_space<hbm>> -> memref<40x125xi32, #tpu.memory_space<hbm>>
      %dma_start3A_79 = arith.constant 0 : i32
      %dma_start3A_80 = tpu.memref_slice %arg3[%add3A_19, %dma_start3A_79] : memref<2560x125xi32, #tpu.memory_space<hbm>> -> memref<40x125xi32, #tpu.memory_space<hbm>>
      tpu.enqueue_dma source(%dma_start3A_80 : memref<40x125xi32, #tpu.memory_space<hbm>>) target(%arg7 : memref<40x125xi32, #tpu.memory_space<vmem>>) target_semaphore(%run_scoped3A : memref<!tpu.dma_semaphore, #tpu.memory_space<semaphore_mem>>)
      %dma_wait3A = arith.constant 0 : i32
      %dma_wait3A_81 = tpu.memref_slice %arg3[%add3A_19, %dma_wait3A] : memref<2560x125xi32, #tpu.memory_space<hbm>> -> memref<40x125xi32, #tpu.memory_space<hbm>>
      %dma_wait3A_82 = arith.constant 0 : i32
      %dma_wait3A_83 = tpu.memref_slice %arg3[%add3A_19, %dma_wait3A_82] : memref<2560x125xi32, #tpu.memory_space<hbm>> -> memref<40x125xi32, #tpu.memory_space<hbm>>
      tpu.wait_dma2 semaphore(%run_scoped3A : memref<!tpu.dma_semaphore, #tpu.memory_space<semaphore_mem>>) src(%dma_wait3A_83 : memref<40x125xi32, #tpu.memory_space<hbm>>) dst(%arg7 : memref<40x125xi32, #tpu.memory_space<vmem>>)
      tpu.yield
    }) : () -> ()
    %add3A_20 = arith.constant 0 : i32
    %add3A_21 = arith.addi %mul3A_17, %add3A_20 : i32
    "tpu.region"() ({
      %run_scoped3A = tpu.sem_alloc : memref<!tpu.dma_semaphore, #tpu.memory_space<semaphore_mem>>
      %dma_start3A_77 = arith.constant 0 : i32
      %dma_start3A_78 = tpu.memref_slice %arg4[%add3A_21, %dma_start3A_77] : memref<2560x125xi32, #tpu.memory_space<hbm>> -> memref<40x125xi32, #tpu.memory_space<hbm>>
      %dma_start3A_79 = arith.constant 0 : i32
      %dma_start3A_80 = tpu.memref_slice %arg4[%add3A_21, %dma_start3A_79] : memref<2560x125xi32, #tpu.memory_space<hbm>> -> memref<40x125xi32, #tpu.memory_space<hbm>>
      tpu.enqueue_dma source(%dma_start3A_80 : memref<40x125xi32, #tpu.memory_space<hbm>>) target(%arg8 : memref<40x125xi32, #tpu.memory_space<vmem>>) target_semaphore(%run_scoped3A : memref<!tpu.dma_semaphore, #tpu.memory_space<semaphore_mem>>)
      %dma_wait3A = arith.constant 0 : i32
      %dma_wait3A_81 = tpu.memref_slice %arg4[%add3A_21, %dma_wait3A] : memref<2560x125xi32, #tpu.memory_space<hbm>> -> memref<40x125xi32, #tpu.memory_space<hbm>>
      %dma_wait3A_82 = arith.constant 0 : i32
      %dma_wait3A_83 = tpu.memref_slice %arg4[%add3A_21, %dma_wait3A_82] : memref<2560x125xi32, #tpu.memory_space<hbm>> -> memref<40x125xi32, #tpu.memory_space<hbm>>
      tpu.wait_dma2 semaphore(%run_scoped3A : memref<!tpu.dma_semaphore, #tpu.memory_space<semaphore_mem>>) src(%dma_wait3A_83 : memref<40x125xi32, #tpu.memory_space<hbm>>) dst(%arg8 : memref<40x125xi32, #tpu.memory_space<vmem>>)
      tpu.yield
    }) : () -> ()
    %dma_start3A = arith.constant 0 : i32
    %dma_start3A_22 = arith.constant 0 : i32
    %dma_start3A_23 = tpu.memref_slice %arg7[%dma_start3A, %dma_start3A_22] : memref<40x125xi32, #tpu.memory_space<vmem>> -> memref<1x125xi32, #tpu.memory_space<vmem>>
    %dma_start3A_24 = tpu.memref_squeeze %dma_start3A_23 : memref<1x125xi32, #tpu.memory_space<vmem>> -> memref<125xi32, #tpu.memory_space<vmem>>
    %dma_start3A_25 = arith.constant 0 : i32
    %dma_start3A_26 = arith.constant 0 : i32
    %dma_start3A_27 = tpu.memref_slice %arg2[%dma_start3A_25, %dma_start3A_26] : memref<10000x128xf32, #tpu.memory_space<hbm>> -> memref<10000x128xf32, #tpu.memory_space<hbm>>
    tpu.enqueue_indirect_dma source(%dma_start3A_27 : memref<10000x128xf32, #tpu.memory_space<hbm>>) target(%arg9 : memref<125x128xf32, #tpu.memory_space<vmem>>) offsets(%dma_start3A_24 : memref<125xi32, #tpu.memory_space<vmem>>) semaphore(%arg11 : memref<!tpu.dma_semaphore, #tpu.memory_space<semaphore_mem>>)
    %dma_start3A_28 = arith.constant 1 : i32
    %dma_start3A_29 = arith.constant 0 : i32
    %dma_start3A_30 = tpu.memref_slice %arg7[%dma_start3A_28, %dma_start3A_29] : memref<40x125xi32, #tpu.memory_space<vmem>> -> memref<1x125xi32, #tpu.memory_space<vmem>>
    %dma_start3A_31 = tpu.memref_squeeze %dma_start3A_30 : memref<1x125xi32, #tpu.memory_space<vmem>> -> memref<125xi32, #tpu.memory_space<vmem>>
    %dma_start3A_32 = arith.constant 0 : i32
    %dma_start3A_33 = arith.constant 0 : i32
    %dma_start3A_34 = tpu.memref_slice %arg2[%dma_start3A_32, %dma_start3A_33] : memref<10000x128xf32, #tpu.memory_space<hbm>> -> memref<10000x128xf32, #tpu.memory_space<hbm>>
    tpu.enqueue_indirect_dma source(%dma_start3A_34 : memref<10000x128xf32, #tpu.memory_space<hbm>>) target(%arg10 : memref<125x128xf32, #tpu.memory_space<vmem>>) offsets(%dma_start3A_31 : memref<125xi32, #tpu.memory_space<vmem>>) semaphore(%arg12 : memref<!tpu.dma_semaphore, #tpu.memory_space<semaphore_mem>>)
    %scan3A_35 = arith.constant 0 : i32
    %scan3A_36 = arith.constant 0 : i32
    %scan3A_37 = arith.constant 20 : i32
    %scan3A_38 = arith.addi %scan3A_36, %scan3A_37 : i32
    %scan3A_39 = arith.constant 1 : i32
    %scan3A_40 = scf.for %scan3A_77 = %scan3A_36 to %scan3A_38 step %scan3A_39 iter_args(%scan3A_78 = %scan3A_35) -> (i32)  : i32 {
      %mul3A_79 = arith.constant 2 : i32
      %mul3A_80 = arith.muli %scan3A_77, %mul3A_79 : i32
      %add3A_81 = arith.constant 0 : i32
      %add3A_82 = arith.addi %mul3A_80, %add3A_81 : i32
      %dma_wait3A = arith.constant 0 : i32
      %dma_wait3A_83 = tpu.memref_slice %arg7[%add3A_82, %dma_wait3A] : memref<40x125xi32, #tpu.memory_space<vmem>> -> memref<1x125xi32, #tpu.memory_space<vmem>>
      %dma_wait3A_84 = tpu.memref_squeeze %dma_wait3A_83 : memref<1x125xi32, #tpu.memory_space<vmem>> -> memref<125xi32, #tpu.memory_space<vmem>>
      %dma_wait3A_85 = arith.constant 0 : i32
      %dma_wait3A_86 = arith.constant 0 : i32
      %dma_wait3A_87 = tpu.memref_slice %arg2[%dma_wait3A_85, %dma_wait3A_86] : memref<10000x128xf32, #tpu.memory_space<hbm>> -> memref<10000x128xf32, #tpu.memory_space<hbm>>
      tpu.wait_indirect_dma semaphore(%arg11 : memref<!tpu.dma_semaphore, #tpu.memory_space<semaphore_mem>>) src(%dma_wait3A_87 : memref<10000x128xf32, #tpu.memory_space<hbm>>) dst(%arg9 : memref<125x128xf32, #tpu.memory_space<vmem>>)
      "tpu.region"() ({
        %run_scoped3A = tpu.sem_alloc : memref<!tpu.dma_semaphore, #tpu.memory_space<semaphore_mem>>
        %dma_start3A_112 = arith.constant 0 : i32
        %dma_start3A_113 = tpu.memref_slice %arg8[%add3A_82, %dma_start3A_112] : memref<40x125xi32, #tpu.memory_space<vmem>> -> memref<1x125xi32, #tpu.memory_space<vmem>>
        %dma_start3A_114 = tpu.memref_squeeze %dma_start3A_113 : memref<1x125xi32, #tpu.memory_space<vmem>> -> memref<125xi32, #tpu.memory_space<vmem>>
        %dma_start3A_115 = arith.constant 0 : i32
        %dma_start3A_116 = arith.constant 0 : i32
        %dma_start3A_117 = tpu.memref_slice %arg6[%dma_start3A_115, %dma_start3A_116] : memref<10000x128xf32, #tpu.memory_space<vmem_shared>> -> memref<10000x128xf32, #tpu.memory_space<vmem_shared>>
        tpu.enqueue_indirect_dma source(%arg9 : memref<125x128xf32, #tpu.memory_space<vmem>>) target(%dma_start3A_117 : memref<10000x128xf32, #tpu.memory_space<vmem_shared>>) offsets(%dma_start3A_114 : memref<125xi32, #tpu.memory_space<vmem>>) semaphore(%run_scoped3A : memref<!tpu.dma_semaphore, #tpu.memory_space<semaphore_mem>>) {add = true}
        %dma_wait3A_118 = arith.constant 0 : i32
        %dma_wait3A_119 = tpu.memref_slice %arg8[%add3A_82, %dma_wait3A_118] : memref<40x125xi32, #tpu.memory_space<vmem>> -> memref<1x125xi32, #tpu.memory_space<vmem>>
        %dma_wait3A_120 = tpu.memref_squeeze %dma_wait3A_119 : memref<1x125xi32, #tpu.memory_space<vmem>> -> memref<125xi32, #tpu.memory_space<vmem>>
        %dma_wait3A_121 = arith.constant 0 : i32
        %dma_wait3A_122 = arith.constant 0 : i32
        %dma_wait3A_123 = tpu.memref_slice %arg6[%dma_wait3A_121, %dma_wait3A_122] : memref<10000x128xf32, #tpu.memory_space<vmem_shared>> -> memref<10000x128xf32, #tpu.memory_space<vmem_shared>>
        tpu.wait_indirect_dma semaphore(%run_scoped3A : memref<!tpu.dma_semaphore, #tpu.memory_space<semaphore_mem>>) src(%arg9 : memref<125x128xf32, #tpu.memory_space<vmem>>) dst(%dma_wait3A_123 : memref<10000x128xf32, #tpu.memory_space<vmem_shared>>)
        tpu.yield
      }) : () -> ()
      %add3A_88 = arith.constant 2 : i32
      %add3A_89 = arith.addi %add3A_82, %add3A_88 : i32
      %lt3A = arith.constant 40 : i32
      %lt3A_90 = arith.cmpi slt, %add3A_89, %lt3A : i32
      %convert_element_type3A_91 = arith.extui %lt3A_90 : i1 to i32
      %cond3A_92 = arith.constant 0 : i32
      %cond3A_93 = arith.cmpi ne, %convert_element_type3A_91, %cond3A_92 : i32
      scf.if %cond3A_93 {
        %add3A_112 = arith.constant 2 : i32
        %add3A_113 = arith.addi %add3A_82, %add3A_112 : i32
        %dma_start3A_114 = arith.constant 0 : i32
        %dma_start3A_115 = tpu.memref_slice %arg7[%add3A_113, %dma_start3A_114] : memref<40x125xi32, #tpu.memory_space<vmem>> -> memref<1x125xi32, #tpu.memory_space<vmem>>
        %dma_start3A_116 = tpu.memref_squeeze %dma_start3A_115 : memref<1x125xi32, #tpu.memory_space<vmem>> -> memref<125xi32, #tpu.memory_space<vmem>>
        %dma_start3A_117 = arith.constant 0 : i32
        %dma_start3A_118 = arith.constant 0 : i32
        %dma_start3A_119 = tpu.memref_slice %arg2[%dma_start3A_117, %dma_start3A_118] : memref<10000x128xf32, #tpu.memory_space<hbm>> -> memref<10000x128xf32, #tpu.memory_space<hbm>>
        tpu.enqueue_indirect_dma source(%dma_start3A_119 : memref<10000x128xf32, #tpu.memory_space<hbm>>) target(%arg9 : memref<125x128xf32, #tpu.memory_space<vmem>>) offsets(%dma_start3A_116 : memref<125xi32, #tpu.memory_space<vmem>>) semaphore(%arg11 : memref<!tpu.dma_semaphore, #tpu.memory_space<semaphore_mem>>)
      } else {
      }
      %mul3A_94 = arith.constant 2 : i32
      %mul3A_95 = arith.muli %scan3A_77, %mul3A_94 : i32
      %add3A_96 = arith.constant 1 : i32
      %add3A_97 = arith.addi %mul3A_95, %add3A_96 : i32
      %dma_wait3A_98 = arith.constant 0 : i32
      %dma_wait3A_99 = tpu.memref_slice %arg7[%add3A_97, %dma_wait3A_98] : memref<40x125xi32, #tpu.memory_space<vmem>> -> memref<1x125xi32, #tpu.memory_space<vmem>>
      %dma_wait3A_100 = tpu.memref_squeeze %dma_wait3A_99 : memref<1x125xi32, #tpu.memory_space<vmem>> -> memref<125xi32, #tpu.memory_space<vmem>>
      %dma_wait3A_101 = arith.constant 0 : i32
      %dma_wait3A_102 = arith.constant 0 : i32
      %dma_wait3A_103 = tpu.memref_slice %arg2[%dma_wait3A_101, %dma_wait3A_102] : memref<10000x128xf32, #tpu.memory_space<hbm>> -> memref<10000x128xf32, #tpu.memory_space<hbm>>
      tpu.wait_indirect_dma semaphore(%arg12 : memref<!tpu.dma_semaphore, #tpu.memory_space<semaphore_mem>>) src(%dma_wait3A_103 : memref<10000x128xf32, #tpu.memory_space<hbm>>) dst(%arg10 : memref<125x128xf32, #tpu.memory_space<vmem>>)
      "tpu.region"() ({
        %run_scoped3A = tpu.sem_alloc : memref<!tpu.dma_semaphore, #tpu.memory_space<semaphore_mem>>
        %dma_start3A_112 = arith.constant 0 : i32
        %dma_start3A_113 = tpu.memref_slice %arg8[%add3A_97, %dma_start3A_112] : memref<40x125xi32, #tpu.memory_space<vmem>> -> memref<1x125xi32, #tpu.memory_space<vmem>>
        %dma_start3A_114 = tpu.memref_squeeze %dma_start3A_113 : memref<1x125xi32, #tpu.memory_space<vmem>> -> memref<125xi32, #tpu.memory_space<vmem>>
        %dma_start3A_115 = arith.constant 0 : i32
        %dma_start3A_116 = arith.constant 0 : i32
        %dma_start3A_117 = tpu.memref_slice %arg6[%dma_start3A_115, %dma_start3A_116] : memref<10000x128xf32, #tpu.memory_space<vmem_shared>> -> memref<10000x128xf32, #tpu.memory_space<vmem_shared>>
        tpu.enqueue_indirect_dma source(%arg10 : memref<125x128xf32, #tpu.memory_space<vmem>>) target(%dma_start3A_117 : memref<10000x128xf32, #tpu.memory_space<vmem_shared>>) offsets(%dma_start3A_114 : memref<125xi32, #tpu.memory_space<vmem>>) semaphore(%run_scoped3A : memref<!tpu.dma_semaphore, #tpu.memory_space<semaphore_mem>>) {add = true}
        %dma_wait3A_118 = arith.constant 0 : i32
        %dma_wait3A_119 = tpu.memref_slice %arg8[%add3A_97, %dma_wait3A_118] : memref<40x125xi32, #tpu.memory_space<vmem>> -> memref<1x125xi32, #tpu.memory_space<vmem>>
        %dma_wait3A_120 = tpu.memref_squeeze %dma_wait3A_119 : memref<1x125xi32, #tpu.memory_space<vmem>> -> memref<125xi32, #tpu.memory_space<vmem>>
        %dma_wait3A_121 = arith.constant 0 : i32
        %dma_wait3A_122 = arith.constant 0 : i32
        %dma_wait3A_123 = tpu.memref_slice %arg6[%dma_wait3A_121, %dma_wait3A_122] : memref<10000x128xf32, #tpu.memory_space<vmem_shared>> -> memref<10000x128xf32, #tpu.memory_space<vmem_shared>>
        tpu.wait_indirect_dma semaphore(%run_scoped3A : memref<!tpu.dma_semaphore, #tpu.memory_space<semaphore_mem>>) src(%arg10 : memref<125x128xf32, #tpu.memory_space<vmem>>) dst(%dma_wait3A_123 : memref<10000x128xf32, #tpu.memory_space<vmem_shared>>)
        tpu.yield
      }) : () -> ()
      %add3A_104 = arith.constant 2 : i32
      %add3A_105 = arith.addi %add3A_97, %add3A_104 : i32
      %lt3A_106 = arith.constant 40 : i32
      %lt3A_107 = arith.cmpi slt, %add3A_105, %lt3A_106 : i32
      %convert_element_type3A_108 = arith.extui %lt3A_107 : i1 to i32
      %cond3A_109 = arith.constant 0 : i32
      %cond3A_110 = arith.cmpi ne, %convert_element_type3A_108, %cond3A_109 : i32
      scf.if %cond3A_110 {
        %add3A_112 = arith.constant 2 : i32
        %add3A_113 = arith.addi %add3A_97, %add3A_112 : i32
        %dma_start3A_114 = arith.constant 0 : i32
        %dma_start3A_115 = tpu.memref_slice %arg7[%add3A_113, %dma_start3A_114] : memref<40x125xi32, #tpu.memory_space<vmem>> -> memref<1x125xi32, #tpu.memory_space<vmem>>
        %dma_start3A_116 = tpu.memref_squeeze %dma_start3A_115 : memref<1x125xi32, #tpu.memory_space<vmem>> -> memref<125xi32, #tpu.memory_space<vmem>>
        %dma_start3A_117 = arith.constant 0 : i32
        %dma_start3A_118 = arith.constant 0 : i32
        %dma_start3A_119 = tpu.memref_slice %arg2[%dma_start3A_117, %dma_start3A_118] : memref<10000x128xf32, #tpu.memory_space<hbm>> -> memref<10000x128xf32, #tpu.memory_space<hbm>>
        tpu.enqueue_indirect_dma source(%dma_start3A_119 : memref<10000x128xf32, #tpu.memory_space<hbm>>) target(%arg10 : memref<125x128xf32, #tpu.memory_space<vmem>>) offsets(%dma_start3A_116 : memref<125xi32, #tpu.memory_space<vmem>>) semaphore(%arg12 : memref<!tpu.dma_semaphore, #tpu.memory_space<semaphore_mem>>)
      } else {
      }
      %scan3A_111 = arith.constant 0 : i32
      scf.yield %scan3A_111 : i32
    }
    %scan3A_41 = arith.constant 20 : i32
    %add3A_42 = arith.constant 40 : i32
    %add3A_43 = arith.addi %mul3A_17, %add3A_42 : i32
    "tpu.region"() ({
      %run_scoped3A = tpu.sem_alloc : memref<!tpu.dma_semaphore, #tpu.memory_space<semaphore_mem>>
      %dma_start3A_77 = arith.constant 0 : i32
      %dma_start3A_78 = tpu.memref_slice %arg3[%add3A_43, %dma_start3A_77] : memref<2560x125xi32, #tpu.memory_space<hbm>> -> memref<40x125xi32, #tpu.memory_space<hbm>>
      %dma_start3A_79 = arith.constant 0 : i32
      %dma_start3A_80 = tpu.memref_slice %arg3[%add3A_43, %dma_start3A_79] : memref<2560x125xi32, #tpu.memory_space<hbm>> -> memref<40x125xi32, #tpu.memory_space<hbm>>
      tpu.enqueue_dma source(%dma_start3A_80 : memref<40x125xi32, #tpu.memory_space<hbm>>) target(%arg7 : memref<40x125xi32, #tpu.memory_space<vmem>>) target_semaphore(%run_scoped3A : memref<!tpu.dma_semaphore, #tpu.memory_space<semaphore_mem>>)
      %dma_wait3A = arith.constant 0 : i32
      %dma_wait3A_81 = tpu.memref_slice %arg3[%add3A_43, %dma_wait3A] : memref<2560x125xi32, #tpu.memory_space<hbm>> -> memref<40x125xi32, #tpu.memory_space<hbm>>
      %dma_wait3A_82 = arith.constant 0 : i32
      %dma_wait3A_83 = tpu.memref_slice %arg3[%add3A_43, %dma_wait3A_82] : memref<2560x125xi32, #tpu.memory_space<hbm>> -> memref<40x125xi32, #tpu.memory_space<hbm>>
      tpu.wait_dma2 semaphore(%run_scoped3A : memref<!tpu.dma_semaphore, #tpu.memory_space<semaphore_mem>>) src(%dma_wait3A_83 : memref<40x125xi32, #tpu.memory_space<hbm>>) dst(%arg7 : memref<40x125xi32, #tpu.memory_space<vmem>>)
      tpu.yield
    }) : () -> ()
    %add3A_44 = arith.constant 40 : i32
    %add3A_45 = arith.addi %mul3A_17, %add3A_44 : i32
    "tpu.region"() ({
      %run_scoped3A = tpu.sem_alloc : memref<!tpu.dma_semaphore, #tpu.memory_space<semaphore_mem>>
      %dma_start3A_77 = arith.constant 0 : i32
      %dma_start3A_78 = tpu.memref_slice %arg4[%add3A_45, %dma_start3A_77] : memref<2560x125xi32, #tpu.memory_space<hbm>> -> memref<40x125xi32, #tpu.memory_space<hbm>>
      %dma_start3A_79 = arith.constant 0 : i32
      %dma_start3A_80 = tpu.memref_slice %arg4[%add3A_45, %dma_start3A_79] : memref<2560x125xi32, #tpu.memory_space<hbm>> -> memref<40x125xi32, #tpu.memory_space<hbm>>
      tpu.enqueue_dma source(%dma_start3A_80 : memref<40x125xi32, #tpu.memory_space<hbm>>) target(%arg8 : memref<40x125xi32, #tpu.memory_space<vmem>>) target_semaphore(%run_scoped3A : memref<!tpu.dma_semaphore, #tpu.memory_space<semaphore_mem>>)
      %dma_wait3A = arith.constant 0 : i32
      %dma_wait3A_81 = tpu.memref_slice %arg4[%add3A_45, %dma_wait3A] : memref<2560x125xi32, #tpu.memory_space<hbm>> -> memref<40x125xi32, #tpu.memory_space<hbm>>
      %dma_wait3A_82 = arith.constant 0 : i32
      %dma_wait3A_83 = tpu.memref_slice %arg4[%add3A_45, %dma_wait3A_82] : memref<2560x125xi32, #tpu.memory_space<hbm>> -> memref<40x125xi32, #tpu.memory_space<hbm>>
      tpu.wait_dma2 semaphore(%run_scoped3A : memref<!tpu.dma_semaphore, #tpu.memory_space<semaphore_mem>>) src(%dma_wait3A_83 : memref<40x125xi32, #tpu.memory_space<hbm>>) dst(%arg8 : memref<40x125xi32, #tpu.memory_space<vmem>>)
      tpu.yield
    }) : () -> ()
    %dma_start3A_46 = arith.constant 0 : i32
    %dma_start3A_47 = arith.constant 0 : i32
    %dma_start3A_48 = tpu.memref_slice %arg7[%dma_start3A_46, %dma_start3A_47] : memref<40x125xi32, #tpu.memory_space<vmem>> -> memref<1x125xi32, #tpu.memory_space<vmem>>
    %dma_start3A_49 = tpu.memref_squeeze %dma_start3A_48 : memref<1x125xi32, #tpu.memory_space<vmem>> -> memref<125xi32, #tpu.memory_space<vmem>>
    %dma_start3A_50 = arith.constant 0 : i32
    %dma_start3A_51 = arith.constant 0 : i32
    %dma_start3A_52 = tpu.memref_slice %arg2[%dma_start3A_50, %dma_start3A_51] : memref<10000x128xf32, #tpu.memory_space<hbm>> -> memref<10000x128xf32, #tpu.memory_space<hbm>>
    tpu.enqueue_indirect_dma source(%dma_start3A_52 : memref<10000x128xf32, #tpu.memory_space<hbm>>) target(%arg9 : memref<125x128xf32, #tpu.memory_space<vmem>>) offsets(%dma_start3A_49 : memref<125xi32, #tpu.memory_space<vmem>>) semaphore(%arg11 : memref<!tpu.dma_semaphore, #tpu.memory_space<semaphore_mem>>)
    %dma_start3A_53 = arith.constant 1 : i32
    %dma_start3A_54 = arith.constant 0 : i32
    %dma_start3A_55 = tpu.memref_slice %arg7[%dma_start3A_53, %dma_start3A_54] : memref<40x125xi32, #tpu.memory_space<vmem>> -> memref<1x125xi32, #tpu.memory_space<vmem>>
    %dma_start3A_56 = tpu.memref_squeeze %dma_start3A_55 : memref<1x125xi32, #tpu.memory_space<vmem>> -> memref<125xi32, #tpu.memory_space<vmem>>
    %dma_start3A_57 = arith.constant 0 : i32
    %dma_start3A_58 = arith.constant 0 : i32
    %dma_start3A_59 = tpu.memref_slice %arg2[%dma_start3A_57, %dma_start3A_58] : memref<10000x128xf32, #tpu.memory_space<hbm>> -> memref<10000x128xf32, #tpu.memory_space<hbm>>
    tpu.enqueue_indirect_dma source(%dma_start3A_59 : memref<10000x128xf32, #tpu.memory_space<hbm>>) target(%arg10 : memref<125x128xf32, #tpu.memory_space<vmem>>) offsets(%dma_start3A_56 : memref<125xi32, #tpu.memory_space<vmem>>) semaphore(%arg12 : memref<!tpu.dma_semaphore, #tpu.memory_space<semaphore_mem>>)
    %scan3A_60 = arith.constant 0 : i32
    %scan3A_61 = arith.constant 0 : i32
    %scan3A_62 = arith.constant 20 : i32
    %scan3A_63 = arith.addi %scan3A_61, %scan3A_62 : i32
    %scan3A_64 = arith.constant 1 : i32
    %scan3A_65 = scf.for %scan3A_77 = %scan3A_61 to %scan3A_63 step %scan3A_64 iter_args(%scan3A_78 = %scan3A_60) -> (i32)  : i32 {
      %mul3A_79 = arith.constant 2 : i32
      %mul3A_80 = arith.muli %scan3A_77, %mul3A_79 : i32
      %add3A_81 = arith.constant 0 : i32
      %add3A_82 = arith.addi %mul3A_80, %add3A_81 : i32
      %dma_wait3A = arith.constant 0 : i32
      %dma_wait3A_83 = tpu.memref_slice %arg7[%add3A_82, %dma_wait3A] : memref<40x125xi32, #tpu.memory_space<vmem>> -> memref<1x125xi32, #tpu.memory_space<vmem>>
      %dma_wait3A_84 = tpu.memref_squeeze %dma_wait3A_83 : memref<1x125xi32, #tpu.memory_space<vmem>> -> memref<125xi32, #tpu.memory_space<vmem>>
      %dma_wait3A_85 = arith.constant 0 : i32
      %dma_wait3A_86 = arith.constant 0 : i32
      %dma_wait3A_87 = tpu.memref_slice %arg2[%dma_wait3A_85, %dma_wait3A_86] : memref<10000x128xf32, #tpu.memory_space<hbm>> -> memref<10000x128xf32, #tpu.memory_space<hbm>>
      tpu.wait_indirect_dma semaphore(%arg11 : memref<!tpu.dma_semaphore, #tpu.memory_space<semaphore_mem>>) src(%dma_wait3A_87 : memref<10000x128xf32, #tpu.memory_space<hbm>>) dst(%arg9 : memref<125x128xf32, #tpu.memory_space<vmem>>)
      "tpu.region"() ({
        %run_scoped3A = tpu.sem_alloc : memref<!tpu.dma_semaphore, #tpu.memory_space<semaphore_mem>>
        %dma_start3A_112 = arith.constant 0 : i32
        %dma_start3A_113 = tpu.memref_slice %arg8[%add3A_82, %dma_start3A_112] : memref<40x125xi32, #tpu.memory_space<vmem>> -> memref<1x125xi32, #tpu.memory_space<vmem>>
        %dma_start3A_114 = tpu.memref_squeeze %dma_start3A_113 : memref<1x125xi32, #tpu.memory_space<vmem>> -> memref<125xi32, #tpu.memory_space<vmem>>
        %dma_start3A_115 = arith.constant 0 : i32
        %dma_start3A_116 = arith.constant 0 : i32
        %dma_start3A_117 = tpu.memref_slice %arg6[%dma_start3A_115, %dma_start3A_116] : memref<10000x128xf32, #tpu.memory_space<vmem_shared>> -> memref<10000x128xf32, #tpu.memory_space<vmem_shared>>
        tpu.enqueue_indirect_dma source(%arg9 : memref<125x128xf32, #tpu.memory_space<vmem>>) target(%dma_start3A_117 : memref<10000x128xf32, #tpu.memory_space<vmem_shared>>) offsets(%dma_start3A_114 : memref<125xi32, #tpu.memory_space<vmem>>) semaphore(%run_scoped3A : memref<!tpu.dma_semaphore, #tpu.memory_space<semaphore_mem>>) {add = true}
        %dma_wait3A_118 = arith.constant 0 : i32
        %dma_wait3A_119 = tpu.memref_slice %arg8[%add3A_82, %dma_wait3A_118] : memref<40x125xi32, #tpu.memory_space<vmem>> -> memref<1x125xi32, #tpu.memory_space<vmem>>
        %dma_wait3A_120 = tpu.memref_squeeze %dma_wait3A_119 : memref<1x125xi32, #tpu.memory_space<vmem>> -> memref<125xi32, #tpu.memory_space<vmem>>
        %dma_wait3A_121 = arith.constant 0 : i32
        %dma_wait3A_122 = arith.constant 0 : i32
        %dma_wait3A_123 = tpu.memref_slice %arg6[%dma_wait3A_121, %dma_wait3A_122] : memref<10000x128xf32, #tpu.memory_space<vmem_shared>> -> memref<10000x128xf32, #tpu.memory_space<vmem_shared>>
        tpu.wait_indirect_dma semaphore(%run_scoped3A : memref<!tpu.dma_semaphore, #tpu.memory_space<semaphore_mem>>) src(%arg9 : memref<125x128xf32, #tpu.memory_space<vmem>>) dst(%dma_wait3A_123 : memref<10000x128xf32, #tpu.memory_space<vmem_shared>>)
        tpu.yield
      }) : () -> ()
      %add3A_88 = arith.constant 2 : i32
      %add3A_89 = arith.addi %add3A_82, %add3A_88 : i32
      %lt3A = arith.constant 40 : i32
      %lt3A_90 = arith.cmpi slt, %add3A_89, %lt3A : i32
      %convert_element_type3A_91 = arith.extui %lt3A_90 : i1 to i32
      %cond3A_92 = arith.constant 0 : i32
      %cond3A_93 = arith.cmpi ne, %convert_element_type3A_91, %cond3A_92 : i32
      scf.if %cond3A_93 {
        %add3A_112 = arith.constant 2 : i32
        %add3A_113 = arith.addi %add3A_82, %add3A_112 : i32
        %dma_start3A_114 = arith.constant 0 : i32
        %dma_start3A_115 = tpu.memref_slice %arg7[%add3A_113, %dma_start3A_114] : memref<40x125xi32, #tpu.memory_space<vmem>> -> memref<1x125xi32, #tpu.memory_space<vmem>>
        %dma_start3A_116 = tpu.memref_squeeze %dma_start3A_115 : memref<1x125xi32, #tpu.memory_space<vmem>> -> memref<125xi32, #tpu.memory_space<vmem>>
        %dma_start3A_117 = arith.constant 0 : i32
        %dma_start3A_118 = arith.constant 0 : i32
        %dma_start3A_119 = tpu.memref_slice %arg2[%dma_start3A_117, %dma_start3A_118] : memref<10000x128xf32, #tpu.memory_space<hbm>> -> memref<10000x128xf32, #tpu.memory_space<hbm>>
        tpu.enqueue_indirect_dma source(%dma_start3A_119 : memref<10000x128xf32, #tpu.memory_space<hbm>>) target(%arg9 : memref<125x128xf32, #tpu.memory_space<vmem>>) offsets(%dma_start3A_116 : memref<125xi32, #tpu.memory_space<vmem>>) semaphore(%arg11 : memref<!tpu.dma_semaphore, #tpu.memory_space<semaphore_mem>>)
      } else {
      }
      %mul3A_94 = arith.constant 2 : i32
      %mul3A_95 = arith.muli %scan3A_77, %mul3A_94 : i32
      %add3A_96 = arith.constant 1 : i32
      %add3A_97 = arith.addi %mul3A_95, %add3A_96 : i32
      %dma_wait3A_98 = arith.constant 0 : i32
      %dma_wait3A_99 = tpu.memref_slice %arg7[%add3A_97, %dma_wait3A_98] : memref<40x125xi32, #tpu.memory_space<vmem>> -> memref<1x125xi32, #tpu.memory_space<vmem>>
      %dma_wait3A_100 = tpu.memref_squeeze %dma_wait3A_99 : memref<1x125xi32, #tpu.memory_space<vmem>> -> memref<125xi32, #tpu.memory_space<vmem>>
      %dma_wait3A_101 = arith.constant 0 : i32
      %dma_wait3A_102 = arith.constant 0 : i32
      %dma_wait3A_103 = tpu.memref_slice %arg2[%dma_wait3A_101, %dma_wait3A_102] : memref<10000x128xf32, #tpu.memory_space<hbm>> -> memref<10000x128xf32, #tpu.memory_space<hbm>>
      tpu.wait_indirect_dma semaphore(%arg12 : memref<!tpu.dma_semaphore, #tpu.memory_space<semaphore_mem>>) src(%dma_wait3A_103 : memref<10000x128xf32, #tpu.memory_space<hbm>>) dst(%arg10 : memref<125x128xf32, #tpu.memory_space<vmem>>)
      "tpu.region"() ({
        %run_scoped3A = tpu.sem_alloc : memref<!tpu.dma_semaphore, #tpu.memory_space<semaphore_mem>>
        %dma_start3A_112 = arith.constant 0 : i32
        %dma_start3A_113 = tpu.memref_slice %arg8[%add3A_97, %dma_start3A_112] : memref<40x125xi32, #tpu.memory_space<vmem>> -> memref<1x125xi32, #tpu.memory_space<vmem>>
        %dma_start3A_114 = tpu.memref_squeeze %dma_start3A_113 : memref<1x125xi32, #tpu.memory_space<vmem>> -> memref<125xi32, #tpu.memory_space<vmem>>
        %dma_start3A_115 = arith.constant 0 : i32
        %dma_start3A_116 = arith.constant 0 : i32
        %dma_start3A_117 = tpu.memref_slice %arg6[%dma_start3A_115, %dma_start3A_116] : memref<10000x128xf32, #tpu.memory_space<vmem_shared>> -> memref<10000x128xf32, #tpu.memory_space<vmem_shared>>
        tpu.enqueue_indirect_dma source(%arg10 : memref<125x128xf32, #tpu.memory_space<vmem>>) target(%dma_start3A_117 : memref<10000x128xf32, #tpu.memory_space<vmem_shared>>) offsets(%dma_start3A_114 : memref<125xi32, #tpu.memory_space<vmem>>) semaphore(%run_scoped3A : memref<!tpu.dma_semaphore, #tpu.memory_space<semaphore_mem>>) {add = true}
        %dma_wait3A_118 = arith.constant 0 : i32
        %dma_wait3A_119 = tpu.memref_slice %arg8[%add3A_97, %dma_wait3A_118] : memref<40x125xi32, #tpu.memory_space<vmem>> -> memref<1x125xi32, #tpu.memory_space<vmem>>
        %dma_wait3A_120 = tpu.memref_squeeze %dma_wait3A_119 : memref<1x125xi32, #tpu.memory_space<vmem>> -> memref<125xi32, #tpu.memory_space<vmem>>
        %dma_wait3A_121 = arith.constant 0 : i32
        %dma_wait3A_122 = arith.constant 0 : i32
        %dma_wait3A_123 = tpu.memref_slice %arg6[%dma_wait3A_121, %dma_wait3A_122] : memref<10000x128xf32, #tpu.memory_space<vmem_shared>> -> memref<10000x128xf32, #tpu.memory_space<vmem_shared>>
        tpu.wait_indirect_dma semaphore(%run_scoped3A : memref<!tpu.dma_semaphore, #tpu.memory_space<semaphore_mem>>) src(%arg10 : memref<125x128xf32, #tpu.memory_space<vmem>>) dst(%dma_wait3A_123 : memref<10000x128xf32, #tpu.memory_space<vmem_shared>>)
        tpu.yield
      }) : () -> ()
      %add3A_104 = arith.constant 2 : i32
      %add3A_105 = arith.addi %add3A_97, %add3A_104 : i32
      %lt3A_106 = arith.constant 40 : i32
      %lt3A_107 = arith.cmpi slt, %add3A_105, %lt3A_106 : i32
      %convert_element_type3A_108 = arith.extui %lt3A_107 : i1 to i32
      %cond3A_109 = arith.constant 0 : i32
      %cond3A_110 = arith.cmpi ne, %convert_element_type3A_108, %cond3A_109 : i32
      scf.if %cond3A_110 {
        %add3A_112 = arith.constant 2 : i32
        %add3A_113 = arith.addi %add3A_97, %add3A_112 : i32
        %dma_start3A_114 = arith.constant 0 : i32
        %dma_start3A_115 = tpu.memref_slice %arg7[%add3A_113, %dma_start3A_114] : memref<40x125xi32, #tpu.memory_space<vmem>> -> memref<1x125xi32, #tpu.memory_space<vmem>>
        %dma_start3A_116 = tpu.memref_squeeze %dma_start3A_115 : memref<1x125xi32, #tpu.memory_space<vmem>> -> memref<125xi32, #tpu.memory_space<vmem>>
        %dma_start3A_117 = arith.constant 0 : i32
        %dma_start3A_118 = arith.constant 0 : i32
        %dma_start3A_119 = tpu.memref_slice %arg2[%dma_start3A_117, %dma_start3A_118] : memref<10000x128xf32, #tpu.memory_space<hbm>> -> memref<10000x128xf32, #tpu.memory_space<hbm>>
        tpu.enqueue_indirect_dma source(%dma_start3A_119 : memref<10000x128xf32, #tpu.memory_space<hbm>>) target(%arg10 : memref<125x128xf32, #tpu.memory_space<vmem>>) offsets(%dma_start3A_116 : memref<125xi32, #tpu.memory_space<vmem>>) semaphore(%arg12 : memref<!tpu.dma_semaphore, #tpu.memory_space<semaphore_mem>>)
      } else {
      }
      %scan3A_111 = arith.constant 0 : i32
      scf.yield %scan3A_111 : i32
    }
    %scan3A_66 = arith.constant 20 : i32
    %barrier3A_67 = arith.constant 0 : index
    tpu.barrier barrier_id(%barrier3A_67)
    %mul3A_68 = arith.constant 624 : i32
    %mul3A_69 = arith.muli %arg1, %mul3A_68 : i32
    %mul3A_70 = arith.constant 624 : i32
    %mul3A_71 = arith.muli %arg1, %mul3A_70 : i32
    "tpu.region"() ({
      %run_scoped3A = tpu.sem_alloc : memref<!tpu.dma_semaphore, #tpu.memory_space<semaphore_mem>>
      %dma_start3A_77 = arith.constant 0 : i32
      %dma_start3A_78 = tpu.memref_slice %arg5[%arg0, %mul3A_71, %dma_start3A_77] : memref<2x10000x128xf32, #tpu.memory_space<hbm>> -> memref<1x624x128xf32, #tpu.memory_space<hbm>>
      %dma_start3A_79 = tpu.memref_squeeze %dma_start3A_78 : memref<1x624x128xf32, #tpu.memory_space<hbm>> -> memref<624x128xf32, #tpu.memory_space<hbm>>
      %dma_start3A_80 = arith.constant 0 : i32
      %dma_start3A_81 = tpu.memref_slice %arg6[%mul3A_69, %dma_start3A_80] : memref<10000x128xf32, #tpu.memory_space<vmem_shared>> -> memref<624x128xf32, #tpu.memory_space<vmem_shared>>
      tpu.enqueue_dma source(%dma_start3A_81 : memref<624x128xf32, #tpu.memory_space<vmem_shared>>) target(%dma_start3A_79 : memref<624x128xf32, #tpu.memory_space<hbm>>) target_semaphore(%run_scoped3A : memref<!tpu.dma_semaphore, #tpu.memory_space<semaphore_mem>>)
      %dma_wait3A = arith.constant 0 : i32
      %dma_wait3A_82 = tpu.memref_slice %arg5[%arg0, %mul3A_71, %dma_wait3A] : memref<2x10000x128xf32, #tpu.memory_space<hbm>> -> memref<1x624x128xf32, #tpu.memory_space<hbm>>
      %dma_wait3A_83 = tpu.memref_squeeze %dma_wait3A_82 : memref<1x624x128xf32, #tpu.memory_space<hbm>> -> memref<624x128xf32, #tpu.memory_space<hbm>>
      %dma_wait3A_84 = arith.constant 0 : i32
      %dma_wait3A_85 = tpu.memref_slice %arg6[%mul3A_69, %dma_wait3A_84] : memref<10000x128xf32, #tpu.memory_space<vmem_shared>> -> memref<624x128xf32, #tpu.memory_space<vmem_shared>>
      tpu.wait_dma2 semaphore(%run_scoped3A : memref<!tpu.dma_semaphore, #tpu.memory_space<semaphore_mem>>) src(%dma_wait3A_85 : memref<624x128xf32, #tpu.memory_space<vmem_shared>>) dst(%dma_wait3A_83 : memref<624x128xf32, #tpu.memory_space<hbm>>)
      tpu.yield
    }) : () -> ()
    %eq3A_72 = arith.constant 15 : i32
    %eq3A_73 = arith.cmpi eq, %arg1, %eq3A_72 : i32
    %convert_element_type3A_74 = arith.extui %eq3A_73 : i1 to i32
    %cond3A_75 = arith.constant 0 : i32
    %cond3A_76 = arith.cmpi ne, %convert_element_type3A_74, %cond3A_75 : i32
    scf.if %cond3A_76 {
      "tpu.region"() ({
        %run_scoped3A = tpu.sem_alloc : memref<!tpu.dma_semaphore, #tpu.memory_space<semaphore_mem>>
        %dma_start3A_77 = arith.constant 9984 : i32
        %dma_start3A_78 = arith.constant 0 : i32
        %dma_start3A_79 = tpu.memref_slice %arg5[%arg0, %dma_start3A_77, %dma_start3A_78] : memref<2x10000x128xf32, #tpu.memory_space<hbm>> -> memref<1x16x128xf32, #tpu.memory_space<hbm>>
        %dma_start3A_80 = tpu.memref_squeeze %dma_start3A_79 : memref<1x16x128xf32, #tpu.memory_space<hbm>> -> memref<16x128xf32, #tpu.memory_space<hbm>>
        %dma_start3A_81 = arith.constant 9984 : i32
        %dma_start3A_82 = arith.constant 0 : i32
        %dma_start3A_83 = tpu.memref_slice %arg6[%dma_start3A_81, %dma_start3A_82] : memref<10000x128xf32, #tpu.memory_space<vmem_shared>> -> memref<16x128xf32, #tpu.memory_space<vmem_shared>>
        tpu.enqueue_dma source(%dma_start3A_83 : memref<16x128xf32, #tpu.memory_space<vmem_shared>>) target(%dma_start3A_80 : memref<16x128xf32, #tpu.memory_space<hbm>>) target_semaphore(%run_scoped3A : memref<!tpu.dma_semaphore, #tpu.memory_space<semaphore_mem>>)
        %dma_wait3A = arith.constant 9984 : i32
        %dma_wait3A_84 = arith.constant 0 : i32
        %dma_wait3A_85 = tpu.memref_slice %arg5[%arg0, %dma_wait3A, %dma_wait3A_84] : memref<2x10000x128xf32, #tpu.memory_space<hbm>> -> memref<1x16x128xf32, #tpu.memory_space<hbm>>
        %dma_wait3A_86 = tpu.memref_squeeze %dma_wait3A_85 : memref<1x16x128xf32, #tpu.memory_space<hbm>> -> memref<16x128xf32, #tpu.memory_space<hbm>>
        %dma_wait3A_87 = arith.constant 9984 : i32
        %dma_wait3A_88 = arith.constant 0 : i32
        %dma_wait3A_89 = tpu.memref_slice %arg6[%dma_wait3A_87, %dma_wait3A_88] : memref<10000x128xf32, #tpu.memory_space<vmem_shared>> -> memref<16x128xf32, #tpu.memory_space<vmem_shared>>
        tpu.wait_dma2 semaphore(%run_scoped3A : memref<!tpu.dma_semaphore, #tpu.memory_space<semaphore_mem>>) src(%dma_wait3A_89 : memref<16x128xf32, #tpu.memory_space<vmem_shared>>) dst(%dma_wait3A_86 : memref<16x128xf32, #tpu.memory_space<hbm>>)
        tpu.yield
      }) : () -> ()
    } else {
    }
    return
  }
}

#map = affine_map<(d0, d1) -> (0, 0)>
#map1 = affine_map<(d0, d1) -> (0, 0, 0)>
module attributes {stable_mosaic.version = 14 : i64} {
  func.func @_agg_body(%arg0: i32, %arg1: i32, %arg2: memref<10000x128xf32, #tpu.memory_space<hbm>>, %arg3: memref<2560x125xi32, #tpu.memory_space<hbm>>, %arg4: memref<2560x125xi32, #tpu.memory_space<hbm>>, %arg5: memref<2x10000x128xf32, #tpu.memory_space<hbm>>, %arg6: memref<10000x128xf32, #tpu.memory_space<vmem_shared>>, %arg7: memref<40x125xi32, #tpu.memory_space<vmem>>, %arg8: memref<40x125xi32, #tpu.memory_space<vmem>>, %arg9: memref<125x128xf32, #tpu.memory_space<vmem>>, %arg10: memref<125x128xf32, #tpu.memory_space<vmem>>, %arg11: memref<!tpu.dma_semaphore, #tpu.memory_space<semaphore_mem>>, %arg12: memref<!tpu.dma_semaphore, #tpu.memory_space<semaphore_mem>>) attributes {dimension_semantics = [#tpu.dimension_semantics<core_parallel>, #tpu.dimension_semantics<subcore_parallel>], iteration_bounds = array<i64: 2, 16>, scalar_prefetch = 0 : i64, scratch_operands = 7 : i64, tpu.core_type = #tpu.core_type<sc_vector_subcore>, window_params = [{transform_indices = #map}, {transform_indices = #map}, {transform_indices = #map}, {transform_indices = #map1}]} {
    %scan3A = arith.constant 0 : i32
    %scan3A_0 = arith.constant 0 : i32
    %scan3A_1 = arith.constant 384 : i32
    %scan3A_2 = arith.addi %scan3A_0, %scan3A_1 : i32
    %scan3A_3 = arith.constant 1 : i32
    %scan3A_4 = scf.for %scan3A_77 = %scan3A_0 to %scan3A_2 step %scan3A_3 iter_args(%scan3A_78 = %scan3A) -> (i32)  : i32 {
      %broadcast_in_dim3A = arith.constant 0.000000e+00 : f32
      %broadcast_in_dim3A_79 = vector.broadcast %broadcast_in_dim3A : f32 to vector<16xf32>
      %jit3A = arith.constant 8 : i32
      %div3A = arith.divsi %scan3A_77, %jit3A : i32
      %sign3A = arith.constant 0 : i32
      %sign3A_80 = arith.cmpi sgt, %scan3A_77, %sign3A : i32
      %sign3A_81 = arith.extui %sign3A_80 : i1 to i32
      %sign3A_82 = arith.constant 0 : i32
      %sign3A_83 = arith.cmpi slt, %scan3A_77, %sign3A_82 : i32
      %sign3A_84 = arith.extui %sign3A_83 : i1 to i32
      %sign3A_85 = arith.subi %sign3A_81, %sign3A_84 : i32
      %sign3A_86 = arith.constant 0 : i32
      %sign3A_87 = arith.cmpi sgt, %jit3A, %sign3A_86 : i32
      %sign3A_88 = arith.extui %sign3A_87 : i1 to i32
      %sign3A_89 = arith.constant 0 : i32
      %sign3A_90 = arith.cmpi slt, %jit3A, %sign3A_89 : i32
      %sign3A_91 = arith.extui %sign3A_90 : i1 to i32
      %sign3A_92 = arith.subi %sign3A_88, %sign3A_91 : i32
      %ne3A = arith.cmpi ne, %sign3A_85, %sign3A_92 : i32
      %rem3A = arith.remsi %scan3A_77, %jit3A : i32
      %ne3A_93 = arith.constant 0 : i32
      %ne3A_94 = arith.cmpi ne, %rem3A, %ne3A_93 : i32
      %and3A = arith.andi %ne3A, %ne3A_94 : i1
      %sub3A = arith.constant 1 : i32
      %sub3A_95 = arith.subi %div3A, %sub3A : i32
      %select_n3A = arith.select %and3A, %sub3A_95, %div3A : i32
      %jit3A_96 = arith.constant 8 : i32
      %eq3A_97 = arith.constant 0 : i32
      %eq3A_98 = arith.cmpi eq, %jit3A_96, %eq3A_97 : i32
      %jit3A_99 = arith.constant 1 : i32
      %select_n3A_100 = arith.select %eq3A_98, %jit3A_99, %jit3A_96 : i32
      %rem3A_101 = arith.remsi %scan3A_77, %select_n3A_100 : i32
      %ne3A_102 = arith.constant 0 : i32
      %ne3A_103 = arith.cmpi ne, %rem3A_101, %ne3A_102 : i32
      %lt3A = arith.constant 0 : i32
      %lt3A_104 = arith.cmpi slt, %rem3A_101, %lt3A : i32
      %lt3A_105 = arith.constant 0 : i32
      %lt3A_106 = arith.cmpi slt, %select_n3A_100, %lt3A_105 : i32
      %ne3A_107 = arith.xori %lt3A_104, %lt3A_106 : i1
      %and3A_108 = arith.andi %ne3A_107, %ne3A_103 : i1
      %add3A_109 = arith.addi %rem3A_101, %select_n3A_100 : i32
      %select_n3A_110 = arith.select %and3A_108, %add3A_109, %rem3A_101 : i32
      %mul3A_111 = arith.constant 16 : i32
      %mul3A_112 = arith.muli %select_n3A_110, %mul3A_111 : i32
      %swap3A = arith.index_cast %select_n3A : i32 to index
      %swap3A_113 = arith.index_cast %mul3A_112 : i32 to index
      %swap3A_114 = tpu.vector_load %arg9[%swap3A, %swap3A_113] {strides = array<i32>} : memref<125x128xf32, #tpu.memory_space<vmem>>, vector<1x16xf32>,
      %swap3A_115 = vector.shape_cast %swap3A_114 : vector<1x16xf32> to vector<16xf32>
      %swap3A_116 = vector.shape_cast %broadcast_in_dim3A_79 : vector<16xf32> to vector<1x16xf32>
      tpu.vector_store %arg9[%swap3A, %swap3A_113], %swap3A_116 {strides = array<i32>} : memref<125x128xf32, #tpu.memory_space<vmem>>, vector<1x16xf32>,
      %scan3A_117 = arith.constant 0 : i32
      scf.yield %scan3A_117 : i32
    }
    %scan3A_5 = arith.constant 384 : i32
    %scan3A_6 = arith.constant 0 : i32
    %scan3A_7 = arith.constant 0 : i32
    %scan3A_8 = arith.constant 13 : i32
    %scan3A_9 = arith.addi %scan3A_7, %scan3A_8 : i32
    %scan3A_10 = arith.constant 1 : i32
    %scan3A_11 = scf.for %scan3A_77 = %scan3A_7 to %scan3A_9 step %scan3A_10 iter_args(%scan3A_78 = %scan3A_6) -> (i32)  : i32 {
      %mul3A_79 = arith.constant 624 : i32
      %mul3A_80 = arith.muli %arg1, %mul3A_79 : i32
      %mul3A_81 = arith.constant 48 : i32
      %mul3A_82 = arith.muli %scan3A_77, %mul3A_81 : i32
      %add3A_83 = arith.addi %mul3A_80, %mul3A_82 : i32
      "tpu.region"() ({
        %run_scoped3A = tpu.sem_alloc : memref<!tpu.dma_semaphore, #tpu.memory_space<semaphore_mem>>
        %dma_start3A_85 = arith.constant 0 : i32
        %dma_start3A_86 = arith.constant 0 : i32
        %dma_start3A_87 = tpu.memref_slice %arg9[%dma_start3A_85, %dma_start3A_86] : memref<125x128xf32, #tpu.memory_space<vmem>> -> memref<48x128xf32, #tpu.memory_space<vmem>>
        %dma_start3A_88 = arith.constant 0 : i32
        %dma_start3A_89 = tpu.memref_slice %arg6[%add3A_83, %dma_start3A_88] : memref<10000x128xf32, #tpu.memory_space<vmem_shared>> -> memref<48x128xf32, #tpu.memory_space<vmem_shared>>
        %dma_start3A_90 = arith.constant 0 : i32
        %dma_start3A_91 = tpu.memref_slice %arg6[%add3A_83, %dma_start3A_90] : memref<10000x128xf32, #tpu.memory_space<vmem_shared>> -> memref<48x128xf32, #tpu.memory_space<vmem_shared>>
        %dma_start3A_92 = arith.constant 0 : i32
        %dma_start3A_93 = arith.constant 0 : i32
        %dma_start3A_94 = tpu.memref_slice %arg9[%dma_start3A_92, %dma_start3A_93] : memref<125x128xf32, #tpu.memory_space<vmem>> -> memref<48x128xf32, #tpu.memory_space<vmem>>
        tpu.enqueue_dma source(%dma_start3A_94 : memref<48x128xf32, #tpu.memory_space<vmem>>) target(%dma_start3A_91 : memref<48x128xf32, #tpu.memory_space<vmem_shared>>) target_semaphore(%run_scoped3A : memref<!tpu.dma_semaphore, #tpu.memory_space<semaphore_mem>>)
        %dma_wait3A = arith.constant 0 : i32
        %dma_wait3A_95 = arith.constant 0 : i32
        %dma_wait3A_96 = tpu.memref_slice %arg9[%dma_wait3A, %dma_wait3A_95] : memref<125x128xf32, #tpu.memory_space<vmem>> -> memref<48x128xf32, #tpu.memory_space<vmem>>
        %dma_wait3A_97 = arith.constant 0 : i32
        %dma_wait3A_98 = tpu.memref_slice %arg6[%add3A_83, %dma_wait3A_97] : memref<10000x128xf32, #tpu.memory_space<vmem_shared>> -> memref<48x128xf32, #tpu.memory_space<vmem_shared>>
        %dma_wait3A_99 = arith.constant 0 : i32
        %dma_wait3A_100 = tpu.memref_slice %arg6[%add3A_83, %dma_wait3A_99] : memref<10000x128xf32, #tpu.memory_space<vmem_shared>> -> memref<48x128xf32, #tpu.memory_space<vmem_shared>>
        %dma_wait3A_101 = arith.constant 0 : i32
        %dma_wait3A_102 = arith.constant 0 : i32
        %dma_wait3A_103 = tpu.memref_slice %arg9[%dma_wait3A_101, %dma_wait3A_102] : memref<125x128xf32, #tpu.memory_space<vmem>> -> memref<48x128xf32, #tpu.memory_space<vmem>>
        tpu.wait_dma2 semaphore(%run_scoped3A : memref<!tpu.dma_semaphore, #tpu.memory_space<semaphore_mem>>) src(%dma_wait3A_103 : memref<48x128xf32, #tpu.memory_space<vmem>>) dst(%dma_wait3A_100 : memref<48x128xf32, #tpu.memory_space<vmem_shared>>)
        tpu.yield
      }) : () -> ()
      %scan3A_84 = arith.constant 0 : i32
      scf.yield %scan3A_84 : i32
    }
    %scan3A_12 = arith.constant 13 : i32
    %eq3A = arith.constant 15 : i32
    %eq3A_13 = arith.cmpi eq, %arg1, %eq3A : i32
    %convert_element_type3A = arith.extui %eq3A_13 : i1 to i32
    %cond3A = arith.constant 0 : i32
    %cond3A_14 = arith.cmpi ne, %convert_element_type3A, %cond3A : i32
    scf.if %cond3A_14 {
      "tpu.region"() ({
        %run_scoped3A = tpu.sem_alloc : memref<!tpu.dma_semaphore, #tpu.memory_space<semaphore_mem>>
        %dma_start3A_77 = arith.constant 0 : i32
        %dma_start3A_78 = arith.constant 0 : i32
        %dma_start3A_79 = tpu.memref_slice %arg9[%dma_start3A_77, %dma_start3A_78] : memref<125x128xf32, #tpu.memory_space<vmem>> -> memref<48x128xf32, #tpu.memory_space<vmem>>
        %dma_start3A_80 = arith.constant 0 : i32
        %dma_start3A_81 = arith.constant 0 : i32
        %dma_start3A_82 = tpu.memref_slice %dma_start3A_79[%dma_start3A_80, %dma_start3A_81] : memref<48x128xf32, #tpu.memory_space<vmem>> -> memref<16x128xf32, #tpu.memory_space<vmem>>
        %dma_start3A_83 = arith.constant 9984 : i32
        %dma_start3A_84 = arith.constant 0 : i32
        %dma_start3A_85 = tpu.memref_slice %arg6[%dma_start3A_83, %dma_start3A_84] : memref<10000x128xf32, #tpu.memory_space<vmem_shared>> -> memref<16x128xf32, #tpu.memory_space<vmem_shared>>
        %dma_start3A_86 = arith.constant 9984 : i32
        %dma_start3A_87 = arith.constant 0 : i32
        %dma_start3A_88 = tpu.memref_slice %arg6[%dma_start3A_86, %dma_start3A_87] : memref<10000x128xf32, #tpu.memory_space<vmem_shared>> -> memref<16x128xf32, #tpu.memory_space<vmem_shared>>
        %dma_start3A_89 = arith.constant 0 : i32
        %dma_start3A_90 = arith.constant 0 : i32
        %dma_start3A_91 = tpu.memref_slice %arg9[%dma_start3A_89, %dma_start3A_90] : memref<125x128xf32, #tpu.memory_space<vmem>> -> memref<48x128xf32, #tpu.memory_space<vmem>>
        %dma_start3A_92 = arith.constant 0 : i32
        %dma_start3A_93 = arith.constant 0 : i32
        %dma_start3A_94 = tpu.memref_slice %dma_start3A_91[%dma_start3A_92, %dma_start3A_93] : memref<48x128xf32, #tpu.memory_space<vmem>> -> memref<16x128xf32, #tpu.memory_space<vmem>>
        tpu.enqueue_dma source(%dma_start3A_94 : memref<16x128xf32, #tpu.memory_space<vmem>>) target(%dma_start3A_88 : memref<16x128xf32, #tpu.memory_space<vmem_shared>>) target_semaphore(%run_scoped3A : memref<!tpu.dma_semaphore, #tpu.memory_space<semaphore_mem>>)
        %dma_wait3A = arith.constant 0 : i32
        %dma_wait3A_95 = arith.constant 0 : i32
        %dma_wait3A_96 = tpu.memref_slice %arg9[%dma_wait3A, %dma_wait3A_95] : memref<125x128xf32, #tpu.memory_space<vmem>> -> memref<48x128xf32, #tpu.memory_space<vmem>>
        %dma_wait3A_97 = arith.constant 0 : i32
        %dma_wait3A_98 = arith.constant 0 : i32
        %dma_wait3A_99 = tpu.memref_slice %dma_wait3A_96[%dma_wait3A_97, %dma_wait3A_98] : memref<48x128xf32, #tpu.memory_space<vmem>> -> memref<16x128xf32, #tpu.memory_space<vmem>>
        %dma_wait3A_100 = arith.constant 9984 : i32
        %dma_wait3A_101 = arith.constant 0 : i32
        %dma_wait3A_102 = tpu.memref_slice %arg6[%dma_wait3A_100, %dma_wait3A_101] : memref<10000x128xf32, #tpu.memory_space<vmem_shared>> -> memref<16x128xf32, #tpu.memory_space<vmem_shared>>
        %dma_wait3A_103 = arith.constant 9984 : i32
        %dma_wait3A_104 = arith.constant 0 : i32
        %dma_wait3A_105 = tpu.memref_slice %arg6[%dma_wait3A_103, %dma_wait3A_104] : memref<10000x128xf32, #tpu.memory_space<vmem_shared>> -> memref<16x128xf32, #tpu.memory_space<vmem_shared>>
        %dma_wait3A_106 = arith.constant 0 : i32
        %dma_wait3A_107 = arith.constant 0 : i32
        %dma_wait3A_108 = tpu.memref_slice %arg9[%dma_wait3A_106, %dma_wait3A_107] : memref<125x128xf32, #tpu.memory_space<vmem>> -> memref<48x128xf32, #tpu.memory_space<vmem>>
        %dma_wait3A_109 = arith.constant 0 : i32
        %dma_wait3A_110 = arith.constant 0 : i32
        %dma_wait3A_111 = tpu.memref_slice %dma_wait3A_108[%dma_wait3A_109, %dma_wait3A_110] : memref<48x128xf32, #tpu.memory_space<vmem>> -> memref<16x128xf32, #tpu.memory_space<vmem>>
        tpu.wait_dma2 semaphore(%run_scoped3A : memref<!tpu.dma_semaphore, #tpu.memory_space<semaphore_mem>>) src(%dma_wait3A_111 : memref<16x128xf32, #tpu.memory_space<vmem>>) dst(%dma_wait3A_105 : memref<16x128xf32, #tpu.memory_space<vmem_shared>>)
        tpu.yield
      }) : () -> ()
    } else {
    }
    %barrier3A = arith.constant 0 : index
    tpu.barrier barrier_id(%barrier3A)
    %mul3A = arith.constant 16 : i32
    %mul3A_15 = arith.muli %arg0, %mul3A : i32
    %add3A = arith.addi %mul3A_15, %arg1 : i32
    %mul3A_16 = arith.constant 80 : i32
    %mul3A_17 = arith.muli %add3A, %mul3A_16 : i32
    %add3A_18 = arith.constant 0 : i32
    %add3A_19 = arith.addi %mul3A_17, %add3A_18 : i32
    "tpu.region"() ({
      %run_scoped3A = tpu.sem_alloc : memref<!tpu.dma_semaphore, #tpu.memory_space<semaphore_mem>>
      %dma_start3A_77 = arith.constant 0 : i32
      %dma_start3A_78 = tpu.memref_slice %arg3[%add3A_19, %dma_start3A_77] : memref<2560x125xi32, #tpu.memory_space<hbm>> -> memref<40x125xi32, #tpu.memory_space<hbm>>
      %dma_start3A_79 = arith.constant 0 : i32
      %dma_start3A_80 = tpu.memref_slice %arg3[%add3A_19, %dma_start3A_79] : memref<2560x125xi32, #tpu.memory_space<hbm>> -> memref<40x125xi32, #tpu.memory_space<hbm>>
      tpu.enqueue_dma source(%dma_start3A_80 : memref<40x125xi32, #tpu.memory_space<hbm>>) target(%arg7 : memref<40x125xi32, #tpu.memory_space<vmem>>) target_semaphore(%run_scoped3A : memref<!tpu.dma_semaphore, #tpu.memory_space<semaphore_mem>>)
      %dma_wait3A = arith.constant 0 : i32
      %dma_wait3A_81 = tpu.memref_slice %arg3[%add3A_19, %dma_wait3A] : memref<2560x125xi32, #tpu.memory_space<hbm>> -> memref<40x125xi32, #tpu.memory_space<hbm>>
      %dma_wait3A_82 = arith.constant 0 : i32
      %dma_wait3A_83 = tpu.memref_slice %arg3[%add3A_19, %dma_wait3A_82] : memref<2560x125xi32, #tpu.memory_space<hbm>> -> memref<40x125xi32, #tpu.memory_space<hbm>>
      tpu.wait_dma2 semaphore(%run_scoped3A : memref<!tpu.dma_semaphore, #tpu.memory_space<semaphore_mem>>) src(%dma_wait3A_83 : memref<40x125xi32, #tpu.memory_space<hbm>>) dst(%arg7 : memref<40x125xi32, #tpu.memory_space<vmem>>)
      tpu.yield
    }) : () -> ()
    %add3A_20 = arith.constant 0 : i32
    %add3A_21 = arith.addi %mul3A_17, %add3A_20 : i32
    "tpu.region"() ({
      %run_scoped3A = tpu.sem_alloc : memref<!tpu.dma_semaphore, #tpu.memory_space<semaphore_mem>>
      %dma_start3A_77 = arith.constant 0 : i32
      %dma_start3A_78 = tpu.memref_slice %arg4[%add3A_21, %dma_start3A_77] : memref<2560x125xi32, #tpu.memory_space<hbm>> -> memref<40x125xi32, #tpu.memory_space<hbm>>
      %dma_start3A_79 = arith.constant 0 : i32
      %dma_start3A_80 = tpu.memref_slice %arg4[%add3A_21, %dma_start3A_79] : memref<2560x125xi32, #tpu.memory_space<hbm>> -> memref<40x125xi32, #tpu.memory_space<hbm>>
      tpu.enqueue_dma source(%dma_start3A_80 : memref<40x125xi32, #tpu.memory_space<hbm>>) target(%arg8 : memref<40x125xi32, #tpu.memory_space<vmem>>) target_semaphore(%run_scoped3A : memref<!tpu.dma_semaphore, #tpu.memory_space<semaphore_mem>>)
      %dma_wait3A = arith.constant 0 : i32
      %dma_wait3A_81 = tpu.memref_slice %arg4[%add3A_21, %dma_wait3A] : memref<2560x125xi32, #tpu.memory_space<hbm>> -> memref<40x125xi32, #tpu.memory_space<hbm>>
      %dma_wait3A_82 = arith.constant 0 : i32
      %dma_wait3A_83 = tpu.memref_slice %arg4[%add3A_21, %dma_wait3A_82] : memref<2560x125xi32, #tpu.memory_space<hbm>> -> memref<40x125xi32, #tpu.memory_space<hbm>>
      tpu.wait_dma2 semaphore(%run_scoped3A : memref<!tpu.dma_semaphore, #tpu.memory_space<semaphore_mem>>) src(%dma_wait3A_83 : memref<40x125xi32, #tpu.memory_space<hbm>>) dst(%arg8 : memref<40x125xi32, #tpu.memory_space<vmem>>)
      tpu.yield
    }) : () -> ()
    %dma_start3A = arith.constant 0 : i32
    %dma_start3A_22 = arith.constant 0 : i32
    %dma_start3A_23 = tpu.memref_slice %arg7[%dma_start3A, %dma_start3A_22] : memref<40x125xi32, #tpu.memory_space<vmem>> -> memref<1x125xi32, #tpu.memory_space<vmem>>
    %dma_start3A_24 = tpu.memref_squeeze %dma_start3A_23 : memref<1x125xi32, #tpu.memory_space<vmem>> -> memref<125xi32, #tpu.memory_space<vmem>>
    %dma_start3A_25 = arith.constant 0 : i32
    %dma_start3A_26 = arith.constant 0 : i32
    %dma_start3A_27 = tpu.memref_slice %arg2[%dma_start3A_25, %dma_start3A_26] : memref<10000x128xf32, #tpu.memory_space<hbm>> -> memref<10000x128xf32, #tpu.memory_space<hbm>>
    tpu.enqueue_indirect_dma source(%dma_start3A_27 : memref<10000x128xf32, #tpu.memory_space<hbm>>) target(%arg9 : memref<125x128xf32, #tpu.memory_space<vmem>>) offsets(%dma_start3A_24 : memref<125xi32, #tpu.memory_space<vmem>>) semaphore(%arg11 : memref<!tpu.dma_semaphore, #tpu.memory_space<semaphore_mem>>)
    %dma_start3A_28 = arith.constant 1 : i32
    %dma_start3A_29 = arith.constant 0 : i32
    %dma_start3A_30 = tpu.memref_slice %arg7[%dma_start3A_28, %dma_start3A_29] : memref<40x125xi32, #tpu.memory_space<vmem>> -> memref<1x125xi32, #tpu.memory_space<vmem>>
    %dma_start3A_31 = tpu.memref_squeeze %dma_start3A_30 : memref<1x125xi32, #tpu.memory_space<vmem>> -> memref<125xi32, #tpu.memory_space<vmem>>
    %dma_start3A_32 = arith.constant 0 : i32
    %dma_start3A_33 = arith.constant 0 : i32
    %dma_start3A_34 = tpu.memref_slice %arg2[%dma_start3A_32, %dma_start3A_33] : memref<10000x128xf32, #tpu.memory_space<hbm>> -> memref<10000x128xf32, #tpu.memory_space<hbm>>
    tpu.enqueue_indirect_dma source(%dma_start3A_34 : memref<10000x128xf32, #tpu.memory_space<hbm>>) target(%arg10 : memref<125x128xf32, #tpu.memory_space<vmem>>) offsets(%dma_start3A_31 : memref<125xi32, #tpu.memory_space<vmem>>) semaphore(%arg12 : memref<!tpu.dma_semaphore, #tpu.memory_space<semaphore_mem>>)
    %scan3A_35 = arith.constant 0 : i32
    %scan3A_36 = arith.constant 0 : i32
    %scan3A_37 = arith.constant 20 : i32
    %scan3A_38 = arith.addi %scan3A_36, %scan3A_37 : i32
    %scan3A_39 = arith.constant 1 : i32
    %scan3A_40 = scf.for %scan3A_77 = %scan3A_36 to %scan3A_38 step %scan3A_39 iter_args(%scan3A_78 = %scan3A_35) -> (i32)  : i32 {
      %mul3A_79 = arith.constant 2 : i32
      %mul3A_80 = arith.muli %scan3A_77, %mul3A_79 : i32
      %add3A_81 = arith.constant 0 : i32
      %add3A_82 = arith.addi %mul3A_80, %add3A_81 : i32
      %dma_wait3A = arith.constant 0 : i32
      %dma_wait3A_83 = tpu.memref_slice %arg7[%add3A_82, %dma_wait3A] : memref<40x125xi32, #tpu.memory_space<vmem>> -> memref<1x125xi32, #tpu.memory_space<vmem>>
      %dma_wait3A_84 = tpu.memref_squeeze %dma_wait3A_83 : memref<1x125xi32, #tpu.memory_space<vmem>> -> memref<125xi32, #tpu.memory_space<vmem>>
      %dma_wait3A_85 = arith.constant 0 : i32
      %dma_wait3A_86 = arith.constant 0 : i32
      %dma_wait3A_87 = tpu.memref_slice %arg2[%dma_wait3A_85, %dma_wait3A_86] : memref<10000x128xf32, #tpu.memory_space<hbm>> -> memref<10000x128xf32, #tpu.memory_space<hbm>>
      tpu.wait_indirect_dma semaphore(%arg11 : memref<!tpu.dma_semaphore, #tpu.memory_space<semaphore_mem>>) src(%dma_wait3A_87 : memref<10000x128xf32, #tpu.memory_space<hbm>>) dst(%arg9 : memref<125x128xf32, #tpu.memory_space<vmem>>)
      "tpu.region"() ({
        %run_scoped3A = tpu.sem_alloc : memref<!tpu.dma_semaphore, #tpu.memory_space<semaphore_mem>>
        %dma_start3A_112 = arith.constant 0 : i32
        %dma_start3A_113 = tpu.memref_slice %arg8[%add3A_82, %dma_start3A_112] : memref<40x125xi32, #tpu.memory_space<vmem>> -> memref<1x125xi32, #tpu.memory_space<vmem>>
        %dma_start3A_114 = tpu.memref_squeeze %dma_start3A_113 : memref<1x125xi32, #tpu.memory_space<vmem>> -> memref<125xi32, #tpu.memory_space<vmem>>
        %dma_start3A_115 = arith.constant 0 : i32
        %dma_start3A_116 = arith.constant 0 : i32
        %dma_start3A_117 = tpu.memref_slice %arg6[%dma_start3A_115, %dma_start3A_116] : memref<10000x128xf32, #tpu.memory_space<vmem_shared>> -> memref<10000x128xf32, #tpu.memory_space<vmem_shared>>
        tpu.enqueue_indirect_dma source(%arg9 : memref<125x128xf32, #tpu.memory_space<vmem>>) target(%dma_start3A_117 : memref<10000x128xf32, #tpu.memory_space<vmem_shared>>) offsets(%dma_start3A_114 : memref<125xi32, #tpu.memory_space<vmem>>) semaphore(%run_scoped3A : memref<!tpu.dma_semaphore, #tpu.memory_space<semaphore_mem>>) {add = true}
        %dma_wait3A_118 = arith.constant 0 : i32
        %dma_wait3A_119 = tpu.memref_slice %arg8[%add3A_82, %dma_wait3A_118] : memref<40x125xi32, #tpu.memory_space<vmem>> -> memref<1x125xi32, #tpu.memory_space<vmem>>
        %dma_wait3A_120 = tpu.memref_squeeze %dma_wait3A_119 : memref<1x125xi32, #tpu.memory_space<vmem>> -> memref<125xi32, #tpu.memory_space<vmem>>
        %dma_wait3A_121 = arith.constant 0 : i32
        %dma_wait3A_122 = arith.constant 0 : i32
        %dma_wait3A_123 = tpu.memref_slice %arg6[%dma_wait3A_121, %dma_wait3A_122] : memref<10000x128xf32, #tpu.memory_space<vmem_shared>> -> memref<10000x128xf32, #tpu.memory_space<vmem_shared>>
        tpu.wait_indirect_dma semaphore(%run_scoped3A : memref<!tpu.dma_semaphore, #tpu.memory_space<semaphore_mem>>) src(%arg9 : memref<125x128xf32, #tpu.memory_space<vmem>>) dst(%dma_wait3A_123 : memref<10000x128xf32, #tpu.memory_space<vmem_shared>>)
        tpu.yield
      }) : () -> ()
      %add3A_88 = arith.constant 2 : i32
      %add3A_89 = arith.addi %add3A_82, %add3A_88 : i32
      %lt3A = arith.constant 40 : i32
      %lt3A_90 = arith.cmpi slt, %add3A_89, %lt3A : i32
      %convert_element_type3A_91 = arith.extui %lt3A_90 : i1 to i32
      %cond3A_92 = arith.constant 0 : i32
      %cond3A_93 = arith.cmpi ne, %convert_element_type3A_91, %cond3A_92 : i32
      scf.if %cond3A_93 {
        %add3A_112 = arith.constant 2 : i32
        %add3A_113 = arith.addi %add3A_82, %add3A_112 : i32
        %dma_start3A_114 = arith.constant 0 : i32
        %dma_start3A_115 = tpu.memref_slice %arg7[%add3A_113, %dma_start3A_114] : memref<40x125xi32, #tpu.memory_space<vmem>> -> memref<1x125xi32, #tpu.memory_space<vmem>>
        %dma_start3A_116 = tpu.memref_squeeze %dma_start3A_115 : memref<1x125xi32, #tpu.memory_space<vmem>> -> memref<125xi32, #tpu.memory_space<vmem>>
        %dma_start3A_117 = arith.constant 0 : i32
        %dma_start3A_118 = arith.constant 0 : i32
        %dma_start3A_119 = tpu.memref_slice %arg2[%dma_start3A_117, %dma_start3A_118] : memref<10000x128xf32, #tpu.memory_space<hbm>> -> memref<10000x128xf32, #tpu.memory_space<hbm>>
        tpu.enqueue_indirect_dma source(%dma_start3A_119 : memref<10000x128xf32, #tpu.memory_space<hbm>>) target(%arg9 : memref<125x128xf32, #tpu.memory_space<vmem>>) offsets(%dma_start3A_116 : memref<125xi32, #tpu.memory_space<vmem>>) semaphore(%arg11 : memref<!tpu.dma_semaphore, #tpu.memory_space<semaphore_mem>>)
      } else {
      }
      %mul3A_94 = arith.constant 2 : i32
      %mul3A_95 = arith.muli %scan3A_77, %mul3A_94 : i32
      %add3A_96 = arith.constant 1 : i32
      %add3A_97 = arith.addi %mul3A_95, %add3A_96 : i32
      %dma_wait3A_98 = arith.constant 0 : i32
      %dma_wait3A_99 = tpu.memref_slice %arg7[%add3A_97, %dma_wait3A_98] : memref<40x125xi32, #tpu.memory_space<vmem>> -> memref<1x125xi32, #tpu.memory_space<vmem>>
      %dma_wait3A_100 = tpu.memref_squeeze %dma_wait3A_99 : memref<1x125xi32, #tpu.memory_space<vmem>> -> memref<125xi32, #tpu.memory_space<vmem>>
      %dma_wait3A_101 = arith.constant 0 : i32
      %dma_wait3A_102 = arith.constant 0 : i32
      %dma_wait3A_103 = tpu.memref_slice %arg2[%dma_wait3A_101, %dma_wait3A_102] : memref<10000x128xf32, #tpu.memory_space<hbm>> -> memref<10000x128xf32, #tpu.memory_space<hbm>>
      tpu.wait_indirect_dma semaphore(%arg12 : memref<!tpu.dma_semaphore, #tpu.memory_space<semaphore_mem>>) src(%dma_wait3A_103 : memref<10000x128xf32, #tpu.memory_space<hbm>>) dst(%arg10 : memref<125x128xf32, #tpu.memory_space<vmem>>)
      "tpu.region"() ({
        %run_scoped3A = tpu.sem_alloc : memref<!tpu.dma_semaphore, #tpu.memory_space<semaphore_mem>>
        %dma_start3A_112 = arith.constant 0 : i32
        %dma_start3A_113 = tpu.memref_slice %arg8[%add3A_97, %dma_start3A_112] : memref<40x125xi32, #tpu.memory_space<vmem>> -> memref<1x125xi32, #tpu.memory_space<vmem>>
        %dma_start3A_114 = tpu.memref_squeeze %dma_start3A_113 : memref<1x125xi32, #tpu.memory_space<vmem>> -> memref<125xi32, #tpu.memory_space<vmem>>
        %dma_start3A_115 = arith.constant 0 : i32
        %dma_start3A_116 = arith.constant 0 : i32
        %dma_start3A_117 = tpu.memref_slice %arg6[%dma_start3A_115, %dma_start3A_116] : memref<10000x128xf32, #tpu.memory_space<vmem_shared>> -> memref<10000x128xf32, #tpu.memory_space<vmem_shared>>
        tpu.enqueue_indirect_dma source(%arg10 : memref<125x128xf32, #tpu.memory_space<vmem>>) target(%dma_start3A_117 : memref<10000x128xf32, #tpu.memory_space<vmem_shared>>) offsets(%dma_start3A_114 : memref<125xi32, #tpu.memory_space<vmem>>) semaphore(%run_scoped3A : memref<!tpu.dma_semaphore, #tpu.memory_space<semaphore_mem>>) {add = true}
        %dma_wait3A_118 = arith.constant 0 : i32
        %dma_wait3A_119 = tpu.memref_slice %arg8[%add3A_97, %dma_wait3A_118] : memref<40x125xi32, #tpu.memory_space<vmem>> -> memref<1x125xi32, #tpu.memory_space<vmem>>
        %dma_wait3A_120 = tpu.memref_squeeze %dma_wait3A_119 : memref<1x125xi32, #tpu.memory_space<vmem>> -> memref<125xi32, #tpu.memory_space<vmem>>
        %dma_wait3A_121 = arith.constant 0 : i32
        %dma_wait3A_122 = arith.constant 0 : i32
        %dma_wait3A_123 = tpu.memref_slice %arg6[%dma_wait3A_121, %dma_wait3A_122] : memref<10000x128xf32, #tpu.memory_space<vmem_shared>> -> memref<10000x128xf32, #tpu.memory_space<vmem_shared>>
        tpu.wait_indirect_dma semaphore(%run_scoped3A : memref<!tpu.dma_semaphore, #tpu.memory_space<semaphore_mem>>) src(%arg10 : memref<125x128xf32, #tpu.memory_space<vmem>>) dst(%dma_wait3A_123 : memref<10000x128xf32, #tpu.memory_space<vmem_shared>>)
        tpu.yield
      }) : () -> ()
      %add3A_104 = arith.constant 2 : i32
      %add3A_105 = arith.addi %add3A_97, %add3A_104 : i32
      %lt3A_106 = arith.constant 40 : i32
      %lt3A_107 = arith.cmpi slt, %add3A_105, %lt3A_106 : i32
      %convert_element_type3A_108 = arith.extui %lt3A_107 : i1 to i32
      %cond3A_109 = arith.constant 0 : i32
      %cond3A_110 = arith.cmpi ne, %convert_element_type3A_108, %cond3A_109 : i32
      scf.if %cond3A_110 {
        %add3A_112 = arith.constant 2 : i32
        %add3A_113 = arith.addi %add3A_97, %add3A_112 : i32
        %dma_start3A_114 = arith.constant 0 : i32
        %dma_start3A_115 = tpu.memref_slice %arg7[%add3A_113, %dma_start3A_114] : memref<40x125xi32, #tpu.memory_space<vmem>> -> memref<1x125xi32, #tpu.memory_space<vmem>>
        %dma_start3A_116 = tpu.memref_squeeze %dma_start3A_115 : memref<1x125xi32, #tpu.memory_space<vmem>> -> memref<125xi32, #tpu.memory_space<vmem>>
        %dma_start3A_117 = arith.constant 0 : i32
        %dma_start3A_118 = arith.constant 0 : i32
        %dma_start3A_119 = tpu.memref_slice %arg2[%dma_start3A_117, %dma_start3A_118] : memref<10000x128xf32, #tpu.memory_space<hbm>> -> memref<10000x128xf32, #tpu.memory_space<hbm>>
        tpu.enqueue_indirect_dma source(%dma_start3A_119 : memref<10000x128xf32, #tpu.memory_space<hbm>>) target(%arg10 : memref<125x128xf32, #tpu.memory_space<vmem>>) offsets(%dma_start3A_116 : memref<125xi32, #tpu.memory_space<vmem>>) semaphore(%arg12 : memref<!tpu.dma_semaphore, #tpu.memory_space<semaphore_mem>>)
      } else {
      }
      %scan3A_111 = arith.constant 0 : i32
      scf.yield %scan3A_111 : i32
    }
    %scan3A_41 = arith.constant 20 : i32
    %add3A_42 = arith.constant 40 : i32
    %add3A_43 = arith.addi %mul3A_17, %add3A_42 : i32
    "tpu.region"() ({
      %run_scoped3A = tpu.sem_alloc : memref<!tpu.dma_semaphore, #tpu.memory_space<semaphore_mem>>
      %dma_start3A_77 = arith.constant 0 : i32
      %dma_start3A_78 = tpu.memref_slice %arg3[%add3A_43, %dma_start3A_77] : memref<2560x125xi32, #tpu.memory_space<hbm>> -> memref<40x125xi32, #tpu.memory_space<hbm>>
      %dma_start3A_79 = arith.constant 0 : i32
      %dma_start3A_80 = tpu.memref_slice %arg3[%add3A_43, %dma_start3A_79] : memref<2560x125xi32, #tpu.memory_space<hbm>> -> memref<40x125xi32, #tpu.memory_space<hbm>>
      tpu.enqueue_dma source(%dma_start3A_80 : memref<40x125xi32, #tpu.memory_space<hbm>>) target(%arg7 : memref<40x125xi32, #tpu.memory_space<vmem>>) target_semaphore(%run_scoped3A : memref<!tpu.dma_semaphore, #tpu.memory_space<semaphore_mem>>)
      %dma_wait3A = arith.constant 0 : i32
      %dma_wait3A_81 = tpu.memref_slice %arg3[%add3A_43, %dma_wait3A] : memref<2560x125xi32, #tpu.memory_space<hbm>> -> memref<40x125xi32, #tpu.memory_space<hbm>>
      %dma_wait3A_82 = arith.constant 0 : i32
      %dma_wait3A_83 = tpu.memref_slice %arg3[%add3A_43, %dma_wait3A_82] : memref<2560x125xi32, #tpu.memory_space<hbm>> -> memref<40x125xi32, #tpu.memory_space<hbm>>
      tpu.wait_dma2 semaphore(%run_scoped3A : memref<!tpu.dma_semaphore, #tpu.memory_space<semaphore_mem>>) src(%dma_wait3A_83 : memref<40x125xi32, #tpu.memory_space<hbm>>) dst(%arg7 : memref<40x125xi32, #tpu.memory_space<vmem>>)
      tpu.yield
    }) : () -> ()
    %add3A_44 = arith.constant 40 : i32
    %add3A_45 = arith.addi %mul3A_17, %add3A_44 : i32
    "tpu.region"() ({
      %run_scoped3A = tpu.sem_alloc : memref<!tpu.dma_semaphore, #tpu.memory_space<semaphore_mem>>
      %dma_start3A_77 = arith.constant 0 : i32
      %dma_start3A_78 = tpu.memref_slice %arg4[%add3A_45, %dma_start3A_77] : memref<2560x125xi32, #tpu.memory_space<hbm>> -> memref<40x125xi32, #tpu.memory_space<hbm>>
      %dma_start3A_79 = arith.constant 0 : i32
      %dma_start3A_80 = tpu.memref_slice %arg4[%add3A_45, %dma_start3A_79] : memref<2560x125xi32, #tpu.memory_space<hbm>> -> memref<40x125xi32, #tpu.memory_space<hbm>>
      tpu.enqueue_dma source(%dma_start3A_80 : memref<40x125xi32, #tpu.memory_space<hbm>>) target(%arg8 : memref<40x125xi32, #tpu.memory_space<vmem>>) target_semaphore(%run_scoped3A : memref<!tpu.dma_semaphore, #tpu.memory_space<semaphore_mem>>)
      %dma_wait3A = arith.constant 0 : i32
      %dma_wait3A_81 = tpu.memref_slice %arg4[%add3A_45, %dma_wait3A] : memref<2560x125xi32, #tpu.memory_space<hbm>> -> memref<40x125xi32, #tpu.memory_space<hbm>>
      %dma_wait3A_82 = arith.constant 0 : i32
      %dma_wait3A_83 = tpu.memref_slice %arg4[%add3A_45, %dma_wait3A_82] : memref<2560x125xi32, #tpu.memory_space<hbm>> -> memref<40x125xi32, #tpu.memory_space<hbm>>
      tpu.wait_dma2 semaphore(%run_scoped3A : memref<!tpu.dma_semaphore, #tpu.memory_space<semaphore_mem>>) src(%dma_wait3A_83 : memref<40x125xi32, #tpu.memory_space<hbm>>) dst(%arg8 : memref<40x125xi32, #tpu.memory_space<vmem>>)
      tpu.yield
    }) : () -> ()
    %dma_start3A_46 = arith.constant 0 : i32
    %dma_start3A_47 = arith.constant 0 : i32
    %dma_start3A_48 = tpu.memref_slice %arg7[%dma_start3A_46, %dma_start3A_47] : memref<40x125xi32, #tpu.memory_space<vmem>> -> memref<1x125xi32, #tpu.memory_space<vmem>>
    %dma_start3A_49 = tpu.memref_squeeze %dma_start3A_48 : memref<1x125xi32, #tpu.memory_space<vmem>> -> memref<125xi32, #tpu.memory_space<vmem>>
    %dma_start3A_50 = arith.constant 0 : i32
    %dma_start3A_51 = arith.constant 0 : i32
    %dma_start3A_52 = tpu.memref_slice %arg2[%dma_start3A_50, %dma_start3A_51] : memref<10000x128xf32, #tpu.memory_space<hbm>> -> memref<10000x128xf32, #tpu.memory_space<hbm>>
    tpu.enqueue_indirect_dma source(%dma_start3A_52 : memref<10000x128xf32, #tpu.memory_space<hbm>>) target(%arg9 : memref<125x128xf32, #tpu.memory_space<vmem>>) offsets(%dma_start3A_49 : memref<125xi32, #tpu.memory_space<vmem>>) semaphore(%arg11 : memref<!tpu.dma_semaphore, #tpu.memory_space<semaphore_mem>>)
    %dma_start3A_53 = arith.constant 1 : i32
    %dma_start3A_54 = arith.constant 0 : i32
    %dma_start3A_55 = tpu.memref_slice %arg7[%dma_start3A_53, %dma_start3A_54] : memref<40x125xi32, #tpu.memory_space<vmem>> -> memref<1x125xi32, #tpu.memory_space<vmem>>
    %dma_start3A_56 = tpu.memref_squeeze %dma_start3A_55 : memref<1x125xi32, #tpu.memory_space<vmem>> -> memref<125xi32, #tpu.memory_space<vmem>>
    %dma_start3A_57 = arith.constant 0 : i32
    %dma_start3A_58 = arith.constant 0 : i32
    %dma_start3A_59 = tpu.memref_slice %arg2[%dma_start3A_57, %dma_start3A_58] : memref<10000x128xf32, #tpu.memory_space<hbm>> -> memref<10000x128xf32, #tpu.memory_space<hbm>>
    tpu.enqueue_indirect_dma source(%dma_start3A_59 : memref<10000x128xf32, #tpu.memory_space<hbm>>) target(%arg10 : memref<125x128xf32, #tpu.memory_space<vmem>>) offsets(%dma_start3A_56 : memref<125xi32, #tpu.memory_space<vmem>>) semaphore(%arg12 : memref<!tpu.dma_semaphore, #tpu.memory_space<semaphore_mem>>)
    %scan3A_60 = arith.constant 0 : i32
    %scan3A_61 = arith.constant 0 : i32
    %scan3A_62 = arith.constant 20 : i32
    %scan3A_63 = arith.addi %scan3A_61, %scan3A_62 : i32
    %scan3A_64 = arith.constant 1 : i32
    %scan3A_65 = scf.for %scan3A_77 = %scan3A_61 to %scan3A_63 step %scan3A_64 iter_args(%scan3A_78 = %scan3A_60) -> (i32)  : i32 {
      %mul3A_79 = arith.constant 2 : i32
      %mul3A_80 = arith.muli %scan3A_77, %mul3A_79 : i32
      %add3A_81 = arith.constant 0 : i32
      %add3A_82 = arith.addi %mul3A_80, %add3A_81 : i32
      %dma_wait3A = arith.constant 0 : i32
      %dma_wait3A_83 = tpu.memref_slice %arg7[%add3A_82, %dma_wait3A] : memref<40x125xi32, #tpu.memory_space<vmem>> -> memref<1x125xi32, #tpu.memory_space<vmem>>
      %dma_wait3A_84 = tpu.memref_squeeze %dma_wait3A_83 : memref<1x125xi32, #tpu.memory_space<vmem>> -> memref<125xi32, #tpu.memory_space<vmem>>
      %dma_wait3A_85 = arith.constant 0 : i32
      %dma_wait3A_86 = arith.constant 0 : i32
      %dma_wait3A_87 = tpu.memref_slice %arg2[%dma_wait3A_85, %dma_wait3A_86] : memref<10000x128xf32, #tpu.memory_space<hbm>> -> memref<10000x128xf32, #tpu.memory_space<hbm>>
      tpu.wait_indirect_dma semaphore(%arg11 : memref<!tpu.dma_semaphore, #tpu.memory_space<semaphore_mem>>) src(%dma_wait3A_87 : memref<10000x128xf32, #tpu.memory_space<hbm>>) dst(%arg9 : memref<125x128xf32, #tpu.memory_space<vmem>>)
      "tpu.region"() ({
        %run_scoped3A = tpu.sem_alloc : memref<!tpu.dma_semaphore, #tpu.memory_space<semaphore_mem>>
        %dma_start3A_112 = arith.constant 0 : i32
        %dma_start3A_113 = tpu.memref_slice %arg8[%add3A_82, %dma_start3A_112] : memref<40x125xi32, #tpu.memory_space<vmem>> -> memref<1x125xi32, #tpu.memory_space<vmem>>
        %dma_start3A_114 = tpu.memref_squeeze %dma_start3A_113 : memref<1x125xi32, #tpu.memory_space<vmem>> -> memref<125xi32, #tpu.memory_space<vmem>>
        %dma_start3A_115 = arith.constant 0 : i32
        %dma_start3A_116 = arith.constant 0 : i32
        %dma_start3A_117 = tpu.memref_slice %arg6[%dma_start3A_115, %dma_start3A_116] : memref<10000x128xf32, #tpu.memory_space<vmem_shared>> -> memref<10000x128xf32, #tpu.memory_space<vmem_shared>>
        tpu.enqueue_indirect_dma source(%arg9 : memref<125x128xf32, #tpu.memory_space<vmem>>) target(%dma_start3A_117 : memref<10000x128xf32, #tpu.memory_space<vmem_shared>>) offsets(%dma_start3A_114 : memref<125xi32, #tpu.memory_space<vmem>>) semaphore(%run_scoped3A : memref<!tpu.dma_semaphore, #tpu.memory_space<semaphore_mem>>) {add = true}
        %dma_wait3A_118 = arith.constant 0 : i32
        %dma_wait3A_119 = tpu.memref_slice %arg8[%add3A_82, %dma_wait3A_118] : memref<40x125xi32, #tpu.memory_space<vmem>> -> memref<1x125xi32, #tpu.memory_space<vmem>>
        %dma_wait3A_120 = tpu.memref_squeeze %dma_wait3A_119 : memref<1x125xi32, #tpu.memory_space<vmem>> -> memref<125xi32, #tpu.memory_space<vmem>>
        %dma_wait3A_121 = arith.constant 0 : i32
        %dma_wait3A_122 = arith.constant 0 : i32
        %dma_wait3A_123 = tpu.memref_slice %arg6[%dma_wait3A_121, %dma_wait3A_122] : memref<10000x128xf32, #tpu.memory_space<vmem_shared>> -> memref<10000x128xf32, #tpu.memory_space<vmem_shared>>
        tpu.wait_indirect_dma semaphore(%run_scoped3A : memref<!tpu.dma_semaphore, #tpu.memory_space<semaphore_mem>>) src(%arg9 : memref<125x128xf32, #tpu.memory_space<vmem>>) dst(%dma_wait3A_123 : memref<10000x128xf32, #tpu.memory_space<vmem_shared>>)
        tpu.yield
      }) : () -> ()
      %add3A_88 = arith.constant 2 : i32
      %add3A_89 = arith.addi %add3A_82, %add3A_88 : i32
      %lt3A = arith.constant 40 : i32
      %lt3A_90 = arith.cmpi slt, %add3A_89, %lt3A : i32
      %convert_element_type3A_91 = arith.extui %lt3A_90 : i1 to i32
      %cond3A_92 = arith.constant 0 : i32
      %cond3A_93 = arith.cmpi ne, %convert_element_type3A_91, %cond3A_92 : i32
      scf.if %cond3A_93 {
        %add3A_112 = arith.constant 2 : i32
        %add3A_113 = arith.addi %add3A_82, %add3A_112 : i32
        %dma_start3A_114 = arith.constant 0 : i32
        %dma_start3A_115 = tpu.memref_slice %arg7[%add3A_113, %dma_start3A_114] : memref<40x125xi32, #tpu.memory_space<vmem>> -> memref<1x125xi32, #tpu.memory_space<vmem>>
        %dma_start3A_116 = tpu.memref_squeeze %dma_start3A_115 : memref<1x125xi32, #tpu.memory_space<vmem>> -> memref<125xi32, #tpu.memory_space<vmem>>
        %dma_start3A_117 = arith.constant 0 : i32
        %dma_start3A_118 = arith.constant 0 : i32
        %dma_start3A_119 = tpu.memref_slice %arg2[%dma_start3A_117, %dma_start3A_118] : memref<10000x128xf32, #tpu.memory_space<hbm>> -> memref<10000x128xf32, #tpu.memory_space<hbm>>
        tpu.enqueue_indirect_dma source(%dma_start3A_119 : memref<10000x128xf32, #tpu.memory_space<hbm>>) target(%arg9 : memref<125x128xf32, #tpu.memory_space<vmem>>) offsets(%dma_start3A_116 : memref<125xi32, #tpu.memory_space<vmem>>) semaphore(%arg11 : memref<!tpu.dma_semaphore, #tpu.memory_space<semaphore_mem>>)
      } else {
      }
      %mul3A_94 = arith.constant 2 : i32
      %mul3A_95 = arith.muli %scan3A_77, %mul3A_94 : i32
      %add3A_96 = arith.constant 1 : i32
      %add3A_97 = arith.addi %mul3A_95, %add3A_96 : i32
      %dma_wait3A_98 = arith.constant 0 : i32
      %dma_wait3A_99 = tpu.memref_slice %arg7[%add3A_97, %dma_wait3A_98] : memref<40x125xi32, #tpu.memory_space<vmem>> -> memref<1x125xi32, #tpu.memory_space<vmem>>
      %dma_wait3A_100 = tpu.memref_squeeze %dma_wait3A_99 : memref<1x125xi32, #tpu.memory_space<vmem>> -> memref<125xi32, #tpu.memory_space<vmem>>
      %dma_wait3A_101 = arith.constant 0 : i32
      %dma_wait3A_102 = arith.constant 0 : i32
      %dma_wait3A_103 = tpu.memref_slice %arg2[%dma_wait3A_101, %dma_wait3A_102] : memref<10000x128xf32, #tpu.memory_space<hbm>> -> memref<10000x128xf32, #tpu.memory_space<hbm>>
      tpu.wait_indirect_dma semaphore(%arg12 : memref<!tpu.dma_semaphore, #tpu.memory_space<semaphore_mem>>) src(%dma_wait3A_103 : memref<10000x128xf32, #tpu.memory_space<hbm>>) dst(%arg10 : memref<125x128xf32, #tpu.memory_space<vmem>>)
      "tpu.region"() ({
        %run_scoped3A = tpu.sem_alloc : memref<!tpu.dma_semaphore, #tpu.memory_space<semaphore_mem>>
        %dma_start3A_112 = arith.constant 0 : i32
        %dma_start3A_113 = tpu.memref_slice %arg8[%add3A_97, %dma_start3A_112] : memref<40x125xi32, #tpu.memory_space<vmem>> -> memref<1x125xi32, #tpu.memory_space<vmem>>
        %dma_start3A_114 = tpu.memref_squeeze %dma_start3A_113 : memref<1x125xi32, #tpu.memory_space<vmem>> -> memref<125xi32, #tpu.memory_space<vmem>>
        %dma_start3A_115 = arith.constant 0 : i32
        %dma_start3A_116 = arith.constant 0 : i32
        %dma_start3A_117 = tpu.memref_slice %arg6[%dma_start3A_115, %dma_start3A_116] : memref<10000x128xf32, #tpu.memory_space<vmem_shared>> -> memref<10000x128xf32, #tpu.memory_space<vmem_shared>>
        tpu.enqueue_indirect_dma source(%arg10 : memref<125x128xf32, #tpu.memory_space<vmem>>) target(%dma_start3A_117 : memref<10000x128xf32, #tpu.memory_space<vmem_shared>>) offsets(%dma_start3A_114 : memref<125xi32, #tpu.memory_space<vmem>>) semaphore(%run_scoped3A : memref<!tpu.dma_semaphore, #tpu.memory_space<semaphore_mem>>) {add = true}
        %dma_wait3A_118 = arith.constant 0 : i32
        %dma_wait3A_119 = tpu.memref_slice %arg8[%add3A_97, %dma_wait3A_118] : memref<40x125xi32, #tpu.memory_space<vmem>> -> memref<1x125xi32, #tpu.memory_space<vmem>>
        %dma_wait3A_120 = tpu.memref_squeeze %dma_wait3A_119 : memref<1x125xi32, #tpu.memory_space<vmem>> -> memref<125xi32, #tpu.memory_space<vmem>>
        %dma_wait3A_121 = arith.constant 0 : i32
        %dma_wait3A_122 = arith.constant 0 : i32
        %dma_wait3A_123 = tpu.memref_slice %arg6[%dma_wait3A_121, %dma_wait3A_122] : memref<10000x128xf32, #tpu.memory_space<vmem_shared>> -> memref<10000x128xf32, #tpu.memory_space<vmem_shared>>
        tpu.wait_indirect_dma semaphore(%run_scoped3A : memref<!tpu.dma_semaphore, #tpu.memory_space<semaphore_mem>>) src(%arg10 : memref<125x128xf32, #tpu.memory_space<vmem>>) dst(%dma_wait3A_123 : memref<10000x128xf32, #tpu.memory_space<vmem_shared>>)
        tpu.yield
      }) : () -> ()
      %add3A_104 = arith.constant 2 : i32
      %add3A_105 = arith.addi %add3A_97, %add3A_104 : i32
      %lt3A_106 = arith.constant 40 : i32
      %lt3A_107 = arith.cmpi slt, %add3A_105, %lt3A_106 : i32
      %convert_element_type3A_108 = arith.extui %lt3A_107 : i1 to i32
      %cond3A_109 = arith.constant 0 : i32
      %cond3A_110 = arith.cmpi ne, %convert_element_type3A_108, %cond3A_109 : i32
      scf.if %cond3A_110 {
        %add3A_112 = arith.constant 2 : i32
        %add3A_113 = arith.addi %add3A_97, %add3A_112 : i32
        %dma_start3A_114 = arith.constant 0 : i32
        %dma_start3A_115 = tpu.memref_slice %arg7[%add3A_113, %dma_start3A_114] : memref<40x125xi32, #tpu.memory_space<vmem>> -> memref<1x125xi32, #tpu.memory_space<vmem>>
        %dma_start3A_116 = tpu.memref_squeeze %dma_start3A_115 : memref<1x125xi32, #tpu.memory_space<vmem>> -> memref<125xi32, #tpu.memory_space<vmem>>
        %dma_start3A_117 = arith.constant 0 : i32
        %dma_start3A_118 = arith.constant 0 : i32
        %dma_start3A_119 = tpu.memref_slice %arg2[%dma_start3A_117, %dma_start3A_118] : memref<10000x128xf32, #tpu.memory_space<hbm>> -> memref<10000x128xf32, #tpu.memory_space<hbm>>
        tpu.enqueue_indirect_dma source(%dma_start3A_119 : memref<10000x128xf32, #tpu.memory_space<hbm>>) target(%arg10 : memref<125x128xf32, #tpu.memory_space<vmem>>) offsets(%dma_start3A_116 : memref<125xi32, #tpu.memory_space<vmem>>) semaphore(%arg12 : memref<!tpu.dma_semaphore, #tpu.memory_space<semaphore_mem>>)
      } else {
      }
      %scan3A_111 = arith.constant 0 : i32
      scf.yield %scan3A_111 : i32
    }
    %scan3A_66 = arith.constant 20 : i32
    %barrier3A_67 = arith.constant 0 : index
    tpu.barrier barrier_id(%barrier3A_67)
    %mul3A_68 = arith.constant 624 : i32
    %mul3A_69 = arith.muli %arg1, %mul3A_68 : i32
    %mul3A_70 = arith.constant 624 : i32
    %mul3A_71 = arith.muli %arg1, %mul3A_70 : i32
    "tpu.region"() ({
      %run_scoped3A = tpu.sem_alloc : memref<!tpu.dma_semaphore, #tpu.memory_space<semaphore_mem>>
      %dma_start3A_77 = arith.constant 0 : i32
      %dma_start3A_78 = tpu.memref_slice %arg5[%arg0, %mul3A_71, %dma_start3A_77] : memref<2x10000x128xf32, #tpu.memory_space<hbm>> -> memref<1x624x128xf32, #tpu.memory_space<hbm>>
      %dma_start3A_79 = tpu.memref_squeeze %dma_start3A_78 : memref<1x624x128xf32, #tpu.memory_space<hbm>> -> memref<624x128xf32, #tpu.memory_space<hbm>>
      %dma_start3A_80 = arith.constant 0 : i32
      %dma_start3A_81 = tpu.memref_slice %arg6[%mul3A_69, %dma_start3A_80] : memref<10000x128xf32, #tpu.memory_space<vmem_shared>> -> memref<624x128xf32, #tpu.memory_space<vmem_shared>>
      tpu.enqueue_dma source(%dma_start3A_81 : memref<624x128xf32, #tpu.memory_space<vmem_shared>>) target(%dma_start3A_79 : memref<624x128xf32, #tpu.memory_space<hbm>>) target_semaphore(%run_scoped3A : memref<!tpu.dma_semaphore, #tpu.memory_space<semaphore_mem>>)
      %dma_wait3A = arith.constant 0 : i32
      %dma_wait3A_82 = tpu.memref_slice %arg5[%arg0, %mul3A_71, %dma_wait3A] : memref<2x10000x128xf32, #tpu.memory_space<hbm>> -> memref<1x624x128xf32, #tpu.memory_space<hbm>>
      %dma_wait3A_83 = tpu.memref_squeeze %dma_wait3A_82 : memref<1x624x128xf32, #tpu.memory_space<hbm>> -> memref<624x128xf32, #tpu.memory_space<hbm>>
      %dma_wait3A_84 = arith.constant 0 : i32
      %dma_wait3A_85 = tpu.memref_slice %arg6[%mul3A_69, %dma_wait3A_84] : memref<10000x128xf32, #tpu.memory_space<vmem_shared>> -> memref<624x128xf32, #tpu.memory_space<vmem_shared>>
      tpu.wait_dma2 semaphore(%run_scoped3A : memref<!tpu.dma_semaphore, #tpu.memory_space<semaphore_mem>>) src(%dma_wait3A_85 : memref<624x128xf32, #tpu.memory_space<vmem_shared>>) dst(%dma_wait3A_83 : memref<624x128xf32, #tpu.memory_space<hbm>>)
      tpu.yield
    }) : () -> ()
    %eq3A_72 = arith.constant 15 : i32
    %eq3A_73 = arith.cmpi eq, %arg1, %eq3A_72 : i32
    %convert_element_type3A_74 = arith.extui %eq3A_73 : i1 to i32
    %cond3A_75 = arith.constant 0 : i32
    %cond3A_76 = arith.cmpi ne, %convert_element_type3A_74, %cond3A_75 : i32
    scf.if %cond3A_76 {
      "tpu.region"() ({
        %run_scoped3A = tpu.sem_alloc : memref<!tpu.dma_semaphore, #tpu.memory_space<semaphore_mem>>
        %dma_start3A_77 = arith.constant 9984 : i32
        %dma_start3A_78 = arith.constant 0 : i32
        %dma_start3A_79 = tpu.memref_slice %arg5[%arg0, %dma_start3A_77, %dma_start3A_78] : memref<2x10000x128xf32, #tpu.memory_space<hbm>> -> memref<1x16x128xf32, #tpu.memory_space<hbm>>
        %dma_start3A_80 = tpu.memref_squeeze %dma_start3A_79 : memref<1x16x128xf32, #tpu.memory_space<hbm>> -> memref<16x128xf32, #tpu.memory_space<hbm>>
        %dma_start3A_81 = arith.constant 9984 : i32
        %dma_start3A_82 = arith.constant 0 : i32
        %dma_start3A_83 = tpu.memref_slice %arg6[%dma_start3A_81, %dma_start3A_82] : memref<10000x128xf32, #tpu.memory_space<vmem_shared>> -> memref<16x128xf32, #tpu.memory_space<vmem_shared>>
        tpu.enqueue_dma source(%dma_start3A_83 : memref<16x128xf32, #tpu.memory_space<vmem_shared>>) target(%dma_start3A_80 : memref<16x128xf32, #tpu.memory_space<hbm>>) target_semaphore(%run_scoped3A : memref<!tpu.dma_semaphore, #tpu.memory_space<semaphore_mem>>)
        %dma_wait3A = arith.constant 9984 : i32
        %dma_wait3A_84 = arith.constant 0 : i32
        %dma_wait3A_85 = tpu.memref_slice %arg5[%arg0, %dma_wait3A, %dma_wait3A_84] : memref<2x10000x128xf32, #tpu.memory_space<hbm>> -> memref<1x16x128xf32, #tpu.memory_space<hbm>>
        %dma_wait3A_86 = tpu.memref_squeeze %dma_wait3A_85 : memref<1x16x128xf32, #tpu.memory_space<hbm>> -> memref<16x128xf32, #tpu.memory_space<hbm>>
        %dma_wait3A_87 = arith.constant 9984 : i32
        %dma_wait3A_88 = arith.constant 0 : i32
        %dma_wait3A_89 = tpu.memref_slice %arg6[%dma_wait3A_87, %dma_wait3A_88] : memref<10000x128xf32, #tpu.memory_space<vmem_shared>> -> memref<16x128xf32, #tpu.memory_space<vmem_shared>>
        tpu.wait_dma2 semaphore(%run_scoped3A : memref<!tpu.dma_semaphore, #tpu.memory_space<semaphore_mem>>) src(%dma_wait3A_89 : memref<16x128xf32, #tpu.memory_space<vmem_shared>>) dst(%dma_wait3A_86 : memref<16x128xf32, #tpu.memory_space<hbm>>)
        tpu.yield
      }) : () -> ()
    } else {
    }
    return
  }
}

module attributes {stable_mosaic.version = 14 : i64} {
  func.func @_layer_body(%arg0: i32, %arg1: memref<2x1000x128xf32, #tpu.memory_space<vmem>>, %arg2: memref<2x1000x128xf32, #tpu.memory_space<vmem>>, %arg3: memref<1000x128xf32, #tpu.memory_space<vmem>>, %arg4: memref<128x128xf32, #tpu.memory_space<vmem>>, %arg5: memref<1x128xf32, #tpu.memory_space<vmem>>, %arg6: memref<128x128xf32, #tpu.memory_space<vmem>>, %arg7: memref<1x128xf32, #tpu.memory_space<vmem>>, %arg8: memref<1x128xf32, #tpu.memory_space<vmem>>, %arg9: memref<1000x128xf32, #tpu.memory_space<vmem>>) attributes {dimension_semantics = [#tpu.dimension_semantics<arbitrary>], iteration_bounds = array<i64: 10>, scalar_prefetch = 0 : i64, scratch_operands = 0 : i64, tpu.core_type = #tpu.core_type<tc>, window_params = [{transform_indices = @transform_0, window_bounds = array<i64: 2, 1000, 128>}, {transform_indices = @transform_1, window_bounds = array<i64: 2, 1000, 128>}, {transform_indices = @transform_2, window_bounds = array<i64: 1000, 128>}, {pipeline_mode = #tpu.pipeline_mode<synchronous>, transform_indices = @transform_3, window_bounds = array<i64: 128, 128>}, {pipeline_mode = #tpu.pipeline_mode<synchronous>, transform_indices = @transform_4, window_bounds = array<i64: 1, 128>}, {pipeline_mode = #tpu.pipeline_mode<synchronous>, transform_indices = @transform_5, window_bounds = array<i64: 128, 128>}, {pipeline_mode = #tpu.pipeline_mode<synchronous>, transform_indices = @transform_6, window_bounds = array<i64: 1, 128>}, {pipeline_mode = #tpu.pipeline_mode<synchronous>, transform_indices = @transform_7, window_bounds = array<i64: 1, 128>}, {transform_indices = @transform_8, window_bounds = array<i64: 1000, 128>}]} {
    %get3A = arith.constant 0 : index
    %get3A_0 = arith.constant 0 : index
    %get3A_1 = arith.constant 0 : index
    %get3A_2 = vector.load %arg1[%get3A, %get3A_0, %get3A_1] : memref<2x1000x128xf32, #tpu.memory_space<vmem>>, vector<1x1000x128xf32>
    %get3A_3 = vector.shape_cast %get3A_2 : vector<1x1000x128xf32> to vector<1000x128xf32>
    %get3A_4 = arith.constant 1 : index
    %get3A_5 = arith.constant 0 : index
    %get3A_6 = arith.constant 0 : index
    %get3A_7 = vector.load %arg1[%get3A_4, %get3A_5, %get3A_6] : memref<2x1000x128xf32, #tpu.memory_space<vmem>>, vector<1x1000x128xf32>
    %get3A_8 = vector.shape_cast %get3A_7 : vector<1x1000x128xf32> to vector<1000x128xf32>
    %add3A = arith.addf %get3A_3, %get3A_8 : vector<1000x128xf32>
    %get3A_9 = arith.constant 0 : index
    %get3A_10 = arith.constant 0 : index
    %get3A_11 = arith.constant 0 : index
    %get3A_12 = vector.load %arg2[%get3A_9, %get3A_10, %get3A_11] : memref<2x1000x128xf32, #tpu.memory_space<vmem>>, vector<1x1000x128xf32>
    %get3A_13 = vector.shape_cast %get3A_12 : vector<1x1000x128xf32> to vector<1000x128xf32>
    %slice3A = vector.extract_strided_slice %get3A_13 {offsets = [0, 0], sizes = [1000, 1], strides = [1, 1]} : vector<1000x128xf32> to vector<1000x1xf32>
    %get3A_14 = arith.constant 1 : index
    %get3A_15 = arith.constant 0 : index
    %get3A_16 = arith.constant 0 : index
    %get3A_17 = vector.load %arg2[%get3A_14, %get3A_15, %get3A_16] : memref<2x1000x128xf32, #tpu.memory_space<vmem>>, vector<1x1000x128xf32>
    %get3A_18 = vector.shape_cast %get3A_17 : vector<1x1000x128xf32> to vector<1000x128xf32>
    %slice3A_19 = vector.extract_strided_slice %get3A_18 {offsets = [0, 0], sizes = [1000, 1], strides = [1, 1]} : vector<1000x128xf32> to vector<1000x1xf32>
    %add3A_20 = arith.addf %slice3A, %slice3A_19 : vector<1000x1xf32>
    %max3A = arith.constant 1.000000e+00 : f32
    %max3A_21 = vector.broadcast %max3A : f32 to vector<1000x1xf32>
    %max3A_22 = arith.maximumf %add3A_20, %max3A_21 : vector<1000x1xf32>
    %div3A = vector.broadcast %max3A_22 : vector<1000x1xf32> to vector<1000x128xf32>
    %div3A_23 = arith.divf %add3A, %div3A : vector<1000x128xf32>
    %get3A_24 = arith.constant 0 : index
    %get3A_25 = arith.constant 0 : index
    %get3A_26 = vector.load %arg3[%get3A_24, %get3A_25] : memref<1000x128xf32, #tpu.memory_space<vmem>>, vector<1000x128xf32>
    %get3A_27 = arith.constant 0 : index
    %get3A_28 = arith.constant 0 : index
    %get3A_29 = vector.load %arg4[%get3A_27, %get3A_28] : memref<128x128xf32, #tpu.memory_space<vmem>>, vector<128x128xf32>
    %dot_general3A = arith.constant dense<0.000000e+00> : vector<1000x128xf32>
    %dot_general3A_30 = tpu.matmul %div3A_23, %get3A_29, %dot_general3A {dimension_numbers = #tpu.dot_dimension_numbers<[1], [1], [0], [0], [0, 0, 1, 0], [], []>, transpose_lhs_hint = false} : vector<1000x128xf32>, vector<128x128xf32>, vector<1000x128xf32> -> vector<1000x128xf32>
    %get3A_31 = arith.constant 0 : index
    %get3A_32 = arith.constant 0 : index
    %get3A_33 = vector.load %arg5[%get3A_31, %get3A_32] : memref<1x128xf32, #tpu.memory_space<vmem>>, vector<1x128xf32>
    %add3A_34 = vector.broadcast %get3A_33 : vector<1x128xf32> to vector<1000x128xf32>
    %add3A_35 = arith.addf %dot_general3A_30, %add3A_34 : vector<1000x128xf32>
    %get3A_36 = arith.constant 0 : index
    %get3A_37 = arith.constant 0 : index
    %get3A_38 = vector.load %arg6[%get3A_36, %get3A_37] : memref<128x128xf32, #tpu.memory_space<vmem>>, vector<128x128xf32>
    %dot_general3A_39 = arith.constant dense<0.000000e+00> : vector<1000x128xf32>
    %dot_general3A_40 = tpu.matmul %get3A_26, %get3A_38, %dot_general3A_39 {dimension_numbers = #tpu.dot_dimension_numbers<[1], [1], [0], [0], [0, 0, 1, 0], [], []>, transpose_lhs_hint = false} : vector<1000x128xf32>, vector<128x128xf32>, vector<1000x128xf32> -> vector<1000x128xf32>
    %add3A_41 = arith.addf %add3A_35, %dot_general3A_40 : vector<1000x128xf32>
    %reduce_sum3A = arith.constant dense<0.000000e+00> : vector<1000xf32>
    %reduce_sum3A_42 = vector.multi_reduction <add>, %add3A_41, %reduce_sum3A [1] : vector<1000x128xf32> to vector<1000xf32>
    %broadcast_in_dim3A = vector.shape_cast %reduce_sum3A_42 : vector<1000xf32> to vector<1000x1xf32>
    %div3A_43 = arith.constant 1.280000e+02 : f32
    %div3A_44 = vector.broadcast %div3A_43 : f32 to vector<1000x1xf32>
    %div3A_45 = arith.divf %broadcast_in_dim3A, %div3A_44 : vector<1000x1xf32>
    %sub3A = vector.broadcast %div3A_45 : vector<1000x1xf32> to vector<1000x128xf32>
    %sub3A_46 = arith.subf %add3A_41, %sub3A : vector<1000x128xf32>
    %integer_pow3A = arith.mulf %sub3A_46, %sub3A_46 : vector<1000x128xf32>
    %reduce_sum3A_47 = arith.constant dense<0.000000e+00> : vector<1000xf32>
    %reduce_sum3A_48 = vector.multi_reduction <add>, %integer_pow3A, %reduce_sum3A_47 [1] : vector<1000x128xf32> to vector<1000xf32>
    %broadcast_in_dim3A_49 = vector.shape_cast %reduce_sum3A_48 : vector<1000xf32> to vector<1000x1xf32>
    %div3A_50 = arith.constant 1.280000e+02 : f32
    %div3A_51 = vector.broadcast %div3A_50 : f32 to vector<1000x1xf32>
    %div3A_52 = arith.divf %broadcast_in_dim3A_49, %div3A_51 : vector<1000x1xf32>
    %sub3A_53 = vector.broadcast %div3A_45 : vector<1000x1xf32> to vector<1000x128xf32>
    %sub3A_54 = arith.subf %add3A_41, %sub3A_53 : vector<1000x128xf32>
    %add3A_55 = arith.constant 9.99999974E-6 : f32
    %add3A_56 = vector.broadcast %add3A_55 : f32 to vector<1000x1xf32>
    %add3A_57 = arith.addf %div3A_52, %add3A_56 : vector<1000x1xf32>
    %rsqrt3A = math.rsqrt %add3A_57 : vector<1000x1xf32>
    %mul3A = vector.broadcast %rsqrt3A : vector<1000x1xf32> to vector<1000x128xf32>
    %mul3A_58 = arith.mulf %sub3A_54, %mul3A : vector<1000x128xf32>
    %get3A_59 = arith.constant 0 : index
    %get3A_60 = arith.constant 0 : index
    %get3A_61 = vector.load %arg7[%get3A_59, %get3A_60] : memref<1x128xf32, #tpu.memory_space<vmem>>, vector<1x128xf32>
    %mul3A_62 = vector.broadcast %get3A_61 : vector<1x128xf32> to vector<1000x128xf32>
    %mul3A_63 = arith.mulf %mul3A_58, %mul3A_62 : vector<1000x128xf32>
    %get3A_64 = arith.constant 0 : index
    %get3A_65 = arith.constant 0 : index
    %get3A_66 = vector.load %arg8[%get3A_64, %get3A_65] : memref<1x128xf32, #tpu.memory_space<vmem>>, vector<1x128xf32>
    %add3A_67 = vector.broadcast %get3A_66 : vector<1x128xf32> to vector<1000x128xf32>
    %add3A_68 = arith.addf %mul3A_63, %add3A_67 : vector<1000x128xf32>
    %add3A_69 = arith.addf %add3A_68, %get3A_26 : vector<1000x128xf32>
    %max3A_70 = arith.constant 0.000000e+00 : f32
    %max3A_71 = vector.broadcast %max3A_70 : f32 to vector<1000x128xf32>
    %max3A_72 = arith.maximumf %add3A_69, %max3A_71 : vector<1000x128xf32>
    %swap3A = arith.constant 0 : index
    %swap3A_73 = arith.constant 0 : index
    %swap3A_74 = vector.load %arg9[%swap3A, %swap3A_73] : memref<1000x128xf32, #tpu.memory_space<vmem>>, vector<1000x128xf32>
    tpu.vector_store %arg9[%swap3A, %swap3A_73], %max3A_72 {strides = array<i32>} : memref<1000x128xf32, #tpu.memory_space<vmem>>, vector<1000x128xf32>,
    return
  }
  func.func @transform_0(%arg0: i32) -> (i32, i32, i32) {
    %c0_i32 = arith.constant 0 : i32
    %c0_i32_0 = arith.constant 0 : i32
    %c0_i32_1 = arith.constant 0 : i32
    return %c0_i32, %arg0, %c0_i32_0 : i32, i32, i32
  }
  func.func @transform_1(%arg0: i32) -> (i32, i32, i32) {
    %c0_i32 = arith.constant 0 : i32
    %c0_i32_0 = arith.constant 0 : i32
    %c0_i32_1 = arith.constant 0 : i32
    return %c0_i32, %arg0, %c0_i32_0 : i32, i32, i32
  }
  func.func @transform_2(%arg0: i32) -> (i32, i32) {
    %c0_i32 = arith.constant 0 : i32
    %c0_i32_0 = arith.constant 0 : i32
    return %arg0, %c0_i32 : i32, i32
  }
  func.func @transform_3(%arg0: i32) -> (i32, i32) {
    %c0_i32 = arith.constant 0 : i32
    %c0_i32_0 = arith.constant 0 : i32
    %c0_i32_1 = arith.constant 0 : i32
    return %c0_i32, %c0_i32_0 : i32, i32
  }
  func.func @transform_4(%arg0: i32) -> (i32, i32) {
    %c0_i32 = arith.constant 0 : i32
    %c0_i32_0 = arith.constant 0 : i32
    %c0_i32_1 = arith.constant 0 : i32
    return %c0_i32, %c0_i32_0 : i32, i32
  }
  func.func @transform_5(%arg0: i32) -> (i32, i32) {
    %c0_i32 = arith.constant 0 : i32
    %c0_i32_0 = arith.constant 0 : i32
    %c0_i32_1 = arith.constant 0 : i32
    return %c0_i32, %c0_i32_0 : i32, i32
  }
  func.func @transform_6(%arg0: i32) -> (i32, i32) {
    %c0_i32 = arith.constant 0 : i32
    %c0_i32_0 = arith.constant 0 : i32
    %c0_i32_1 = arith.constant 0 : i32
    return %c0_i32, %c0_i32_0 : i32, i32
  }
  func.func @transform_7(%arg0: i32) -> (i32, i32) {
    %c0_i32 = arith.constant 0 : i32
    %c0_i32_0 = arith.constant 0 : i32
    %c0_i32_1 = arith.constant 0 : i32
    return %c0_i32, %c0_i32_0 : i32, i32
  }
  func.func @transform_8(%arg0: i32) -> (i32, i32) {
    %c0_i32 = arith.constant 0 : i32
    %c0_i32_0 = arith.constant 0 : i32
    return %arg0, %c0_i32 : i32, i32
  }
}

module attributes {stable_mosaic.version = 14 : i64} {
  func.func @_layer_body(%arg0: i32, %arg1: memref<2x1000x128xf32, #tpu.memory_space<vmem>>, %arg2: memref<2x1000x128xf32, #tpu.memory_space<vmem>>, %arg3: memref<1000x128xf32, #tpu.memory_space<vmem>>, %arg4: memref<128x128xf32, #tpu.memory_space<vmem>>, %arg5: memref<1x128xf32, #tpu.memory_space<vmem>>, %arg6: memref<128x128xf32, #tpu.memory_space<vmem>>, %arg7: memref<1x128xf32, #tpu.memory_space<vmem>>, %arg8: memref<1x128xf32, #tpu.memory_space<vmem>>, %arg9: memref<1000x128xf32, #tpu.memory_space<vmem>>) attributes {dimension_semantics = [#tpu.dimension_semantics<arbitrary>], iteration_bounds = array<i64: 10>, scalar_prefetch = 0 : i64, scratch_operands = 0 : i64, tpu.core_type = #tpu.core_type<tc>, window_params = [{transform_indices = @transform_0, window_bounds = array<i64: 2, 1000, 128>}, {transform_indices = @transform_1, window_bounds = array<i64: 2, 1000, 128>}, {transform_indices = @transform_2, window_bounds = array<i64: 1000, 128>}, {pipeline_mode = #tpu.pipeline_mode<synchronous>, transform_indices = @transform_3, window_bounds = array<i64: 128, 128>}, {pipeline_mode = #tpu.pipeline_mode<synchronous>, transform_indices = @transform_4, window_bounds = array<i64: 1, 128>}, {pipeline_mode = #tpu.pipeline_mode<synchronous>, transform_indices = @transform_5, window_bounds = array<i64: 128, 128>}, {pipeline_mode = #tpu.pipeline_mode<synchronous>, transform_indices = @transform_6, window_bounds = array<i64: 1, 128>}, {pipeline_mode = #tpu.pipeline_mode<synchronous>, transform_indices = @transform_7, window_bounds = array<i64: 1, 128>}, {transform_indices = @transform_8, window_bounds = array<i64: 1000, 128>}]} {
    %get3A = arith.constant 0 : index
    %get3A_0 = arith.constant 0 : index
    %get3A_1 = arith.constant 0 : index
    %get3A_2 = vector.load %arg1[%get3A, %get3A_0, %get3A_1] : memref<2x1000x128xf32, #tpu.memory_space<vmem>>, vector<1x1000x128xf32>
    %get3A_3 = vector.shape_cast %get3A_2 : vector<1x1000x128xf32> to vector<1000x128xf32>
    %get3A_4 = arith.constant 1 : index
    %get3A_5 = arith.constant 0 : index
    %get3A_6 = arith.constant 0 : index
    %get3A_7 = vector.load %arg1[%get3A_4, %get3A_5, %get3A_6] : memref<2x1000x128xf32, #tpu.memory_space<vmem>>, vector<1x1000x128xf32>
    %get3A_8 = vector.shape_cast %get3A_7 : vector<1x1000x128xf32> to vector<1000x128xf32>
    %add3A = arith.addf %get3A_3, %get3A_8 : vector<1000x128xf32>
    %get3A_9 = arith.constant 0 : index
    %get3A_10 = arith.constant 0 : index
    %get3A_11 = arith.constant 0 : index
    %get3A_12 = vector.load %arg2[%get3A_9, %get3A_10, %get3A_11] : memref<2x1000x128xf32, #tpu.memory_space<vmem>>, vector<1x1000x128xf32>
    %get3A_13 = vector.shape_cast %get3A_12 : vector<1x1000x128xf32> to vector<1000x128xf32>
    %slice3A = vector.extract_strided_slice %get3A_13 {offsets = [0, 0], sizes = [1000, 1], strides = [1, 1]} : vector<1000x128xf32> to vector<1000x1xf32>
    %get3A_14 = arith.constant 1 : index
    %get3A_15 = arith.constant 0 : index
    %get3A_16 = arith.constant 0 : index
    %get3A_17 = vector.load %arg2[%get3A_14, %get3A_15, %get3A_16] : memref<2x1000x128xf32, #tpu.memory_space<vmem>>, vector<1x1000x128xf32>
    %get3A_18 = vector.shape_cast %get3A_17 : vector<1x1000x128xf32> to vector<1000x128xf32>
    %slice3A_19 = vector.extract_strided_slice %get3A_18 {offsets = [0, 0], sizes = [1000, 1], strides = [1, 1]} : vector<1000x128xf32> to vector<1000x1xf32>
    %add3A_20 = arith.addf %slice3A, %slice3A_19 : vector<1000x1xf32>
    %max3A = arith.constant 1.000000e+00 : f32
    %max3A_21 = vector.broadcast %max3A : f32 to vector<1000x1xf32>
    %max3A_22 = arith.maximumf %add3A_20, %max3A_21 : vector<1000x1xf32>
    %div3A = vector.broadcast %max3A_22 : vector<1000x1xf32> to vector<1000x128xf32>
    %div3A_23 = arith.divf %add3A, %div3A : vector<1000x128xf32>
    %get3A_24 = arith.constant 0 : index
    %get3A_25 = arith.constant 0 : index
    %get3A_26 = vector.load %arg3[%get3A_24, %get3A_25] : memref<1000x128xf32, #tpu.memory_space<vmem>>, vector<1000x128xf32>
    %get3A_27 = arith.constant 0 : index
    %get3A_28 = arith.constant 0 : index
    %get3A_29 = vector.load %arg4[%get3A_27, %get3A_28] : memref<128x128xf32, #tpu.memory_space<vmem>>, vector<128x128xf32>
    %dot_general3A = arith.constant dense<0.000000e+00> : vector<1000x128xf32>
    %dot_general3A_30 = tpu.matmul %div3A_23, %get3A_29, %dot_general3A {dimension_numbers = #tpu.dot_dimension_numbers<[1], [1], [0], [0], [0, 0, 1, 0], [], []>, transpose_lhs_hint = false} : vector<1000x128xf32>, vector<128x128xf32>, vector<1000x128xf32> -> vector<1000x128xf32>
    %get3A_31 = arith.constant 0 : index
    %get3A_32 = arith.constant 0 : index
    %get3A_33 = vector.load %arg5[%get3A_31, %get3A_32] : memref<1x128xf32, #tpu.memory_space<vmem>>, vector<1x128xf32>
    %add3A_34 = vector.broadcast %get3A_33 : vector<1x128xf32> to vector<1000x128xf32>
    %add3A_35 = arith.addf %dot_general3A_30, %add3A_34 : vector<1000x128xf32>
    %get3A_36 = arith.constant 0 : index
    %get3A_37 = arith.constant 0 : index
    %get3A_38 = vector.load %arg6[%get3A_36, %get3A_37] : memref<128x128xf32, #tpu.memory_space<vmem>>, vector<128x128xf32>
    %dot_general3A_39 = arith.constant dense<0.000000e+00> : vector<1000x128xf32>
    %dot_general3A_40 = tpu.matmul %get3A_26, %get3A_38, %dot_general3A_39 {dimension_numbers = #tpu.dot_dimension_numbers<[1], [1], [0], [0], [0, 0, 1, 0], [], []>, transpose_lhs_hint = false} : vector<1000x128xf32>, vector<128x128xf32>, vector<1000x128xf32> -> vector<1000x128xf32>
    %add3A_41 = arith.addf %add3A_35, %dot_general3A_40 : vector<1000x128xf32>
    %reduce_sum3A = arith.constant dense<0.000000e+00> : vector<1000xf32>
    %reduce_sum3A_42 = vector.multi_reduction <add>, %add3A_41, %reduce_sum3A [1] : vector<1000x128xf32> to vector<1000xf32>
    %broadcast_in_dim3A = vector.shape_cast %reduce_sum3A_42 : vector<1000xf32> to vector<1000x1xf32>
    %div3A_43 = arith.constant 1.280000e+02 : f32
    %div3A_44 = vector.broadcast %div3A_43 : f32 to vector<1000x1xf32>
    %div3A_45 = arith.divf %broadcast_in_dim3A, %div3A_44 : vector<1000x1xf32>
    %sub3A = vector.broadcast %div3A_45 : vector<1000x1xf32> to vector<1000x128xf32>
    %sub3A_46 = arith.subf %add3A_41, %sub3A : vector<1000x128xf32>
    %integer_pow3A = arith.mulf %sub3A_46, %sub3A_46 : vector<1000x128xf32>
    %reduce_sum3A_47 = arith.constant dense<0.000000e+00> : vector<1000xf32>
    %reduce_sum3A_48 = vector.multi_reduction <add>, %integer_pow3A, %reduce_sum3A_47 [1] : vector<1000x128xf32> to vector<1000xf32>
    %broadcast_in_dim3A_49 = vector.shape_cast %reduce_sum3A_48 : vector<1000xf32> to vector<1000x1xf32>
    %div3A_50 = arith.constant 1.280000e+02 : f32
    %div3A_51 = vector.broadcast %div3A_50 : f32 to vector<1000x1xf32>
    %div3A_52 = arith.divf %broadcast_in_dim3A_49, %div3A_51 : vector<1000x1xf32>
    %sub3A_53 = vector.broadcast %div3A_45 : vector<1000x1xf32> to vector<1000x128xf32>
    %sub3A_54 = arith.subf %add3A_41, %sub3A_53 : vector<1000x128xf32>
    %add3A_55 = arith.constant 9.99999974E-6 : f32
    %add3A_56 = vector.broadcast %add3A_55 : f32 to vector<1000x1xf32>
    %add3A_57 = arith.addf %div3A_52, %add3A_56 : vector<1000x1xf32>
    %rsqrt3A = math.rsqrt %add3A_57 : vector<1000x1xf32>
    %mul3A = vector.broadcast %rsqrt3A : vector<1000x1xf32> to vector<1000x128xf32>
    %mul3A_58 = arith.mulf %sub3A_54, %mul3A : vector<1000x128xf32>
    %get3A_59 = arith.constant 0 : index
    %get3A_60 = arith.constant 0 : index
    %get3A_61 = vector.load %arg7[%get3A_59, %get3A_60] : memref<1x128xf32, #tpu.memory_space<vmem>>, vector<1x128xf32>
    %mul3A_62 = vector.broadcast %get3A_61 : vector<1x128xf32> to vector<1000x128xf32>
    %mul3A_63 = arith.mulf %mul3A_58, %mul3A_62 : vector<1000x128xf32>
    %get3A_64 = arith.constant 0 : index
    %get3A_65 = arith.constant 0 : index
    %get3A_66 = vector.load %arg8[%get3A_64, %get3A_65] : memref<1x128xf32, #tpu.memory_space<vmem>>, vector<1x128xf32>
    %add3A_67 = vector.broadcast %get3A_66 : vector<1x128xf32> to vector<1000x128xf32>
    %add3A_68 = arith.addf %mul3A_63, %add3A_67 : vector<1000x128xf32>
    %max3A_69 = arith.constant 0.000000e+00 : f32
    %max3A_70 = vector.broadcast %max3A_69 : f32 to vector<1000x128xf32>
    %max3A_71 = arith.maximumf %add3A_68, %max3A_70 : vector<1000x128xf32>
    %swap3A = arith.constant 0 : index
    %swap3A_72 = arith.constant 0 : index
    %swap3A_73 = vector.load %arg9[%swap3A, %swap3A_72] : memref<1000x128xf32, #tpu.memory_space<vmem>>, vector<1000x128xf32>
    tpu.vector_store %arg9[%swap3A, %swap3A_72], %max3A_71 {strides = array<i32>} : memref<1000x128xf32, #tpu.memory_space<vmem>>, vector<1000x128xf32>,
    return
  }
  func.func @transform_0(%arg0: i32) -> (i32, i32, i32) {
    %c0_i32 = arith.constant 0 : i32
    %c0_i32_0 = arith.constant 0 : i32
    %c0_i32_1 = arith.constant 0 : i32
    return %c0_i32, %arg0, %c0_i32_0 : i32, i32, i32
  }
  func.func @transform_1(%arg0: i32) -> (i32, i32, i32) {
    %c0_i32 = arith.constant 0 : i32
    %c0_i32_0 = arith.constant 0 : i32
    %c0_i32_1 = arith.constant 0 : i32
    return %c0_i32, %arg0, %c0_i32_0 : i32, i32, i32
  }
  func.func @transform_2(%arg0: i32) -> (i32, i32) {
    %c0_i32 = arith.constant 0 : i32
    %c0_i32_0 = arith.constant 0 : i32
    return %arg0, %c0_i32 : i32, i32
  }
  func.func @transform_3(%arg0: i32) -> (i32, i32) {
    %c0_i32 = arith.constant 0 : i32
    %c0_i32_0 = arith.constant 0 : i32
    %c0_i32_1 = arith.constant 0 : i32
    return %c0_i32, %c0_i32_0 : i32, i32
  }
  func.func @transform_4(%arg0: i32) -> (i32, i32) {
    %c0_i32 = arith.constant 0 : i32
    %c0_i32_0 = arith.constant 0 : i32
    %c0_i32_1 = arith.constant 0 : i32
    return %c0_i32, %c0_i32_0 : i32, i32
  }
  func.func @transform_5(%arg0: i32) -> (i32, i32) {
    %c0_i32 = arith.constant 0 : i32
    %c0_i32_0 = arith.constant 0 : i32
    %c0_i32_1 = arith.constant 0 : i32
    return %c0_i32, %c0_i32_0 : i32, i32
  }
  func.func @transform_6(%arg0: i32) -> (i32, i32) {
    %c0_i32 = arith.constant 0 : i32
    %c0_i32_0 = arith.constant 0 : i32
    %c0_i32_1 = arith.constant 0 : i32
    return %c0_i32, %c0_i32_0 : i32, i32
  }
  func.func @transform_7(%arg0: i32) -> (i32, i32) {
    %c0_i32 = arith.constant 0 : i32
    %c0_i32_0 = arith.constant 0 : i32
    %c0_i32_1 = arith.constant 0 : i32
    return %c0_i32, %c0_i32_0 : i32, i32
  }
  func.func @transform_8(%arg0: i32) -> (i32, i32) {
    %c0_i32 = arith.constant 0 : i32
    %c0_i32_0 = arith.constant 0 : i32
    return %arg0, %c0_i32 : i32, i32
  }
}

</mosaic_0001>

<sc_bundles>
// kernel: kernel.10.cloned.1.call-start
scs
__scs_entry_jumppad:
0x0: {  	(pc) =	sbr.rel $0x88, $3  }
0x1: {  	(tag) =	ssettag $0x0;
	lr =	simm.s32 $0x1  }
0x2: {  	[smem:$0x3F95] =	sst lr;
	_ =	strace $0xD0000000  }
0x3: {  	_ = 	snop  }
0x4: {  	_ = 	snop  }
0x5: {  	_ = 	snop  }
0x6: {  	_ = 	snop  }
0x7: {  	_ = 	snop  }
__scs_overlays_trampoline_lowered:
0x8: {  	[smem:$0x3FA4] =	sst s0  }
0x9: {  	[smem:$0x3FA5] =	sst s1  }
0xa: {  	[smem:$0x3FA6] =	sst s2  }
0xb: {  	[smem:$0x3FA7] =	sst s3  }
0xc: {  	[smem:$0x3FA8] =	sst s4  }
0xd: {  	[smem:$0x3FA9] =	sst s5  }
0xe: {  	[smem:$0x3FAA] =	sst s6  }
0xf: {  	[smem:$0x3FAB] =	sst s7  }
0x10: {  	[smem:$0x3FAC] =	sst s8  }
0x11: {  	[smem:$0x3FAD] =	sst s9;
	s0 =	simm.s32 @!p0 $0x0  }
0x12: {  	s1 =	sld [smem:$0x3F93];
	s0 =	simm.s32 @p0 $0x1  }
0x13: {  	[smem:$0x3FAE] =	sst s0;
	s0 =	simm.s32 @!p1 $0x0  }
0x14: {  	s2 =	sld [smem:$0x3F92];
	s0 =	simm.s32 @p1 $0x1  }
0x15: {  	[smem:$0x3FAF] =	sst s0;
	s0 =	simm.s32 @!p2 $0x0  }
0x16: {  	s3 =	sld [smem:$0x3FDB];
	s0 =	simm.s32 @p2 $0x1  }
0x17: {  	s4 =	simm.s32 $0x1BF5;
	[smem:$0x3FB1] =	sst s0  }
0x18: {  	s0 =	sld [smem:$0x3F94];
	_ =	swait.ge [sflag:s4], $0x0  }
0x19: {  	s7 =	sld [smem:$0x3F95]  }
0x1a: {  	s8 =	sadd.s32 $0xFFFFE003, lr  }
0x1b: {  	s9 =	sadd.s32 $0xFFFFFEF7, lr;
	s5 =	simm.s32 $0xFFFFFFFF;
	p2 =	slt.u32 s8, $0xFFFFF086  }
0x1c: {  	p1 =	slt.u32 s9, $0xF7A;
	s5 =	simm.s32 @!p2 $0x0  }
0x1d: {  	s5 =	simm.s32 @p1 $0x1;
	p0 =	seq.s32 s7, s2  }
0x1e: {  	s7 =	smul.u32 @!p0 $0xF7A, s2;
	p2 =	seq.s32 @!p0 s5, $0x0  }
0x1f: {  	s9 =	smul.u32 $0xF7A, s1;
	s8 =	simm.s32 @!p0 $0x1BF5;
	p2 =	por !p2, p0  }
0x20: {  	[sflag:s8] =	ssyncset.s32 @!p0 $0xFFFFF086;
	s6 =	sadd.s32 @!p0 s3, s7;
	s7 =	simm.s32 @!p0 $0x108  }
0x21: {  	s3 =	sadd.s32 s3, s9;
	s6 =	sadd.s32 @!p0 $0x88, s6;
	s7 =	simm.s32 @p2 $0x1082  }
0x22: {  	[simem:s7], [sflag:s8] =	dma.local @!p0 [hbm:s6], $0xF7A  }
0x23: {  	s9 =	sor.u32 $0xD0000000, s2;
	s6 =	simm.s32 $0x108;
	_ =	swait.ge @!p0 [sflag:s8], $0x0  }
0x24: {  	s3 =	sadd.s32 $0x88, s3;
	s6 =	simm.s32 @!p1 $0x1082;
	[sflag:s4] =	ssyncset.s32 $0xFFFFF086  }
0x25: {  	[simem:s6], [sflag:s4] =	dma.local [hbm:s3], $0xF7A  }
0x26: {  	[smem:$0x3F95] =	sst s1;
	(tag) =	ssettag s2;
	_ =	strace s9  }
0x27: {  	s1 =	sld [smem:$0x3FA5]  }
0x28: {  	s2 =	sld [smem:$0x3FA6]  }
0x29: {  	s4 =	sld [smem:$0x3FA8]  }
0x2a: {  	p0 =	seq.s32 s5, $0x0;
	s5 =	sld [smem:$0x3FA9]  }
0x2b: {  	s6 =	sld [smem:$0x3FAA]  }
0x2c: {  	s7 =	sld [smem:$0x3FAB]  }
0x2d: {  	s3 =	simm.s32 $0x108;
	s8 =	sld [smem:$0x3FAC]  }
0x2e: {  	s3 =	simm.s32 @!p0 $0x1082;
	s9 =	sld [smem:$0x3FAD]  }
0x2f: {  	lr =	sadd.s32 s0, s3;
	s0 =	sld [smem:$0x3FA4]  }
0x30: {  	s3 =	sld [smem:$0x3FA7]  }
0x31: {  	[smem:$0x3FB0] =	sst s10  }
0x32: {  	s10 =	sld [smem:$0x3FAE];
	_ =	sdelay $0x3  }
0x33: {  	p0 =	seq.s32 s10, $0x1;
	s10 =	sld [smem:$0x3FB0];
	_ =	sdelay $0x3  }
0x34: {  	[smem:$0x3FB0] =	sst s10  }
0x35: {  	s10 =	sld [smem:$0x3FAF];
	_ =	sdelay $0x3  }
0x36: {  	p1 =	seq.s32 s10, $0x1;
	s10 =	sld [smem:$0x3FB0];
	_ =	sdelay $0x3  }
0x37: {  	[smem:$0x3FB0] =	sst s10  }
0x38: {  	s10 =	sld [smem:$0x3FB1]  }
0x39: {  	_ = 	snop;
	(pc) =	sbr.ind lr, $3  }
0x3a: {  	_ = 	snop  }
0x3b: {  	_ = 	snop  }
0x3c: {  	p2 =	seq.s32 s10, $0x1;
	s10 =	sld [smem:$0x3FB0]  }
0x3d: {  	_ =	shalt  }
0x3e: {  	_ =	shalt  }
0x3f: {  	_ =	shalt  }
0x40: {  	_ =	shalt  }
0x41: {  	_ =	shalt  }
0x42: {  	_ =	shalt  }
0x43: {  	_ =	shalt  }
0x44: {  	_ =	shalt  }
0x45: {  	_ =	shalt  }
0x46: {  	_ =	shalt  }
0x47: {  	_ =	shalt  }
0x48: {  	_ =	shalt  }
0x49: {  	_ =	shalt  }
0x4a: {  	_ =	shalt  }
0x4b: {  	_ =	shalt  }
0x4c: {  	_ =	shalt  }
0x4d: {  	_ =	shalt  }
0x4e: {  	_ =	shalt  }
0x4f: {  	_ =	shalt  }
0x50: {  	_ =	shalt  }
0x51: {  	_ =	shalt  }
0x52: {  	_ =	shalt  }
0x53: {  	_ =	shalt  }
0x54: {  	_ =	shalt  }
0x55: {  	_ =	shalt  }
0x56: {  	_ =	shalt  }
0x57: {  	_ =	shalt  }
0x58: {  	_ =	shalt  }
0x59: {  	_ =	shalt  }
0x5a: {  	_ =	shalt  }
0x5b: {  	_ =	shalt  }
0x5c: {  	_ =	shalt  }
0x5d: {  	_ =	shalt  }
0x5e: {  	_ =	shalt  }
0x5f: {  	_ =	shalt  }
0x60: {  	_ =	shalt  }
0x61: {  	_ =	shalt  }
0x62: {  	_ =	shalt  }
0x63: {  	_ =	shalt  }
0x64: {  	_ =	shalt  }
0x65: {  	_ =	shalt  }
0x66: {  	_ =	shalt  }
0x67: {  	_ =	shalt  }
0x68: {  	_ =	shalt  }
0x69: {  	_ =	shalt  }
0x6a: {  	_ =	shalt  }
0x6b: {  	_ =	shalt  }
0x6c: {  	_ =	shalt  }
0x6d: {  	_ =	shalt  }
0x6e: {  	_ =	shalt  }
0x6f: {  	_ =	shalt  }
0x70: {  	_ =	shalt  }
0x71: {  	_ =	shalt  }
0x72: {  	_ =	shalt  }
0x73: {  	_ =	shalt  }
0x74: {  	_ =	shalt  }
0x75: {  	_ =	shalt  }
0x76: {  	_ =	shalt  }
0x77: {  	_ =	shalt  }
0x78: {  	_ =	shalt  }
0x79: {  	_ =	shalt  }
0x7a: {  	_ =	shalt  }
0x7b: {  	_ =	shalt  }
0x7c: {  	_ =	shalt  }
0x7d: {  	_ =	shalt  }
0x7e: {  	_ =	shalt  }
0x7f: {  	_ =	shalt  }
0x80: {  	_ =	shalt  }
0x81: {  	_ =	shalt  }
0x82: {  	_ =	shalt  }
0x83: {  	_ =	shalt  }
0x84: {  	_ =	shalt  }
0x85: {  	_ =	shalt  }
0x86: {  	_ =	shalt  }
0x87: {  	_ =	shalt  }
.Lfunc_end0:
.L_simem_size_0:
called_computation.1_lowered:
.L_overlay_start_0:
0x88: {  	s2 =	sld [smem:$0x3FD9]  }
0x89: {  	s3 =	sld [smem:$0x3FFE];
	_ =	sdelay $0x1  }
0x8a: {  	s1 =	srdreg.scid  }
0x8b: {  	s0 =	sand.u32 $0x1, s1  }
0x8c: {  	s17 =	sshll.u32 s0, $0xA;
	s2 =	sadd.s32 s3, s2  }
0x8d: {  	s2 =	sadd.s32 s2, s17  }
0x8e: {  	[smem:$0x3FBC] =	sst s2  }
0x8f: {  	_ = 	snop  }
0x90: {  	s2 =	sld [smem:$0x3FC9];
	(tm) =	ssettm $0x1  }
0x91: {  	s18 =	sld [smem:$0x3FFB];
	_ =	sdelay $0x3  }
0x92: {  	_ =	strace s18  }
0x93: {  	s3 =	sld [smem:$0x3FFC];
	_ =	sdelay $0x3  }
0x94: {  	_ =	strace s3  }
0x95: {  	s3 =	sld [smem:$0x3FFD];
	_ =	sdelay $0x3  }
0x96: {  	_ =	strace s3  }
0x97: {  	_ =	strace $0x8FFFFFFF  }
0x98: {  	s19 =	sld [smem:$0x3FDB];
	_ =	sdelay $0x1  }
0x99: {  	s4 =	simm.s32 $_scs_section_size  }
0x9a: {  	s5 =	simm.s32 $_size__tile_overlayer_lowered;
	s6 =	simm.s32 $_tile_overlayer_lowered  }
0x9b: {  	s22 =	simm.s32 $0x1BFF;
	s21 =	sshll.u32 s6, $0x1;
	s3 =	sadd.s32 s4, s19  }
0x9c: {  	s7 =	simm.s32 $0x0;
	s20 =	sshll.u32 s5, $0x1;
	s5 =	sadd.s32 s21, s3  }
0x9d: {  	[timem:s7], [sflag:s22] =	dma.local [hbm:s5], s20  }
0x9e: {  	_ =	swait.ge [sflag:s22], s20  }
0x9f: {  	s4 =	ssub.s32 $0x0, s20;
	[sflag:s22] =	ssyncset.done $0x0  }
0xa0: {  	[sflag:s22] =	ssyncadd.s32 s4;
	_ =	sdelay $0x1  }
0xa1: {  	s23 =	simm.s32 $0x1B8B  }
0xa2: {  	_ =	swait.ge [sflag:s23], $0x1  }
0xa3: {  	[sflag:s23] =	ssyncset.done $0x0  }
0xa4: {  	s25 =	simm.s32 $0x1B8E;
	s24 =	sld [smem:$0x3FFE];
	[sflag:s23] =	ssyncadd.s32 $0xFFFFFFFF  }
0xa5: {  	s26 =	simm.s32 $execute0_lowered;
	[smem:$0x3FD2] =	sst s25  }
0xa6: {  	s5 =	sshll.u32 s26, $0x1;
	_ =	strace $0x80000046;
	[dreg:$0x1] =	wrdreg $0xFFFFFFFF  }
0xa7: {  	s28 =	simm.s32 $_size_execute0_lowered;
	s3 =	sadd.s32 s3, s5;
	[dreg:$0x0] =	wrdreg $0x0  }
0xa8: {  	s5 =	sshll.u32 s28, $0x1;
	[dreg:$0x2] =	wrdreg s3  }
0xa9: {  	[dreg:$0x3] =	wrdreg s5  }
0xaa: {  	[dreg:$0x4] =	wrdreg $0xC0  }
0xab: {  	_ =	task [dreg:s7], $0x5FFFF  }
0xac: {  	[dreg:$0x1] =	wrdreg $0xFFFFFFFF  }
0xad: {  	[dreg:$0x0] =	wrdreg $0x60  }
0xae: {  	[dreg:$0x2] =	wrdreg s2  }
0xaf: {  	[dreg:$0x3] =	wrdreg s24  }
0xb0: {  	[dreg:$0x4] =	wrdreg $0x0  }
0xb1: {  	[dreg:$0x5] =	wrdreg $0xA  }
0xb2: {  	_ =	task.clear_ibuf [dreg:s7], $0x6FFFF;
	_ =	strace $0x90000046  }
0xb3: {  	s29 =	simm.s32 $0xA;
	_ =	strace $0x80000048  }
0xb4: {  	_ =	swait.ge [sflag:s29], $0x1  }
0xb5: {  	[sflag:s29] =	ssyncadd.s32 $0xFFFFFFFF  }
0xb6: {  	_ =	strace $0x90000048  }
0xb7: {  	_ =	sfence  }
0xb8: {  	s30 =	sld [smem:$0x0];
	_ =	sdelay $0x2  }
0xb9: {  	s31 =	sshll.u32 s1, $0xD;
	s1 =	sshrl.u32 s1, $0x2  }
0xba: {  	s3 =	sand.u32 $0x4000, s31;
	s1 =	sadd.s32 s1, s30  }
0xbb: {  	s0 =	sor.u32 s3, s0;
	s1 =	sshll.u32 s1, $0x11  }
0xbc: {  	s0 =	sor.u32 s1, s0  }
0xbd: {  	s0 =	sadd.s32 $0x8F2B, s0  }
0xbe: {  	[sflag:s0] =	ssyncadd.remote.s32 $0x1  }
0xbf: {  	_ =	sfence.sel $0xFFFF  }
0xc0: {  	[dreg:$0x0] =	wrdreg $0xFFFFFFFF;
	(pc) =	sbr.abs _section_cstart, $3  }
0xc1: {  	[dreg:$0x1] =	wrdreg $0xFFFFFFFF  }
0xc2: {  	_ =	task.clear_ibuf [dreg:s7], $0x2FFFF;
	_ =	strace $0x9FFFFFFF  }
0xc3: {  	(tm) =	ssettm $0x7FFFFFFF  }
tec
execute0_lowered:
.L_overlay_start_1:
0x0: {  	(tag) =	ssettag $0x1  }
0x1: {  	s1 =	rddreg [dreg:$0x0]  }
0x2: {  	s0 =	rddreg [dreg:$0x1]  }
0x3: {  	s2 =	rddreg [dreg:$0x2];
	s3 =	srdreg.scid;
	s4 =	simm.s32 $0x0  }
0x4: {  	s12 =	stileid.u32;
	s28 =	simm.s32 $0x3;
	s29 =	simm.s32 $0x13880  }
0x5: {  	s30 =	simm.s32 $0x14C80;
	s31 =	simm.s32 $0x7D;
	s3 =	sand.u32 $0x1, s3  }
0x6: {  	[smem:$0x7FF] =	sst s4;
	s6 =	sadd.s32 $0xC800, s0;
	s21 =	smul.u32 $0x13800, s12  }
0x7: {  	s7 =	sadd.s32 $0x2800, s0;
	s0 =	sadd.s32 $0x16800, s0;
	s22 =	smul.u32 $0x4E000, s12  }
0x8: {  	p0 =	sne.s32 s12, $0xF;
	s20 =	sshll.u32 s3, $0x4;
	_ =	strace $0x80000047  }
0x9: {  	s5 =	ssub.s32 $0x2, s3;
	s3 =	smul.u32 $0x138800, s3;
	s4 =	sor.u32 s12, s20  }
0xa: {  	s9 =	sshrl.u32 s5, $0x1;
	s24 =	sshrl.u32 s22, $0x2;
	s8 =	smul.u32 $0x500, s4  }
0xb: {  	s4 =	smul.u32 $0x2800, s4;
	s9 =	ssub.s32 s5, s9;
	s5 =	sadd.s32 $0x138000, s2  }
0xc: {  	s23 =	sadd.s32 s21, s3;
	s3 =	sshrl.u32 s3, $0x3;
	s11 =	sadd.s32 s24, s2  }
0xd: {  	s25 =	smax.u32 s9, $0x1;
	s26 =	sadd.s32 $0x1800, s11;
	s15 =	sadd.s32 $0x3000, s11  }
0xe: {  	s16 =	sadd.s32 $0x4800, s11;
	s17 =	sadd.s32 $0x6000, s11;
	s18 =	sadd.s32 $0x7800, s11  }
0xf: {  	s19 =	sadd.s32 $0x9000, s11;
	s20 =	sadd.s32 $0xA800, s11;
	s21 =	sadd.s32 $0xC000, s11  }
0x10: {  	s22 =	sadd.s32 $0xD800, s11;
	s24 =	sadd.s32 $0x10800, s11;
	s9 =	simm.s32 $0x0  }
0x11: {  	s10 =	sadd.s32 s6, s8;
	s4 =	sshrl.u32 s4, $0x3;
	[dreg:$0xa] =	wrdreg s25  }
0x12: {  	s8 =	sadd.s32 s7, s8;
	[dreg:$0xb] =	wrdreg s26;
	s25 =	sadd.s32 $0x12000, s11  }
0x13: {  	s26 =	simm.s32 $0x16080;
	[dreg:$0x4] =	wrdreg s10;
	s4 =	sadd.s32 $0x280, s4  }
0x14: {  	[dreg:$0x5] =	wrdreg s8;
	s8 =	simm.s32 $0x16000;
	s6 =	sadd.s32 s6, s4  }
0x15: {  	s4 =	sadd.s32 s7, s4;
	s7 =	simm.s32 $0x15F80;
	[dreg:$0x6] =	wrdreg s6  }
0x16: {  	[dreg:$0x7] =	wrdreg s4;
	s4 =	sshrl.u32 s23, $0x3;
	s23 =	sadd.s32 $0xF000, s11  }
0x17: {  	s6 =	simm.s32 $0x2;
	s4 =	sadd.s32 s0, s4;
	s0 =	sadd.s32 s0, s3  }
0x18: {  	s3 =	simm.s32 $0x1A080;
	[dreg:$0x8] =	wrdreg s4;
	s0 =	sadd.s32 $0x27000, s0  }
0x19: {  	v0 =	vimm.f32 $0.0e+00;
	s4 =	simm.s32 $0x1;
	[dreg:$0x9] =	wrdreg s0;
	s0 =	simm.s32 $0x13900  }
.LBB2_1:
0x1a: {  	s12 =	simm.s32 $0x0  }
0x1b: {  	s10 =	sand.u32 $0x7E00, s12  }
0x1c: {  	s12 =	sand.u32 $0x70, s12;
	s13 =	sshrl.u32 s10, $0x2  }
0x1d: {  	s10 =	simm.s32 $0x40;
	s13 =	sor.u32 s12, s13;
	s12 =	simm.s32 $0x0  }
.LBB2_2:
0x1e: {  	p1 =	sne.s32 s10, $0x5FC0  }
0x1f: {  	[tilespmem:s13+$0x16080] =	vst v0;
	s12 =	sadd.s32 $0x10, s12;
	s13 =	smov.u32 s10;
	s10 =	sadd.s32 $0x40, s10  }
.Ltmp0:
0x20: {  	(pc) =	sbr.rel @p1 .LBB2_2-.Ltmp0, $4  }
0x21: {  	_ = 	snop  }
0x22: {  	s13 =	sand.u32 $0x7E00, s13  }
0x23: {  	s14 =	sand.u32 $0x70, s12;
	s13 =	sshrl.u32 s13, $0x2  }
0x24: {  	s13 =	sor.u32 s14, s13  }
0x25: {  	[tilespmem:s13+$0x16080] =	vst v0  }
0x26: {  	[spmem:s11] =	stream.linear.scatter [tilespmem:s26], [sflag:$0x3], $0x1800, $0x38;
	[tilespmem:$0x1E080] =	vst v63  }
0x27: {  	_ =	swait.ge [sflag:s28], $0x1800  }
0x28: {  	[sflag:s28] =	ssyncset.done $0x0  }
0x29: {  	s10 =	rddreg [dreg:$0xb];
	[sflag:s28] =	ssyncadd.s32 $0xFFFFE800  }
0x2a: {  	[spmem:s10] =	stream.linear.scatter [tilespmem:s26], [sflag:$0x3], $0x1800, $0x38;
	[tilespmem:$0x1E080] =	vst v63  }
0x2b: {  	_ =	swait.ge [sflag:s28], $0x1800  }
0x2c: {  	[sflag:s28] =	ssyncset.done $0x0  }
0x2d: {  	[sflag:s28] =	ssyncadd.s32 $0xFFFFE800  }
0x2e: {  	[spmem:s15] =	stream.linear.scatter [tilespmem:s26], [sflag:$0x3], $0x1800, $0x38;
	[tilespmem:$0x1E080] =	vst v63  }
0x2f: {  	_ =	swait.ge [sflag:s28], $0x1800  }
0x30: {  	[sflag:s28] =	ssyncset.done $0x0  }
0x31: {  	[sflag:s28] =	ssyncadd.s32 $0xFFFFE800  }
0x32: {  	[spmem:s16] =	stream.linear.scatter [tilespmem:s26], [sflag:$0x3], $0x1800, $0x38;
	[tilespmem:$0x1E080] =	vst v63  }
0x33: {  	_ =	swait.ge [sflag:s28], $0x1800  }
0x34: {  	[sflag:s28] =	ssyncset.done $0x0  }
0x35: {  	[sflag:s28] =	ssyncadd.s32 $0xFFFFE800  }
0x36: {  	[spmem:s17] =	stream.linear.scatter [tilespmem:s26], [sflag:$0x3], $0x1800, $0x38;
	[tilespmem:$0x1E080] =	vst v63  }
0x37: {  	_ =	swait.ge [sflag:s28], $0x1800  }
0x38: {  	[sflag:s28] =	ssyncset.done $0x0  }
0x39: {  	[sflag:s28] =	ssyncadd.s32 $0xFFFFE800  }
0x3a: {  	[spmem:s18] =	stream.linear.scatter [tilespmem:s26], [sflag:$0x3], $0x1800, $0x38;
	[tilespmem:$0x1E080] =	vst v63  }
0x3b: {  	_ =	swait.ge [sflag:s28], $0x1800  }
0x3c: {  	[sflag:s28] =	ssyncset.done $0x0  }
0x3d: {  	[sflag:s28] =	ssyncadd.s32 $0xFFFFE800  }
0x3e: {  	[spmem:s19] =	stream.linear.scatter [tilespmem:s26], [sflag:$0x3], $0x1800, $0x38;
	[tilespmem:$0x1E080] =	vst v63  }
0x3f: {  	_ =	swait.ge [sflag:s28], $0x1800  }
0x40: {  	[sflag:s28] =	ssyncset.done $0x0  }
0x41: {  	[sflag:s28] =	ssyncadd.s32 $0xFFFFE800  }
0x42: {  	[spmem:s20] =	stream.linear.scatter [tilespmem:s26], [sflag:$0x3], $0x1800, $0x38;
	[tilespmem:$0x1E080] =	vst v63  }
0x43: {  	_ =	swait.ge [sflag:s28], $0x1800  }
0x44: {  	[sflag:s28] =	ssyncset.done $0x0  }
0x45: {  	[sflag:s28] =	ssyncadd.s32 $0xFFFFE800  }
0x46: {  	[spmem:s21] =	stream.linear.scatter [tilespmem:s26], [sflag:$0x3], $0x1800, $0x38;
	[tilespmem:$0x1E080] =	vst v63  }
0x47: {  	_ =	swait.ge [sflag:s28], $0x1800  }
0x48: {  	[sflag:s28] =	ssyncset.done $0x0  }
0x49: {  	[sflag:s28] =	ssyncadd.s32 $0xFFFFE800  }
0x4a: {  	[spmem:s22] =	stream.linear.scatter [tilespmem:s26], [sflag:$0x3], $0x1800, $0x38;
	[tilespmem:$0x1E080] =	vst v63  }
0x4b: {  	_ =	swait.ge [sflag:s28], $0x1800  }
0x4c: {  	[sflag:s28] =	ssyncset.done $0x0  }
0x4d: {  	[sflag:s28] =	ssyncadd.s32 $0xFFFFE800  }
0x4e: {  	[spmem:s23] =	stream.linear.scatter [tilespmem:s26], [sflag:$0x3], $0x1800, $0x38;
	[tilespmem:$0x1E080] =	vst v63  }
0x4f: {  	_ =	swait.ge [sflag:s28], $0x1800  }
0x50: {  	[sflag:s28] =	ssyncset.done $0x0  }
0x51: {  	[sflag:s28] =	ssyncadd.s32 $0xFFFFE800  }
0x52: {  	[spmem:s24] =	stream.linear.scatter [tilespmem:s26], [sflag:$0x3], $0x1800, $0x38;
	[tilespmem:$0x1E080] =	vst v63  }
0x53: {  	_ =	swait.ge [sflag:s28], $0x1800  }
0x54: {  	[sflag:s28] =	ssyncset.done $0x0  }
0x55: {  	[sflag:s28] =	ssyncadd.s32 $0xFFFFE800  }
0x56: {  	[spmem:s25] =	stream.linear.scatter [tilespmem:s26], [sflag:$0x3], $0x1800, $0x38;
	[tilespmem:$0x1E080] =	vst v63  }
0x57: {  	_ =	swait.ge [sflag:s28], $0x1800  }
0x58: {  	[sflag:s28] =	ssyncset.done $0x0  }
0x59: {  	s10 =	simm.s32 @!p0 $0x16080;
	[sflag:s28] =	ssyncadd.s32 $0xFFFFE800  }
0x5a: {  	[spmem:s5] =	stream.linear.scatter @!p0 [tilespmem:s10], [sflag:$0x3], $0x800, $0x38;
	[tilespmem:$0x1E080] =	vst v63  }
0x5b: {  	s10 =	simm.s32 @!p0 $0x3  }
0x5c: {  	_ =	swait.ge @!p0 [sflag:s10], $0x800  }
0x5d: {  	[sflag:s10] =	ssyncset.done @!p0 $0x0  }
0x5e: {  	[sflag:s10] =	ssyncadd.s32 @!p0 $0xFFFFF800  }
0x5f: {  	[bflag:$0x0] =	sbarrier.arrive $0xFFFF  }
0x60: {  	s13 =	simm.s32 $0x0;
	s12 =	rddreg [dreg:$0x4]  }
0x61: {  	[tilespmem:s29], [sflag:$0x3] =	stream.linear.gather [hbm4b:s12+s13], $0x1400, $0x38;
	[tilespmem:$0x1E080] =	vst v63  }
0x62: {  	_ =	swait.ge [sflag:s28], $0x1400  }
0x63: {  	[sflag:s28] =	ssyncset.done $0x0  }
0x64: {  	s14 =	rddreg [dreg:$0x5];
	[sflag:s28] =	ssyncadd.s32 $0xFFFFEC00  }
0x65: {  	[tilespmem:s30], [sflag:$0x3] =	stream.linear.gather [hbm4b:s14+s13], $0x1400, $0x38;
	[tilespmem:$0x1E080] =	vst v63  }
0x66: {  	_ =	swait.ge [sflag:s28], $0x1400  }
0x67: {  	[sflag:s28] =	ssyncset.done $0x0  }
0x68: {  	[sflag:s28] =	ssyncadd.s32 $0xFFFFEC00  }
0x69: {  	[tilespmem:s26], [sflag:$0x1] =	stream.indirect.gather [hbm4b:s1+s31], $0x80, s29, s31, $0xb8;
	[tilespmem:$0x1E080] =	vst v63  }
0x6a: {  	_ = 	snop  }
0x6b: {  	[tilespmem:s3], [sflag:$0x2] =	stream.indirect.gather [hbm4b:s1+s31], $0x80, s0, s31, $0xb8;
	[tilespmem:$0x1E080] =	vst v63  }
0x6c: {  	_ =	swait.ge [sflag:s4], $0x3E80  }
0x6d: {  	[sflag:s4] =	ssyncset.done $0x0  }
0x6e: {  	s12 =	simm.s32 $0x14C80;
	[sflag:s4] =	ssyncadd.s32 $0xFFFFC180  }
0x6f: {  	[spmem:s2] =	stream.indirect.scatter.add.f32 [tilespmem:s26], [sflag:$0x3], $0x80, s12, s31, $0xb8;
	[tilespmem:$0x1E080] =	vst v63  }
0x70: {  	_ =	swait.ge [sflag:s28], $0x3E80  }
0x71: {  	[sflag:s28] =	ssyncset.done $0x0  }
0x72: {  	s13 =	simm.s32 $0x13980;
	[sflag:s28] =	ssyncadd.s32 $0xFFFFC180  }
0x73: {  	[tilespmem:s26], [sflag:$0x1] =	stream.indirect.gather [hbm4b:s1+s31], $0x80, s13, s31, $0xb8;
	[tilespmem:$0x1E080] =	vst v63  }
0x74: {  	_ =	swait.ge [sflag:s6], $0x3E80  }
0x75: {  	[sflag:s6] =	ssyncset.done $0x0  }
0x76: {  	s14 =	simm.s32 $0x14D00;
	[sflag:s6] =	ssyncadd.s32 $0xFFFFC180  }
0x77: {  	[spmem:s2] =	stream.indirect.scatter.add.f32 [tilespmem:s3], [sflag:$0x3], $0x80, s14, s31, $0xb8;
	[tilespmem:$0x1E080] =	vst v63  }
0x78: {  	_ =	swait.ge [sflag:s28], $0x3E80  }
0x79: {  	[sflag:s28] =	ssyncset.done $0x0  }
0x7a: {  	s10 =	simm.s32 $0x400;
	s12 =	simm.s32 $0x13A00;
	[sflag:s28] =	ssyncadd.s32 $0xFFFFC180  }
.LBB2_4:
0x7b: {  	[tilespmem:s3], [sflag:$0x2] =	stream.indirect.gather [hbm4b:s1+s31], $0x80, s12, s31, $0xb8;
	[tilespmem:$0x1E080] =	vst v63  }
0x7c: {  	s12 =	smov.u32 s10  }
0x7d: {  	p1 =	sne.s32 s10, $0x4800;
	s10 =	sadd.s32 $0x400, s10;
	_ =	swait.ge [sflag:s4], $0x3E80  }
0x7e: {  	s12 =	sshra.s32 s12, $0x2;
	[sflag:s4] =	ssyncset.done $0x0  }
0x7f: {  	s13 =	sadd.s32 $0x14C80, s12;
	[sflag:s4] =	ssyncadd.s32 $0xFFFFC180  }
0x80: {  	[spmem:s2] =	stream.indirect.scatter.add.f32 [tilespmem:s26], [sflag:$0x3], $0x80, s13, s31, $0xb8;
	[tilespmem:$0x1E080] =	vst v63  }
0x81: {  	_ =	swait.ge [sflag:s28], $0x3E80  }
0x82: {  	[sflag:s28] =	ssyncset.done $0x0  }
0x83: {  	s13 =	sadd.s32 $0x13980, s12;
	[sflag:s28] =	ssyncadd.s32 $0xFFFFC180  }
0x84: {  	[tilespmem:s26], [sflag:$0x1] =	stream.indirect.gather [hbm4b:s1+s31], $0x80, s13, s31, $0xb8;
	[tilespmem:$0x1E080] =	vst v63  }
0x85: {  	_ =	swait.ge [sflag:s6], $0x3E80  }
0x86: {  	[sflag:s6] =	ssyncset.done $0x0  }
.Ltmp1:
0x87: {  	s13 =	sadd.s32 $0x14D00, s12;
	[sflag:s6] =	ssyncadd.s32 $0xFFFFC180;
	(pc) =	sbr.rel @p1 .LBB2_4-.Ltmp1, $4  }
0x88: {  	[spmem:s2] =	stream.indirect.scatter.add.f32 [tilespmem:s3], [sflag:$0x3], $0x80, s13, s31, $0xb8;
	[tilespmem:$0x1E080] =	vst v63  }
0x89: {  	_ =	swait.ge [sflag:s28], $0x3E80  }
0x8a: {  	[sflag:s28] =	ssyncset.done $0x0  }
0x8b: {  	s12 =	sadd.s32 $0x13A00, s12;
	[sflag:s28] =	ssyncadd.s32 $0xFFFFC180  }
0x8c: {  	[tilespmem:s3], [sflag:$0x2] =	stream.indirect.gather [hbm4b:s1+s31], $0x80, s12, s31, $0xb8;
	[tilespmem:$0x1E080] =	vst v63  }
0x8d: {  	_ =	swait.ge [sflag:s4], $0x3E80  }
0x8e: {  	[sflag:s4] =	ssyncset.done $0x0  }
0x8f: {  	[sflag:s4] =	ssyncadd.s32 $0xFFFFC180  }
0x90: {  	[spmem:s2] =	stream.indirect.scatter.add.f32 [tilespmem:s26], [sflag:$0x3], $0x80, s7, s31, $0xb8;
	[tilespmem:$0x1E080] =	vst v63  }
0x91: {  	_ =	swait.ge [sflag:s28], $0x3E80  }
0x92: {  	[sflag:s28] =	ssyncset.done $0x0  }
0x93: {  	[sflag:s28] =	ssyncadd.s32 $0xFFFFC180  }
0x94: {  	_ =	swait.ge [sflag:s6], $0x3E80  }
0x95: {  	[sflag:s6] =	ssyncset.done $0x0  }
0x96: {  	[sflag:s6] =	ssyncadd.s32 $0xFFFFC180  }
0x97: {  	[spmem:s2] =	stream.indirect.scatter.add.f32 [tilespmem:s3], [sflag:$0x3], $0x80, s8, s31, $0xb8;
	[tilespmem:$0x1E080] =	vst v63  }
0x98: {  	_ =	swait.ge [sflag:s28], $0x3E80  }
0x99: {  	[sflag:s28] =	ssyncset.done $0x0  }
0x9a: {  	s10 =	simm.s32 $0x0;
	s13 =	rddreg [dreg:$0x6];
	[sflag:s28] =	ssyncadd.s32 $0xFFFFC180  }
0x9b: {  	[tilespmem:s29], [sflag:$0x3] =	stream.linear.gather [hbm4b:s13+s10], $0x1400, $0x38;
	[tilespmem:$0x1E080] =	vst v63  }
0x9c: {  	_ =	swait.ge [sflag:s28], $0x1400  }
0x9d: {  	[sflag:s28] =	ssyncset.done $0x0  }
0x9e: {  	s14 =	rddreg [dreg:$0x7];
	[sflag:s28] =	ssyncadd.s32 $0xFFFFEC00  }
0x9f: {  	[tilespmem:s30], [sflag:$0x3] =	stream.linear.gather [hbm4b:s14+s10], $0x1400, $0x38;
	[tilespmem:$0x1E080] =	vst v63  }
0xa0: {  	_ =	swait.ge [sflag:s28], $0x1400  }
0xa1: {  	[sflag:s28] =	ssyncset.done $0x0  }
0xa2: {  	[sflag:s28] =	ssyncadd.s32 $0xFFFFEC00  }
0xa3: {  	[tilespmem:s26], [sflag:$0x1] =	stream.indirect.gather [hbm4b:s1+s31], $0x80, s29, s31, $0xb8;
	[tilespmem:$0x1E080] =	vst v63  }
0xa4: {  	_ = 	snop  }
0xa5: {  	[tilespmem:s3], [sflag:$0x2] =	stream.indirect.gather [hbm4b:s1+s31], $0x80, s0, s31, $0xb8;
	[tilespmem:$0x1E080] =	vst v63  }
0xa6: {  	_ =	swait.ge [sflag:s4], $0x3E80  }
0xa7: {  	[sflag:s4] =	ssyncset.done $0x0  }
0xa8: {  	s12 =	simm.s32 $0x14C80;
	[sflag:s4] =	ssyncadd.s32 $0xFFFFC180  }
0xa9: {  	[spmem:s2] =	stream.indirect.scatter.add.f32 [tilespmem:s26], [sflag:$0x3], $0x80, s12, s31, $0xb8;
	[tilespmem:$0x1E080] =	vst v63  }
0xaa: {  	_ =	swait.ge [sflag:s28], $0x3E80  }
0xab: {  	[sflag:s28] =	ssyncset.done $0x0  }
0xac: {  	s13 =	simm.s32 $0x13980;
	[sflag:s28] =	ssyncadd.s32 $0xFFFFC180  }
0xad: {  	[tilespmem:s26], [sflag:$0x1] =	stream.indirect.gather [hbm4b:s1+s31], $0x80, s13, s31, $0xb8;
	[tilespmem:$0x1E080] =	vst v63  }
0xae: {  	_ =	swait.ge [sflag:s6], $0x3E80  }
0xaf: {  	[sflag:s6] =	ssyncset.done $0x0  }
0xb0: {  	s14 =	simm.s32 $0x14D00;
	[sflag:s6] =	ssyncadd.s32 $0xFFFFC180  }
0xb1: {  	[spmem:s2] =	stream.indirect.scatter.add.f32 [tilespmem:s3], [sflag:$0x3], $0x80, s14, s31, $0xb8;
	[tilespmem:$0x1E080] =	vst v63  }
0xb2: {  	_ =	swait.ge [sflag:s28], $0x3E80  }
0xb3: {  	[sflag:s28] =	ssyncset.done $0x0  }
0xb4: {  	s10 =	simm.s32 $0x400;
	s12 =	simm.s32 $0x13A00;
	[sflag:s28] =	ssyncadd.s32 $0xFFFFC180  }
.LBB2_6:
0xb5: {  	[tilespmem:s3], [sflag:$0x2] =	stream.indirect.gather [hbm4b:s1+s31], $0x80, s12, s31, $0xb8;
	[tilespmem:$0x1E080] =	vst v63  }
0xb6: {  	s12 =	smov.u32 s10  }
0xb7: {  	p1 =	sne.s32 s10, $0x4800;
	s10 =	sadd.s32 $0x400, s10;
	_ =	swait.ge [sflag:s4], $0x3E80  }
0xb8: {  	s12 =	sshra.s32 s12, $0x2;
	[sflag:s4] =	ssyncset.done $0x0  }
0xb9: {  	s13 =	sadd.s32 $0x14C80, s12;
	[sflag:s4] =	ssyncadd.s32 $0xFFFFC180  }
0xba: {  	[spmem:s2] =	stream.indirect.scatter.add.f32 [tilespmem:s26], [sflag:$0x3], $0x80, s13, s31, $0xb8;
	[tilespmem:$0x1E080] =	vst v63  }
0xbb: {  	_ =	swait.ge [sflag:s28], $0x3E80  }
0xbc: {  	[sflag:s28] =	ssyncset.done $0x0  }
0xbd: {  	s13 =	sadd.s32 $0x13980, s12;
	[sflag:s28] =	ssyncadd.s32 $0xFFFFC180  }
0xbe: {  	[tilespmem:s26], [sflag:$0x1] =	stream.indirect.gather [hbm4b:s1+s31], $0x80, s13, s31, $0xb8;
	[tilespmem:$0x1E080] =	vst v63  }
0xbf: {  	_ =	swait.ge [sflag:s6], $0x3E80  }
0xc0: {  	[sflag:s6] =	ssyncset.done $0x0  }
.Ltmp2:
0xc1: {  	s13 =	sadd.s32 $0x14D00, s12;
	[sflag:s6] =	ssyncadd.s32 $0xFFFFC180;
	(pc) =	sbr.rel @p1 .LBB2_6-.Ltmp2, $4  }
0xc2: {  	[spmem:s2] =	stream.indirect.scatter.add.f32 [tilespmem:s3], [sflag:$0x3], $0x80, s13, s31, $0xb8;
	[tilespmem:$0x1E080] =	vst v63  }
0xc3: {  	_ =	swait.ge [sflag:s28], $0x3E80  }
0xc4: {  	[sflag:s28] =	ssyncset.done $0x0  }
0xc5: {  	s12 =	sadd.s32 $0x13A00, s12;
	[sflag:s28] =	ssyncadd.s32 $0xFFFFC180  }
0xc6: {  	[tilespmem:s3], [sflag:$0x2] =	stream.indirect.gather [hbm4b:s1+s31], $0x80, s12, s31, $0xb8;
	[tilespmem:$0x1E080] =	vst v63  }
0xc7: {  	_ =	swait.ge [sflag:s4], $0x3E80  }
0xc8: {  	[sflag:s4] =	ssyncset.done $0x0  }
0xc9: {  	[sflag:s4] =	ssyncadd.s32 $0xFFFFC180  }
0xca: {  	[spmem:s2] =	stream.indirect.scatter.add.f32 [tilespmem:s26], [sflag:$0x3], $0x80, s7, s31, $0xb8;
	[tilespmem:$0x1E080] =	vst v63  }
0xcb: {  	_ =	swait.ge [sflag:s28], $0x3E80  }
0xcc: {  	[sflag:s28] =	ssyncset.done $0x0  }
0xcd: {  	[sflag:s28] =	ssyncadd.s32 $0xFFFFC180  }
0xce: {  	_ =	swait.ge [sflag:s6], $0x3E80  }
0xcf: {  	[sflag:s6] =	ssyncset.done $0x0  }
0xd0: {  	[sflag:s6] =	ssyncadd.s32 $0xFFFFC180  }
0xd1: {  	[spmem:s2] =	stream.indirect.scatter.add.f32 [tilespmem:s3], [sflag:$0x3], $0x80, s8, s31, $0xb8;
	[tilespmem:$0x1E080] =	vst v63  }
0xd2: {  	_ =	swait.ge [sflag:s28], $0x3E80  }
0xd3: {  	[sflag:s28] =	ssyncset.done $0x0  }
0xd4: {  	s10 =	stileid.u32;
	[sflag:s28] =	ssyncadd.s32 $0xFFFFC180  }
0xd5: {  	s10 =	sshll.u32 s10, $0x6;
	[bflag:$0x0] =	sbarrier.arrive $0xFFFF  }
0xd6: {  	s14 =	sshrl.u32 s11, $0x3;
	s10 =	sor.u32 $0x1C03, s10;
	s13 =	rddreg [dreg:$0x8]  }
0xd7: {  	[hbm:s13], [sflag:s10] =	dma.local [spmem:s14], $0x2700  }
0xd8: {  	_ =	swait.ge [sflag:s28], $0x2700  }
0xd9: {  	[sflag:s28] =	ssyncset.done $0x0  }
0xda: {  	s12 =	sshrl.u32 @!p0 s5, $0x3;
	s13 =	rddreg [dreg:$0x9];
	[sflag:s28] =	ssyncadd.s32 $0xFFFFD900  }
0xdb: {  	[hbm:s13], [sflag:s10] =	dma.local @!p0 [spmem:s12], $0x100  }
0xdc: {  	s10 =	simm.s32 @!p0 $0x3  }
0xdd: {  	_ =	swait.ge @!p0 [sflag:s10], $0x100  }
0xde: {  	s9 =	sadd.s32 $0x1, s9;
	s14 =	rddreg [dreg:$0xa]  }
0xdf: {  	p1 =	sne.s32 s9, s14  }
.Ltmp3:
0xe0: {  	_ = 	snop;
	(pc) =	sbr.rel @p1 .LBB2_1-.Ltmp3, $3  }
0xe1: {  	_ =	sdelay $0x1  }
0xe2: {  	[sflag:s10] =	ssyncset.done @!p0 $0x0  }
0xe3: {  	[sflag:s10] =	ssyncadd.s32 @!p0 $0xFFFFFF00  }
0xe4: {  	_ =	sfence.sel $0x180000  }
0xe5: {  	[bflag:$0x0] =	sbarrier.arrive $0xFFFF  }
0xe6: {  	_ =	strace $0x90000047  }
0xe7: {  	s0 =	stileid.u32;
	[bflag:$0x2] =	sbarrier.arrive $0xFFFF  }
0xe8: {  	p0 =	sne.s32 s0, $0x0;
	s0 =	rddreg [dreg:$0x3]  }
0xe9: {  	s0 =	sadd.s32 @!p0 $0x100000, s0  }
0xea: {  	[sflag:s0] =	ssyncadd.tile.s32 @!p0 $0x1;
	_ =	shalt  }
.Lfunc_end2:
_tile_overlayer_lowered:
.L_overlay_start_2:
0xeb: {  	(tag) =	ssettag $0x2  }
0xec: {  	s0 =	rddreg [dreg:$0x0];
	s2 =	stileid.u32  }
0xed: {  	s1 =	rddreg [dreg:$0x1];
	p0 =	sne.s32 s2, $0x0  }
0xee: {  	s3 =	rddreg [dreg:$0x2];
	[bflag:$0x3] =	sbarrier.arrive $0xFFFF;
	s2 =	simm.s32 @!p0 $0x1C03  }
0xef: {  	[timem:s3], [sflag:s2] =	dma.local @!p0 [hbm:s0], s1  }
0xf0: {  	s0 =	simm.s32 @!p0 $0x3  }
0xf1: {  	_ =	swait.ge @!p0 [sflag:s0], s1  }
0xf2: {  	s1 =	ssub.s32 @!p0 $0x0, s1;
	[sflag:s0] =	ssyncset.done @!p0 $0x0  }
0xf3: {  	[sflag:s0] =	ssyncadd.s32 @!p0 s1  }
0xf4: {  	[bflag:$0x3] =	sbarrier.arrive $0xFFFF  }
0xf5: {  	_ =	shalt  }

// kernel: kernel.13.cloned.1.call-start
scs
__scs_entry_jumppad:
0x0: {  	(pc) =	sbr.rel $0x88, $3  }
0x1: {  	(tag) =	ssettag $0x0;
	lr =	simm.s32 $0x1  }
0x2: {  	[smem:$0x3F95] =	sst lr;
	_ =	strace $0xD0000000  }
0x3: {  	_ = 	snop  }
0x4: {  	_ = 	snop  }
0x5: {  	_ = 	snop  }
0x6: {  	_ = 	snop  }
0x7: {  	_ = 	snop  }
__scs_overlays_trampoline_lowered:
0x8: {  	[smem:$0x3FA4] =	sst s0  }
0x9: {  	[smem:$0x3FA5] =	sst s1  }
0xa: {  	[smem:$0x3FA6] =	sst s2  }
0xb: {  	[smem:$0x3FA7] =	sst s3  }
0xc: {  	[smem:$0x3FA8] =	sst s4  }
0xd: {  	[smem:$0x3FA9] =	sst s5  }
0xe: {  	[smem:$0x3FAA] =	sst s6  }
0xf: {  	[smem:$0x3FAB] =	sst s7  }
0x10: {  	[smem:$0x3FAC] =	sst s8  }
0x11: {  	[smem:$0x3FAD] =	sst s9;
	s0 =	simm.s32 @!p0 $0x0  }
0x12: {  	s1 =	sld [smem:$0x3F93];
	s0 =	simm.s32 @p0 $0x1  }
0x13: {  	[smem:$0x3FAE] =	sst s0;
	s0 =	simm.s32 @!p1 $0x0  }
0x14: {  	s2 =	sld [smem:$0x3F92];
	s0 =	simm.s32 @p1 $0x1  }
0x15: {  	[smem:$0x3FAF] =	sst s0;
	s0 =	simm.s32 @!p2 $0x0  }
0x16: {  	s3 =	sld [smem:$0x3FDB];
	s0 =	simm.s32 @p2 $0x1  }
0x17: {  	s4 =	simm.s32 $0x1BF5;
	[smem:$0x3FB1] =	sst s0  }
0x18: {  	s0 =	sld [smem:$0x3F94];
	_ =	swait.ge [sflag:s4], $0x0  }
0x19: {  	s7 =	sld [smem:$0x3F95]  }
0x1a: {  	s8 =	sadd.s32 $0xFFFFE003, lr  }
0x1b: {  	s9 =	sadd.s32 $0xFFFFFEF7, lr;
	s5 =	simm.s32 $0xFFFFFFFF;
	p2 =	slt.u32 s8, $0xFFFFF086  }
0x1c: {  	p1 =	slt.u32 s9, $0xF7A;
	s5 =	simm.s32 @!p2 $0x0  }
0x1d: {  	s5 =	simm.s32 @p1 $0x1;
	p0 =	seq.s32 s7, s2  }
0x1e: {  	s7 =	smul.u32 @!p0 $0xF7A, s2;
	p2 =	seq.s32 @!p0 s5, $0x0  }
0x1f: {  	s9 =	smul.u32 $0xF7A, s1;
	s8 =	simm.s32 @!p0 $0x1BF5;
	p2 =	por !p2, p0  }
0x20: {  	[sflag:s8] =	ssyncset.s32 @!p0 $0xFFFFF086;
	s6 =	sadd.s32 @!p0 s3, s7;
	s7 =	simm.s32 @!p0 $0x108  }
0x21: {  	s3 =	sadd.s32 s3, s9;
	s6 =	sadd.s32 @!p0 $0x88, s6;
	s7 =	simm.s32 @p2 $0x1082  }
0x22: {  	[simem:s7], [sflag:s8] =	dma.local @!p0 [hbm:s6], $0xF7A  }
0x23: {  	s9 =	sor.u32 $0xD0000000, s2;
	s6 =	simm.s32 $0x108;
	_ =	swait.ge @!p0 [sflag:s8], $0x0  }
0x24: {  	s3 =	sadd.s32 $0x88, s3;
	s6 =	simm.s32 @!p1 $0x1082;
	[sflag:s4] =	ssyncset.s32 $0xFFFFF086  }
0x25: {  	[simem:s6], [sflag:s4] =	dma.local [hbm:s3], $0xF7A  }
0x26: {  	[smem:$0x3F95] =	sst s1;
	(tag) =	ssettag s2;
	_ =	strace s9  }
0x27: {  	s1 =	sld [smem:$0x3FA5]  }
0x28: {  	s2 =	sld [smem:$0x3FA6]  }
0x29: {  	s4 =	sld [smem:$0x3FA8]  }
0x2a: {  	p0 =	seq.s32 s5, $0x0;
	s5 =	sld [smem:$0x3FA9]  }
0x2b: {  	s6 =	sld [smem:$0x3FAA]  }
0x2c: {  	s7 =	sld [smem:$0x3FAB]  }
0x2d: {  	s3 =	simm.s32 $0x108;
	s8 =	sld [smem:$0x3FAC]  }
0x2e: {  	s3 =	simm.s32 @!p0 $0x1082;
	s9 =	sld [smem:$0x3FAD]  }
0x2f: {  	lr =	sadd.s32 s0, s3;
	s0 =	sld [smem:$0x3FA4]  }
0x30: {  	s3 =	sld [smem:$0x3FA7]  }
0x31: {  	[smem:$0x3FB0] =	sst s10  }
0x32: {  	s10 =	sld [smem:$0x3FAE];
	_ =	sdelay $0x3  }
0x33: {  	p0 =	seq.s32 s10, $0x1;
	s10 =	sld [smem:$0x3FB0];
	_ =	sdelay $0x3  }
0x34: {  	[smem:$0x3FB0] =	sst s10  }
0x35: {  	s10 =	sld [smem:$0x3FAF];
	_ =	sdelay $0x3  }
0x36: {  	p1 =	seq.s32 s10, $0x1;
	s10 =	sld [smem:$0x3FB0];
	_ =	sdelay $0x3  }
0x37: {  	[smem:$0x3FB0] =	sst s10  }
0x38: {  	s10 =	sld [smem:$0x3FB1]  }
0x39: {  	_ = 	snop;
	(pc) =	sbr.ind lr, $3  }
0x3a: {  	_ = 	snop  }
0x3b: {  	_ = 	snop  }
0x3c: {  	p2 =	seq.s32 s10, $0x1;
	s10 =	sld [smem:$0x3FB0]  }
0x3d: {  	_ =	shalt  }
0x3e: {  	_ =	shalt  }
0x3f: {  	_ =	shalt  }
0x40: {  	_ =	shalt  }
0x41: {  	_ =	shalt  }
0x42: {  	_ =	shalt  }
0x43: {  	_ =	shalt  }
0x44: {  	_ =	shalt  }
0x45: {  	_ =	shalt  }
0x46: {  	_ =	shalt  }
0x47: {  	_ =	shalt  }
0x48: {  	_ =	shalt  }
0x49: {  	_ =	shalt  }
0x4a: {  	_ =	shalt  }
0x4b: {  	_ =	shalt  }
0x4c: {  	_ =	shalt  }
0x4d: {  	_ =	shalt  }
0x4e: {  	_ =	shalt  }
0x4f: {  	_ =	shalt  }
0x50: {  	_ =	shalt  }
0x51: {  	_ =	shalt  }
0x52: {  	_ =	shalt  }
0x53: {  	_ =	shalt  }
0x54: {  	_ =	shalt  }
0x55: {  	_ =	shalt  }
0x56: {  	_ =	shalt  }
0x57: {  	_ =	shalt  }
0x58: {  	_ =	shalt  }
0x59: {  	_ =	shalt  }
0x5a: {  	_ =	shalt  }
0x5b: {  	_ =	shalt  }
0x5c: {  	_ =	shalt  }
0x5d: {  	_ =	shalt  }
0x5e: {  	_ =	shalt  }
0x5f: {  	_ =	shalt  }
0x60: {  	_ =	shalt  }
0x61: {  	_ =	shalt  }
0x62: {  	_ =	shalt  }
0x63: {  	_ =	shalt  }
0x64: {  	_ =	shalt  }
0x65: {  	_ =	shalt  }
0x66: {  	_ =	shalt  }
0x67: {  	_ =	shalt  }
0x68: {  	_ =	shalt  }
0x69: {  	_ =	shalt  }
0x6a: {  	_ =	shalt  }
0x6b: {  	_ =	shalt  }
0x6c: {  	_ =	shalt  }
0x6d: {  	_ =	shalt  }
0x6e: {  	_ =	shalt  }
0x6f: {  	_ =	shalt  }
0x70: {  	_ =	shalt  }
0x71: {  	_ =	shalt  }
0x72: {  	_ =	shalt  }
0x73: {  	_ =	shalt  }
0x74: {  	_ =	shalt  }
0x75: {  	_ =	shalt  }
0x76: {  	_ =	shalt  }
0x77: {  	_ =	shalt  }
0x78: {  	_ =	shalt  }
0x79: {  	_ =	shalt  }
0x7a: {  	_ =	shalt  }
0x7b: {  	_ =	shalt  }
0x7c: {  	_ =	shalt  }
0x7d: {  	_ =	shalt  }
0x7e: {  	_ =	shalt  }
0x7f: {  	_ =	shalt  }
0x80: {  	_ =	shalt  }
0x81: {  	_ =	shalt  }
0x82: {  	_ =	shalt  }
0x83: {  	_ =	shalt  }
0x84: {  	_ =	shalt  }
0x85: {  	_ =	shalt  }
0x86: {  	_ =	shalt  }
0x87: {  	_ =	shalt  }
.Lfunc_end0:
.L_simem_size_0:
called_computation.2_lowered:
.L_overlay_start_0:
0x88: {  	s2 =	sld [smem:$0x3FD9]  }
0x89: {  	s3 =	sld [smem:$0x3FFE];
	_ =	sdelay $0x1  }
0x8a: {  	s1 =	srdreg.scid  }
0x8b: {  	s0 =	sand.u32 $0x1, s1  }
0x8c: {  	s17 =	sshll.u32 s0, $0xA;
	s2 =	sadd.s32 s3, s2  }
0x8d: {  	s2 =	sadd.s32 s2, s17  }
0x8e: {  	[smem:$0x3FBC] =	sst s2  }
0x8f: {  	_ = 	snop  }
0x90: {  	s2 =	sld [smem:$0x3FD0];
	(tm) =	ssettm $0x1  }
0x91: {  	s18 =	sld [smem:$0x3FFB];
	_ =	sdelay $0x3  }
0x92: {  	_ =	strace s18  }
0x93: {  	s3 =	sld [smem:$0x3FFC];
	_ =	sdelay $0x3  }
0x94: {  	_ =	strace s3  }
0x95: {  	s3 =	sld [smem:$0x3FFD];
	_ =	sdelay $0x3  }
0x96: {  	_ =	strace s3  }
0x97: {  	_ =	strace $0x8FFFFFFF  }
0x98: {  	s19 =	sld [smem:$0x3FDB];
	_ =	sdelay $0x1  }
0x99: {  	s4 =	simm.s32 $_scs_section_size  }
0x9a: {  	s5 =	simm.s32 $_size__tile_overlayer_lowered;
	s6 =	simm.s32 $_tile_overlayer_lowered  }
0x9b: {  	s22 =	simm.s32 $0x1BFF;
	s21 =	sshll.u32 s6, $0x1;
	s3 =	sadd.s32 s4, s19  }
0x9c: {  	s7 =	simm.s32 $0x0;
	s20 =	sshll.u32 s5, $0x1;
	s5 =	sadd.s32 s21, s3  }
0x9d: {  	[timem:s7], [sflag:s22] =	dma.local [hbm:s5], s20  }
0x9e: {  	_ =	swait.ge [sflag:s22], s20  }
0x9f: {  	s4 =	ssub.s32 $0x0, s20;
	[sflag:s22] =	ssyncset.done $0x0  }
0xa0: {  	[sflag:s22] =	ssyncadd.s32 s4;
	_ =	sdelay $0x1  }
0xa1: {  	s23 =	simm.s32 $0x1B8B  }
0xa2: {  	_ =	swait.ge [sflag:s23], $0x1  }
0xa3: {  	[sflag:s23] =	ssyncset.done $0x0  }
0xa4: {  	s25 =	simm.s32 $0x1B8E;
	s24 =	sld [smem:$0x3FFE];
	[sflag:s23] =	ssyncadd.s32 $0xFFFFFFFF  }
0xa5: {  	s26 =	simm.s32 $execute0_lowered;
	[smem:$0x3FD2] =	sst s25  }
0xa6: {  	s5 =	sshll.u32 s26, $0x1;
	_ =	strace $0x8000004C;
	[dreg:$0x1] =	wrdreg $0xFFFFFFFF  }
0xa7: {  	s28 =	simm.s32 $_size_execute0_lowered;
	s3 =	sadd.s32 s3, s5;
	[dreg:$0x0] =	wrdreg $0x0  }
0xa8: {  	s5 =	sshll.u32 s28, $0x1;
	[dreg:$0x2] =	wrdreg s3  }
0xa9: {  	[dreg:$0x3] =	wrdreg s5  }
0xaa: {  	[dreg:$0x4] =	wrdreg $0xC0  }
0xab: {  	_ =	task [dreg:s7], $0x5FFFF  }
0xac: {  	[dreg:$0x1] =	wrdreg $0xFFFFFFFF  }
0xad: {  	[dreg:$0x0] =	wrdreg $0x60  }
0xae: {  	[dreg:$0x2] =	wrdreg s2  }
0xaf: {  	[dreg:$0x3] =	wrdreg s24  }
0xb0: {  	[dreg:$0x4] =	wrdreg $0x0  }
0xb1: {  	[dreg:$0x5] =	wrdreg $0x9  }
0xb2: {  	_ =	task.clear_ibuf [dreg:s7], $0x6FFFF;
	_ =	strace $0x9000004C  }
0xb3: {  	s29 =	simm.s32 $0x9;
	_ =	strace $0x8000004E  }
0xb4: {  	_ =	swait.ge [sflag:s29], $0x1  }
0xb5: {  	[sflag:s29] =	ssyncadd.s32 $0xFFFFFFFF  }
0xb6: {  	_ =	strace $0x9000004E  }
0xb7: {  	_ =	sfence  }
0xb8: {  	s30 =	sld [smem:$0x0];
	_ =	sdelay $0x2  }
0xb9: {  	s31 =	sshll.u32 s1, $0xD;
	s1 =	sshrl.u32 s1, $0x2  }
0xba: {  	s3 =	sand.u32 $0x4000, s31;
	s1 =	sadd.s32 s1, s30  }
0xbb: {  	s0 =	sor.u32 s3, s0;
	s1 =	sshll.u32 s1, $0x11  }
0xbc: {  	s0 =	sor.u32 s1, s0  }
0xbd: {  	s0 =	sadd.s32 $0x8F2B, s0  }
0xbe: {  	[sflag:s0] =	ssyncadd.remote.s32 $0x1  }
0xbf: {  	_ =	sfence.sel $0xFFFF  }
0xc0: {  	[dreg:$0x0] =	wrdreg $0xFFFFFFFF;
	(pc) =	sbr.abs _section_cstart, $3  }
0xc1: {  	[dreg:$0x1] =	wrdreg $0xFFFFFFFF  }
0xc2: {  	_ =	task.clear_ibuf [dreg:s7], $0x2FFFF;
	_ =	strace $0x9FFFFFFF  }
0xc3: {  	(tm) =	ssettm $0x7FFFFFFF  }
tec
execute0_lowered:
.L_overlay_start_1:
0x0: {  	(tag) =	ssettag $0x1  }
0x1: {  	s1 =	rddreg [dreg:$0x0]  }
0x2: {  	s0 =	rddreg [dreg:$0x1]  }
0x3: {  	s2 =	rddreg [dreg:$0x2];
	s3 =	srdreg.scid;
	s4 =	simm.s32 $0x0  }
0x4: {  	s12 =	stileid.u32;
	s28 =	simm.s32 $0x3;
	s29 =	simm.s32 $0x13880  }
0x5: {  	s30 =	simm.s32 $0x14C80;
	s31 =	simm.s32 $0x7D;
	s3 =	sand.u32 $0x1, s3  }
0x6: {  	[smem:$0x7FF] =	sst s4;
	s6 =	sadd.s32 $0xC800, s0;
	s21 =	smul.u32 $0x13800, s12  }
0x7: {  	s7 =	sadd.s32 $0x2800, s0;
	s0 =	sadd.s32 $0x16800, s0;
	s22 =	smul.u32 $0x4E000, s12  }
0x8: {  	p0 =	sne.s32 s12, $0xF;
	s20 =	sshll.u32 s3, $0x4;
	_ =	strace $0x8000004D  }
0x9: {  	s5 =	ssub.s32 $0x2, s3;
	s3 =	smul.u32 $0x138800, s3;
	s4 =	sor.u32 s12, s20  }
0xa: {  	s9 =	sshrl.u32 s5, $0x1;
	s24 =	sshrl.u32 s22, $0x2;
	s8 =	smul.u32 $0x500, s4  }
0xb: {  	s4 =	smul.u32 $0x2800, s4;
	s9 =	ssub.s32 s5, s9;
	s5 =	sadd.s32 $0x138000, s2  }
0xc: {  	s23 =	sadd.s32 s21, s3;
	s3 =	sshrl.u32 s3, $0x3;
	s11 =	sadd.s32 s24, s2  }
0xd: {  	s25 =	smax.u32 s9, $0x1;
	s26 =	sadd.s32 $0x1800, s11;
	s15 =	sadd.s32 $0x3000, s11  }
0xe: {  	s16 =	sadd.s32 $0x4800, s11;
	s17 =	sadd.s32 $0x6000, s11;
	s18 =	sadd.s32 $0x7800, s11  }
0xf: {  	s19 =	sadd.s32 $0x9000, s11;
	s20 =	sadd.s32 $0xA800, s11;
	s21 =	sadd.s32 $0xC000, s11  }
0x10: {  	s22 =	sadd.s32 $0xD800, s11;
	s24 =	sadd.s32 $0x10800, s11;
	s9 =	simm.s32 $0x0  }
0x11: {  	s10 =	sadd.s32 s6, s8;
	s4 =	sshrl.u32 s4, $0x3;
	[dreg:$0xa] =	wrdreg s25  }
0x12: {  	s8 =	sadd.s32 s7, s8;
	[dreg:$0xb] =	wrdreg s26;
	s25 =	sadd.s32 $0x12000, s11  }
0x13: {  	s26 =	simm.s32 $0x16080;
	[dreg:$0x4] =	wrdreg s10;
	s4 =	sadd.s32 $0x280, s4  }
0x14: {  	[dreg:$0x5] =	wrdreg s8;
	s8 =	simm.s32 $0x16000;
	s6 =	sadd.s32 s6, s4  }
0x15: {  	s4 =	sadd.s32 s7, s4;
	s7 =	simm.s32 $0x15F80;
	[dreg:$0x6] =	wrdreg s6  }
0x16: {  	[dreg:$0x7] =	wrdreg s4;
	s4 =	sshrl.u32 s23, $0x3;
	s23 =	sadd.s32 $0xF000, s11  }
0x17: {  	s6 =	simm.s32 $0x2;
	s4 =	sadd.s32 s0, s4;
	s0 =	sadd.s32 s0, s3  }
0x18: {  	s3 =	simm.s32 $0x1A080;
	[dreg:$0x8] =	wrdreg s4;
	s0 =	sadd.s32 $0x27000, s0  }
0x19: {  	v0 =	vimm.f32 $0.0e+00;
	s4 =	simm.s32 $0x1;
	[dreg:$0x9] =	wrdreg s0;
	s0 =	simm.s32 $0x13900  }
.LBB2_1:
0x1a: {  	s12 =	simm.s32 $0x0  }
0x1b: {  	s10 =	sand.u32 $0x7E00, s12  }
0x1c: {  	s12 =	sand.u32 $0x70, s12;
	s13 =	sshrl.u32 s10, $0x2  }
0x1d: {  	s10 =	simm.s32 $0x40;
	s13 =	sor.u32 s12, s13;
	s12 =	simm.s32 $0x0  }
.LBB2_2:
0x1e: {  	p1 =	sne.s32 s10, $0x5FC0  }
0x1f: {  	[tilespmem:s13+$0x16080] =	vst v0;
	s12 =	sadd.s32 $0x10, s12;
	s13 =	smov.u32 s10;
	s10 =	sadd.s32 $0x40, s10  }
.Ltmp0:
0x20: {  	(pc) =	sbr.rel @p1 .LBB2_2-.Ltmp0, $4  }
0x21: {  	_ = 	snop  }
0x22: {  	s13 =	sand.u32 $0x7E00, s13  }
0x23: {  	s14 =	sand.u32 $0x70, s12;
	s13 =	sshrl.u32 s13, $0x2  }
0x24: {  	s13 =	sor.u32 s14, s13  }
0x25: {  	[tilespmem:s13+$0x16080] =	vst v0  }
0x26: {  	[spmem:s11] =	stream.linear.scatter [tilespmem:s26], [sflag:$0x3], $0x1800, $0x38;
	[tilespmem:$0x1E080] =	vst v63  }
0x27: {  	_ =	swait.ge [sflag:s28], $0x1800  }
0x28: {  	[sflag:s28] =	ssyncset.done $0x0  }
0x29: {  	s10 =	rddreg [dreg:$0xb];
	[sflag:s28] =	ssyncadd.s32 $0xFFFFE800  }
0x2a: {  	[spmem:s10] =	stream.linear.scatter [tilespmem:s26], [sflag:$0x3], $0x1800, $0x38;
	[tilespmem:$0x1E080] =	vst v63  }
0x2b: {  	_ =	swait.ge [sflag:s28], $0x1800  }
0x2c: {  	[sflag:s28] =	ssyncset.done $0x0  }
0x2d: {  	[sflag:s28] =	ssyncadd.s32 $0xFFFFE800  }
0x2e: {  	[spmem:s15] =	stream.linear.scatter [tilespmem:s26], [sflag:$0x3], $0x1800, $0x38;
	[tilespmem:$0x1E080] =	vst v63  }
0x2f: {  	_ =	swait.ge [sflag:s28], $0x1800  }
0x30: {  	[sflag:s28] =	ssyncset.done $0x0  }
0x31: {  	[sflag:s28] =	ssyncadd.s32 $0xFFFFE800  }
0x32: {  	[spmem:s16] =	stream.linear.scatter [tilespmem:s26], [sflag:$0x3], $0x1800, $0x38;
	[tilespmem:$0x1E080] =	vst v63  }
0x33: {  	_ =	swait.ge [sflag:s28], $0x1800  }
0x34: {  	[sflag:s28] =	ssyncset.done $0x0  }
0x35: {  	[sflag:s28] =	ssyncadd.s32 $0xFFFFE800  }
0x36: {  	[spmem:s17] =	stream.linear.scatter [tilespmem:s26], [sflag:$0x3], $0x1800, $0x38;
	[tilespmem:$0x1E080] =	vst v63  }
0x37: {  	_ =	swait.ge [sflag:s28], $0x1800  }
0x38: {  	[sflag:s28] =	ssyncset.done $0x0  }
0x39: {  	[sflag:s28] =	ssyncadd.s32 $0xFFFFE800  }
0x3a: {  	[spmem:s18] =	stream.linear.scatter [tilespmem:s26], [sflag:$0x3], $0x1800, $0x38;
	[tilespmem:$0x1E080] =	vst v63  }
0x3b: {  	_ =	swait.ge [sflag:s28], $0x1800  }
0x3c: {  	[sflag:s28] =	ssyncset.done $0x0  }
0x3d: {  	[sflag:s28] =	ssyncadd.s32 $0xFFFFE800  }
0x3e: {  	[spmem:s19] =	stream.linear.scatter [tilespmem:s26], [sflag:$0x3], $0x1800, $0x38;
	[tilespmem:$0x1E080] =	vst v63  }
0x3f: {  	_ =	swait.ge [sflag:s28], $0x1800  }
0x40: {  	[sflag:s28] =	ssyncset.done $0x0  }
0x41: {  	[sflag:s28] =	ssyncadd.s32 $0xFFFFE800  }
0x42: {  	[spmem:s20] =	stream.linear.scatter [tilespmem:s26], [sflag:$0x3], $0x1800, $0x38;
	[tilespmem:$0x1E080] =	vst v63  }
0x43: {  	_ =	swait.ge [sflag:s28], $0x1800  }
0x44: {  	[sflag:s28] =	ssyncset.done $0x0  }
0x45: {  	[sflag:s28] =	ssyncadd.s32 $0xFFFFE800  }
0x46: {  	[spmem:s21] =	stream.linear.scatter [tilespmem:s26], [sflag:$0x3], $0x1800, $0x38;
	[tilespmem:$0x1E080] =	vst v63  }
0x47: {  	_ =	swait.ge [sflag:s28], $0x1800  }
0x48: {  	[sflag:s28] =	ssyncset.done $0x0  }
0x49: {  	[sflag:s28] =	ssyncadd.s32 $0xFFFFE800  }
0x4a: {  	[spmem:s22] =	stream.linear.scatter [tilespmem:s26], [sflag:$0x3], $0x1800, $0x38;
	[tilespmem:$0x1E080] =	vst v63  }
0x4b: {  	_ =	swait.ge [sflag:s28], $0x1800  }
0x4c: {  	[sflag:s28] =	ssyncset.done $0x0  }
0x4d: {  	[sflag:s28] =	ssyncadd.s32 $0xFFFFE800  }
0x4e: {  	[spmem:s23] =	stream.linear.scatter [tilespmem:s26], [sflag:$0x3], $0x1800, $0x38;
	[tilespmem:$0x1E080] =	vst v63  }
0x4f: {  	_ =	swait.ge [sflag:s28], $0x1800  }
0x50: {  	[sflag:s28] =	ssyncset.done $0x0  }
0x51: {  	[sflag:s28] =	ssyncadd.s32 $0xFFFFE800  }
0x52: {  	[spmem:s24] =	stream.linear.scatter [tilespmem:s26], [sflag:$0x3], $0x1800, $0x38;
	[tilespmem:$0x1E080] =	vst v63  }
0x53: {  	_ =	swait.ge [sflag:s28], $0x1800  }
0x54: {  	[sflag:s28] =	ssyncset.done $0x0  }
0x55: {  	[sflag:s28] =	ssyncadd.s32 $0xFFFFE800  }
0x56: {  	[spmem:s25] =	stream.linear.scatter [tilespmem:s26], [sflag:$0x3], $0x1800, $0x38;
	[tilespmem:$0x1E080] =	vst v63  }
0x57: {  	_ =	swait.ge [sflag:s28], $0x1800  }
0x58: {  	[sflag:s28] =	ssyncset.done $0x0  }
0x59: {  	s10 =	simm.s32 @!p0 $0x16080;
	[sflag:s28] =	ssyncadd.s32 $0xFFFFE800  }
0x5a: {  	[spmem:s5] =	stream.linear.scatter @!p0 [tilespmem:s10], [sflag:$0x3], $0x800, $0x38;
	[tilespmem:$0x1E080] =	vst v63  }
0x5b: {  	s10 =	simm.s32 @!p0 $0x3  }
0x5c: {  	_ =	swait.ge @!p0 [sflag:s10], $0x800  }
0x5d: {  	[sflag:s10] =	ssyncset.done @!p0 $0x0  }
0x5e: {  	[sflag:s10] =	ssyncadd.s32 @!p0 $0xFFFFF800  }
0x5f: {  	[bflag:$0x0] =	sbarrier.arrive $0xFFFF  }
0x60: {  	s13 =	simm.s32 $0x0;
	s12 =	rddreg [dreg:$0x4]  }
0x61: {  	[tilespmem:s29], [sflag:$0x3] =	stream.linear.gather [hbm4b:s12+s13], $0x1400, $0x38;
	[tilespmem:$0x1E080] =	vst v63  }
0x62: {  	_ =	swait.ge [sflag:s28], $0x1400  }
0x63: {  	[sflag:s28] =	ssyncset.done $0x0  }
0x64: {  	s14 =	rddreg [dreg:$0x5];
	[sflag:s28] =	ssyncadd.s32 $0xFFFFEC00  }
0x65: {  	[tilespmem:s30], [sflag:$0x3] =	stream.linear.gather [hbm4b:s14+s13], $0x1400, $0x38;
	[tilespmem:$0x1E080] =	vst v63  }
0x66: {  	_ =	swait.ge [sflag:s28], $0x1400  }
0x67: {  	[sflag:s28] =	ssyncset.done $0x0  }
0x68: {  	[sflag:s28] =	ssyncadd.s32 $0xFFFFEC00  }
0x69: {  	[tilespmem:s26], [sflag:$0x1] =	stream.indirect.gather [hbm4b:s1+s31], $0x80, s29, s31, $0xb8;
	[tilespmem:$0x1E080] =	vst v63  }
0x6a: {  	_ = 	snop  }
0x6b: {  	[tilespmem:s3], [sflag:$0x2] =	stream.indirect.gather [hbm4b:s1+s31], $0x80, s0, s31, $0xb8;
	[tilespmem:$0x1E080] =	vst v63  }
0x6c: {  	_ =	swait.ge [sflag:s4], $0x3E80  }
0x6d: {  	[sflag:s4] =	ssyncset.done $0x0  }
0x6e: {  	s12 =	simm.s32 $0x14C80;
	[sflag:s4] =	ssyncadd.s32 $0xFFFFC180  }
0x6f: {  	[spmem:s2] =	stream.indirect.scatter.add.f32 [tilespmem:s26], [sflag:$0x3], $0x80, s12, s31, $0xb8;
	[tilespmem:$0x1E080] =	vst v63  }
0x70: {  	_ =	swait.ge [sflag:s28], $0x3E80  }
0x71: {  	[sflag:s28] =	ssyncset.done $0x0  }
0x72: {  	s13 =	simm.s32 $0x13980;
	[sflag:s28] =	ssyncadd.s32 $0xFFFFC180  }
0x73: {  	[tilespmem:s26], [sflag:$0x1] =	stream.indirect.gather [hbm4b:s1+s31], $0x80, s13, s31, $0xb8;
	[tilespmem:$0x1E080] =	vst v63  }
0x74: {  	_ =	swait.ge [sflag:s6], $0x3E80  }
0x75: {  	[sflag:s6] =	ssyncset.done $0x0  }
0x76: {  	s14 =	simm.s32 $0x14D00;
	[sflag:s6] =	ssyncadd.s32 $0xFFFFC180  }
0x77: {  	[spmem:s2] =	stream.indirect.scatter.add.f32 [tilespmem:s3], [sflag:$0x3], $0x80, s14, s31, $0xb8;
	[tilespmem:$0x1E080] =	vst v63  }
0x78: {  	_ =	swait.ge [sflag:s28], $0x3E80  }
0x79: {  	[sflag:s28] =	ssyncset.done $0x0  }
0x7a: {  	s10 =	simm.s32 $0x400;
	s12 =	simm.s32 $0x13A00;
	[sflag:s28] =	ssyncadd.s32 $0xFFFFC180  }
.LBB2_4:
0x7b: {  	[tilespmem:s3], [sflag:$0x2] =	stream.indirect.gather [hbm4b:s1+s31], $0x80, s12, s31, $0xb8;
	[tilespmem:$0x1E080] =	vst v63  }
0x7c: {  	s12 =	smov.u32 s10  }
0x7d: {  	p1 =	sne.s32 s10, $0x4800;
	s10 =	sadd.s32 $0x400, s10;
	_ =	swait.ge [sflag:s4], $0x3E80  }
0x7e: {  	s12 =	sshra.s32 s12, $0x2;
	[sflag:s4] =	ssyncset.done $0x0  }
0x7f: {  	s13 =	sadd.s32 $0x14C80, s12;
	[sflag:s4] =	ssyncadd.s32 $0xFFFFC180  }
0x80: {  	[spmem:s2] =	stream.indirect.scatter.add.f32 [tilespmem:s26], [sflag:$0x3], $0x80, s13, s31, $0xb8;
	[tilespmem:$0x1E080] =	vst v63  }
0x81: {  	_ =	swait.ge [sflag:s28], $0x3E80  }
0x82: {  	[sflag:s28] =	ssyncset.done $0x0  }
0x83: {  	s13 =	sadd.s32 $0x13980, s12;
	[sflag:s28] =	ssyncadd.s32 $0xFFFFC180  }
0x84: {  	[tilespmem:s26], [sflag:$0x1] =	stream.indirect.gather [hbm4b:s1+s31], $0x80, s13, s31, $0xb8;
	[tilespmem:$0x1E080] =	vst v63  }
0x85: {  	_ =	swait.ge [sflag:s6], $0x3E80  }
0x86: {  	[sflag:s6] =	ssyncset.done $0x0  }
.Ltmp1:
0x87: {  	s13 =	sadd.s32 $0x14D00, s12;
	[sflag:s6] =	ssyncadd.s32 $0xFFFFC180;
	(pc) =	sbr.rel @p1 .LBB2_4-.Ltmp1, $4  }
0x88: {  	[spmem:s2] =	stream.indirect.scatter.add.f32 [tilespmem:s3], [sflag:$0x3], $0x80, s13, s31, $0xb8;
	[tilespmem:$0x1E080] =	vst v63  }
0x89: {  	_ =	swait.ge [sflag:s28], $0x3E80  }
0x8a: {  	[sflag:s28] =	ssyncset.done $0x0  }
0x8b: {  	s12 =	sadd.s32 $0x13A00, s12;
	[sflag:s28] =	ssyncadd.s32 $0xFFFFC180  }
0x8c: {  	[tilespmem:s3], [sflag:$0x2] =	stream.indirect.gather [hbm4b:s1+s31], $0x80, s12, s31, $0xb8;
	[tilespmem:$0x1E080] =	vst v63  }
0x8d: {  	_ =	swait.ge [sflag:s4], $0x3E80  }
0x8e: {  	[sflag:s4] =	ssyncset.done $0x0  }
0x8f: {  	[sflag:s4] =	ssyncadd.s32 $0xFFFFC180  }
0x90: {  	[spmem:s2] =	stream.indirect.scatter.add.f32 [tilespmem:s26], [sflag:$0x3], $0x80, s7, s31, $0xb8;
	[tilespmem:$0x1E080] =	vst v63  }
0x91: {  	_ =	swait.ge [sflag:s28], $0x3E80  }
0x92: {  	[sflag:s28] =	ssyncset.done $0x0  }
0x93: {  	[sflag:s28] =	ssyncadd.s32 $0xFFFFC180  }
0x94: {  	_ =	swait.ge [sflag:s6], $0x3E80  }
0x95: {  	[sflag:s6] =	ssyncset.done $0x0  }
0x96: {  	[sflag:s6] =	ssyncadd.s32 $0xFFFFC180  }
0x97: {  	[spmem:s2] =	stream.indirect.scatter.add.f32 [tilespmem:s3], [sflag:$0x3], $0x80, s8, s31, $0xb8;
	[tilespmem:$0x1E080] =	vst v63  }
0x98: {  	_ =	swait.ge [sflag:s28], $0x3E80  }
0x99: {  	[sflag:s28] =	ssyncset.done $0x0  }
0x9a: {  	s10 =	simm.s32 $0x0;
	s13 =	rddreg [dreg:$0x6];
	[sflag:s28] =	ssyncadd.s32 $0xFFFFC180  }
0x9b: {  	[tilespmem:s29], [sflag:$0x3] =	stream.linear.gather [hbm4b:s13+s10], $0x1400, $0x38;
	[tilespmem:$0x1E080] =	vst v63  }
0x9c: {  	_ =	swait.ge [sflag:s28], $0x1400  }
0x9d: {  	[sflag:s28] =	ssyncset.done $0x0  }
0x9e: {  	s14 =	rddreg [dreg:$0x7];
	[sflag:s28] =	ssyncadd.s32 $0xFFFFEC00  }
0x9f: {  	[tilespmem:s30], [sflag:$0x3] =	stream.linear.gather [hbm4b:s14+s10], $0x1400, $0x38;
	[tilespmem:$0x1E080] =	vst v63  }
0xa0: {  	_ =	swait.ge [sflag:s28], $0x1400  }
0xa1: {  	[sflag:s28] =	ssyncset.done $0x0  }
0xa2: {  	[sflag:s28] =	ssyncadd.s32 $0xFFFFEC00  }
0xa3: {  	[tilespmem:s26], [sflag:$0x1] =	stream.indirect.gather [hbm4b:s1+s31], $0x80, s29, s31, $0xb8;
	[tilespmem:$0x1E080] =	vst v63  }
0xa4: {  	_ = 	snop  }
0xa5: {  	[tilespmem:s3], [sflag:$0x2] =	stream.indirect.gather [hbm4b:s1+s31], $0x80, s0, s31, $0xb8;
	[tilespmem:$0x1E080] =	vst v63  }
0xa6: {  	_ =	swait.ge [sflag:s4], $0x3E80  }
0xa7: {  	[sflag:s4] =	ssyncset.done $0x0  }
0xa8: {  	s12 =	simm.s32 $0x14C80;
	[sflag:s4] =	ssyncadd.s32 $0xFFFFC180  }
0xa9: {  	[spmem:s2] =	stream.indirect.scatter.add.f32 [tilespmem:s26], [sflag:$0x3], $0x80, s12, s31, $0xb8;
	[tilespmem:$0x1E080] =	vst v63  }
0xaa: {  	_ =	swait.ge [sflag:s28], $0x3E80  }
0xab: {  	[sflag:s28] =	ssyncset.done $0x0  }
0xac: {  	s13 =	simm.s32 $0x13980;
	[sflag:s28] =	ssyncadd.s32 $0xFFFFC180  }
0xad: {  	[tilespmem:s26], [sflag:$0x1] =	stream.indirect.gather [hbm4b:s1+s31], $0x80, s13, s31, $0xb8;
	[tilespmem:$0x1E080] =	vst v63  }
0xae: {  	_ =	swait.ge [sflag:s6], $0x3E80  }
0xaf: {  	[sflag:s6] =	ssyncset.done $0x0  }
0xb0: {  	s14 =	simm.s32 $0x14D00;
	[sflag:s6] =	ssyncadd.s32 $0xFFFFC180  }
0xb1: {  	[spmem:s2] =	stream.indirect.scatter.add.f32 [tilespmem:s3], [sflag:$0x3], $0x80, s14, s31, $0xb8;
	[tilespmem:$0x1E080] =	vst v63  }
0xb2: {  	_ =	swait.ge [sflag:s28], $0x3E80  }
0xb3: {  	[sflag:s28] =	ssyncset.done $0x0  }
0xb4: {  	s10 =	simm.s32 $0x400;
	s12 =	simm.s32 $0x13A00;
	[sflag:s28] =	ssyncadd.s32 $0xFFFFC180  }
.LBB2_6:
0xb5: {  	[tilespmem:s3], [sflag:$0x2] =	stream.indirect.gather [hbm4b:s1+s31], $0x80, s12, s31, $0xb8;
	[tilespmem:$0x1E080] =	vst v63  }
0xb6: {  	s12 =	smov.u32 s10  }
0xb7: {  	p1 =	sne.s32 s10, $0x4800;
	s10 =	sadd.s32 $0x400, s10;
	_ =	swait.ge [sflag:s4], $0x3E80  }
0xb8: {  	s12 =	sshra.s32 s12, $0x2;
	[sflag:s4] =	ssyncset.done $0x0  }
0xb9: {  	s13 =	sadd.s32 $0x14C80, s12;
	[sflag:s4] =	ssyncadd.s32 $0xFFFFC180  }
0xba: {  	[spmem:s2] =	stream.indirect.scatter.add.f32 [tilespmem:s26], [sflag:$0x3], $0x80, s13, s31, $0xb8;
	[tilespmem:$0x1E080] =	vst v63  }
0xbb: {  	_ =	swait.ge [sflag:s28], $0x3E80  }
0xbc: {  	[sflag:s28] =	ssyncset.done $0x0  }
0xbd: {  	s13 =	sadd.s32 $0x13980, s12;
	[sflag:s28] =	ssyncadd.s32 $0xFFFFC180  }
0xbe: {  	[tilespmem:s26], [sflag:$0x1] =	stream.indirect.gather [hbm4b:s1+s31], $0x80, s13, s31, $0xb8;
	[tilespmem:$0x1E080] =	vst v63  }
0xbf: {  	_ =	swait.ge [sflag:s6], $0x3E80  }
0xc0: {  	[sflag:s6] =	ssyncset.done $0x0  }
.Ltmp2:
0xc1: {  	s13 =	sadd.s32 $0x14D00, s12;
	[sflag:s6] =	ssyncadd.s32 $0xFFFFC180;
	(pc) =	sbr.rel @p1 .LBB2_6-.Ltmp2, $4  }
0xc2: {  	[spmem:s2] =	stream.indirect.scatter.add.f32 [tilespmem:s3], [sflag:$0x3], $0x80, s13, s31, $0xb8;
	[tilespmem:$0x1E080] =	vst v63  }
0xc3: {  	_ =	swait.ge [sflag:s28], $0x3E80  }
0xc4: {  	[sflag:s28] =	ssyncset.done $0x0  }
0xc5: {  	s12 =	sadd.s32 $0x13A00, s12;
	[sflag:s28] =	ssyncadd.s32 $0xFFFFC180  }
0xc6: {  	[tilespmem:s3], [sflag:$0x2] =	stream.indirect.gather [hbm4b:s1+s31], $0x80, s12, s31, $0xb8;
	[tilespmem:$0x1E080] =	vst v63  }
0xc7: {  	_ =	swait.ge [sflag:s4], $0x3E80  }
0xc8: {  	[sflag:s4] =	ssyncset.done $0x0  }
0xc9: {  	[sflag:s4] =	ssyncadd.s32 $0xFFFFC180  }
0xca: {  	[spmem:s2] =	stream.indirect.scatter.add.f32 [tilespmem:s26], [sflag:$0x3], $0x80, s7, s31, $0xb8;
	[tilespmem:$0x1E080] =	vst v63  }
0xcb: {  	_ =	swait.ge [sflag:s28], $0x3E80  }
0xcc: {  	[sflag:s28] =	ssyncset.done $0x0  }
0xcd: {  	[sflag:s28] =	ssyncadd.s32 $0xFFFFC180  }
0xce: {  	_ =	swait.ge [sflag:s6], $0x3E80  }
0xcf: {  	[sflag:s6] =	ssyncset.done $0x0  }
0xd0: {  	[sflag:s6] =	ssyncadd.s32 $0xFFFFC180  }
0xd1: {  	[spmem:s2] =	stream.indirect.scatter.add.f32 [tilespmem:s3], [sflag:$0x3], $0x80, s8, s31, $0xb8;
	[tilespmem:$0x1E080] =	vst v63  }
0xd2: {  	_ =	swait.ge [sflag:s28], $0x3E80  }
0xd3: {  	[sflag:s28] =	ssyncset.done $0x0  }
0xd4: {  	s10 =	stileid.u32;
	[sflag:s28] =	ssyncadd.s32 $0xFFFFC180  }
0xd5: {  	s10 =	sshll.u32 s10, $0x6;
	[bflag:$0x0] =	sbarrier.arrive $0xFFFF  }
0xd6: {  	s14 =	sshrl.u32 s11, $0x3;
	s10 =	sor.u32 $0x1C03, s10;
	s13 =	rddreg [dreg:$0x8]  }
0xd7: {  	[hbm:s13], [sflag:s10] =	dma.local [spmem:s14], $0x2700  }
0xd8: {  	_ =	swait.ge [sflag:s28], $0x2700  }
0xd9: {  	[sflag:s28] =	ssyncset.done $0x0  }
0xda: {  	s12 =	sshrl.u32 @!p0 s5, $0x3;
	s13 =	rddreg [dreg:$0x9];
	[sflag:s28] =	ssyncadd.s32 $0xFFFFD900  }
0xdb: {  	[hbm:s13], [sflag:s10] =	dma.local @!p0 [spmem:s12], $0x100  }
0xdc: {  	s10 =	simm.s32 @!p0 $0x3  }
0xdd: {  	_ =	swait.ge @!p0 [sflag:s10], $0x100  }
0xde: {  	s9 =	sadd.s32 $0x1, s9;
	s14 =	rddreg [dreg:$0xa]  }
0xdf: {  	p1 =	sne.s32 s9, s14  }
.Ltmp3:
0xe0: {  	_ = 	snop;
	(pc) =	sbr.rel @p1 .LBB2_1-.Ltmp3, $3  }
0xe1: {  	_ =	sdelay $0x1  }
0xe2: {  	[sflag:s10] =	ssyncset.done @!p0 $0x0  }
0xe3: {  	[sflag:s10] =	ssyncadd.s32 @!p0 $0xFFFFFF00  }
0xe4: {  	_ =	sfence.sel $0x180000  }
0xe5: {  	[bflag:$0x0] =	sbarrier.arrive $0xFFFF  }
0xe6: {  	_ =	strace $0x9000004D  }
0xe7: {  	s0 =	stileid.u32;
	[bflag:$0x2] =	sbarrier.arrive $0xFFFF  }
0xe8: {  	p0 =	sne.s32 s0, $0x0;
	s0 =	rddreg [dreg:$0x3]  }
0xe9: {  	s0 =	sadd.s32 @!p0 $0x100000, s0  }
0xea: {  	[sflag:s0] =	ssyncadd.tile.s32 @!p0 $0x1;
	_ =	shalt  }
.Lfunc_end2:
_tile_overlayer_lowered:
.L_overlay_start_2:
0xeb: {  	(tag) =	ssettag $0x2  }
0xec: {  	s0 =	rddreg [dreg:$0x0];
	s2 =	stileid.u32  }
0xed: {  	s1 =	rddreg [dreg:$0x1];
	p0 =	sne.s32 s2, $0x0  }
0xee: {  	s3 =	rddreg [dreg:$0x2];
	[bflag:$0x3] =	sbarrier.arrive $0xFFFF;
	s2 =	simm.s32 @!p0 $0x1C03  }
0xef: {  	[timem:s3], [sflag:s2] =	dma.local @!p0 [hbm:s0], s1  }
0xf0: {  	s0 =	simm.s32 @!p0 $0x3  }
0xf1: {  	_ =	swait.ge @!p0 [sflag:s0], s1  }
0xf2: {  	s1 =	ssub.s32 @!p0 $0x0, s1;
	[sflag:s0] =	ssyncset.done @!p0 $0x0  }
0xf3: {  	[sflag:s0] =	ssyncadd.s32 @!p0 s1  }
0xf4: {  	[bflag:$0x3] =	sbarrier.arrive $0xFFFF  }
0xf5: {  	_ =	shalt  }

// kernel: kernel.7.cloned.1.call-start
scs
__scs_entry_jumppad:
0x0: {  	(pc) =	sbr.rel $0x88, $3  }
0x1: {  	(tag) =	ssettag $0x0;
	lr =	simm.s32 $0x1  }
0x2: {  	[smem:$0x3F95] =	sst lr;
	_ =	strace $0xD0000000  }
0x3: {  	_ = 	snop  }
0x4: {  	_ = 	snop  }
0x5: {  	_ = 	snop  }
0x6: {  	_ = 	snop  }
0x7: {  	_ = 	snop  }
__scs_overlays_trampoline_lowered:
0x8: {  	[smem:$0x3FA4] =	sst s0  }
0x9: {  	[smem:$0x3FA5] =	sst s1  }
0xa: {  	[smem:$0x3FA6] =	sst s2  }
0xb: {  	[smem:$0x3FA7] =	sst s3  }
0xc: {  	[smem:$0x3FA8] =	sst s4  }
0xd: {  	[smem:$0x3FA9] =	sst s5  }
0xe: {  	[smem:$0x3FAA] =	sst s6  }
0xf: {  	[smem:$0x3FAB] =	sst s7  }
0x10: {  	[smem:$0x3FAC] =	sst s8  }
0x11: {  	[smem:$0x3FAD] =	sst s9;
	s0 =	simm.s32 @!p0 $0x0  }
0x12: {  	s1 =	sld [smem:$0x3F93];
	s0 =	simm.s32 @p0 $0x1  }
0x13: {  	[smem:$0x3FAE] =	sst s0;
	s0 =	simm.s32 @!p1 $0x0  }
0x14: {  	s2 =	sld [smem:$0x3F92];
	s0 =	simm.s32 @p1 $0x1  }
0x15: {  	[smem:$0x3FAF] =	sst s0;
	s0 =	simm.s32 @!p2 $0x0  }
0x16: {  	s3 =	sld [smem:$0x3FDB];
	s0 =	simm.s32 @p2 $0x1  }
0x17: {  	s4 =	simm.s32 $0x1BF5;
	[smem:$0x3FB1] =	sst s0  }
0x18: {  	s0 =	sld [smem:$0x3F94];
	_ =	swait.ge [sflag:s4], $0x0  }
0x19: {  	s7 =	sld [smem:$0x3F95]  }
0x1a: {  	s8 =	sadd.s32 $0xFFFFE003, lr  }
0x1b: {  	s9 =	sadd.s32 $0xFFFFFEF7, lr;
	s5 =	simm.s32 $0xFFFFFFFF;
	p2 =	slt.u32 s8, $0xFFFFF086  }
0x1c: {  	p1 =	slt.u32 s9, $0xF7A;
	s5 =	simm.s32 @!p2 $0x0  }
0x1d: {  	s5 =	simm.s32 @p1 $0x1;
	p0 =	seq.s32 s7, s2  }
0x1e: {  	s7 =	smul.u32 @!p0 $0xF7A, s2;
	p2 =	seq.s32 @!p0 s5, $0x0  }
0x1f: {  	s9 =	smul.u32 $0xF7A, s1;
	s8 =	simm.s32 @!p0 $0x1BF5;
	p2 =	por !p2, p0  }
0x20: {  	[sflag:s8] =	ssyncset.s32 @!p0 $0xFFFFF086;
	s6 =	sadd.s32 @!p0 s3, s7;
	s7 =	simm.s32 @!p0 $0x108  }
0x21: {  	s3 =	sadd.s32 s3, s9;
	s6 =	sadd.s32 @!p0 $0x88, s6;
	s7 =	simm.s32 @p2 $0x1082  }
0x22: {  	[simem:s7], [sflag:s8] =	dma.local @!p0 [hbm:s6], $0xF7A  }
0x23: {  	s9 =	sor.u32 $0xD0000000, s2;
	s6 =	simm.s32 $0x108;
	_ =	swait.ge @!p0 [sflag:s8], $0x0  }
0x24: {  	s3 =	sadd.s32 $0x88, s3;
	s6 =	simm.s32 @!p1 $0x1082;
	[sflag:s4] =	ssyncset.s32 $0xFFFFF086  }
0x25: {  	[simem:s6], [sflag:s4] =	dma.local [hbm:s3], $0xF7A  }
0x26: {  	[smem:$0x3F95] =	sst s1;
	(tag) =	ssettag s2;
	_ =	strace s9  }
0x27: {  	s1 =	sld [smem:$0x3FA5]  }
0x28: {  	s2 =	sld [smem:$0x3FA6]  }
0x29: {  	s4 =	sld [smem:$0x3FA8]  }
0x2a: {  	p0 =	seq.s32 s5, $0x0;
	s5 =	sld [smem:$0x3FA9]  }
0x2b: {  	s6 =	sld [smem:$0x3FAA]  }
0x2c: {  	s7 =	sld [smem:$0x3FAB]  }
0x2d: {  	s3 =	simm.s32 $0x108;
	s8 =	sld [smem:$0x3FAC]  }
0x2e: {  	s3 =	simm.s32 @!p0 $0x1082;
	s9 =	sld [smem:$0x3FAD]  }
0x2f: {  	lr =	sadd.s32 s0, s3;
	s0 =	sld [smem:$0x3FA4]  }
0x30: {  	s3 =	sld [smem:$0x3FA7]  }
0x31: {  	[smem:$0x3FB0] =	sst s10  }
0x32: {  	s10 =	sld [smem:$0x3FAE];
	_ =	sdelay $0x3  }
0x33: {  	p0 =	seq.s32 s10, $0x1;
	s10 =	sld [smem:$0x3FB0];
	_ =	sdelay $0x3  }
0x34: {  	[smem:$0x3FB0] =	sst s10  }
0x35: {  	s10 =	sld [smem:$0x3FAF];
	_ =	sdelay $0x3  }
0x36: {  	p1 =	seq.s32 s10, $0x1;
	s10 =	sld [smem:$0x3FB0];
	_ =	sdelay $0x3  }
0x37: {  	[smem:$0x3FB0] =	sst s10  }
0x38: {  	s10 =	sld [smem:$0x3FB1]  }
0x39: {  	_ = 	snop;
	(pc) =	sbr.ind lr, $3  }
0x3a: {  	_ = 	snop  }
0x3b: {  	_ = 	snop  }
0x3c: {  	p2 =	seq.s32 s10, $0x1;
	s10 =	sld [smem:$0x3FB0]  }
0x3d: {  	_ =	shalt  }
0x3e: {  	_ =	shalt  }
0x3f: {  	_ =	shalt  }
0x40: {  	_ =	shalt  }
0x41: {  	_ =	shalt  }
0x42: {  	_ =	shalt  }
0x43: {  	_ =	shalt  }
0x44: {  	_ =	shalt  }
0x45: {  	_ =	shalt  }
0x46: {  	_ =	shalt  }
0x47: {  	_ =	shalt  }
0x48: {  	_ =	shalt  }
0x49: {  	_ =	shalt  }
0x4a: {  	_ =	shalt  }
0x4b: {  	_ =	shalt  }
0x4c: {  	_ =	shalt  }
0x4d: {  	_ =	shalt  }
0x4e: {  	_ =	shalt  }
0x4f: {  	_ =	shalt  }
0x50: {  	_ =	shalt  }
0x51: {  	_ =	shalt  }
0x52: {  	_ =	shalt  }
0x53: {  	_ =	shalt  }
0x54: {  	_ =	shalt  }
0x55: {  	_ =	shalt  }
0x56: {  	_ =	shalt  }
0x57: {  	_ =	shalt  }
0x58: {  	_ =	shalt  }
0x59: {  	_ =	shalt  }
0x5a: {  	_ =	shalt  }
0x5b: {  	_ =	shalt  }
0x5c: {  	_ =	shalt  }
0x5d: {  	_ =	shalt  }
0x5e: {  	_ =	shalt  }
0x5f: {  	_ =	shalt  }
0x60: {  	_ =	shalt  }
0x61: {  	_ =	shalt  }
0x62: {  	_ =	shalt  }
0x63: {  	_ =	shalt  }
0x64: {  	_ =	shalt  }
0x65: {  	_ =	shalt  }
0x66: {  	_ =	shalt  }
0x67: {  	_ =	shalt  }
0x68: {  	_ =	shalt  }
0x69: {  	_ =	shalt  }
0x6a: {  	_ =	shalt  }
0x6b: {  	_ =	shalt  }
0x6c: {  	_ =	shalt  }
0x6d: {  	_ =	shalt  }
0x6e: {  	_ =	shalt  }
0x6f: {  	_ =	shalt  }
0x70: {  	_ =	shalt  }
0x71: {  	_ =	shalt  }
0x72: {  	_ =	shalt  }
0x73: {  	_ =	shalt  }
0x74: {  	_ =	shalt  }
0x75: {  	_ =	shalt  }
0x76: {  	_ =	shalt  }
0x77: {  	_ =	shalt  }
0x78: {  	_ =	shalt  }
0x79: {  	_ =	shalt  }
0x7a: {  	_ =	shalt  }
0x7b: {  	_ =	shalt  }
0x7c: {  	_ =	shalt  }
0x7d: {  	_ =	shalt  }
0x7e: {  	_ =	shalt  }
0x7f: {  	_ =	shalt  }
0x80: {  	_ =	shalt  }
0x81: {  	_ =	shalt  }
0x82: {  	_ =	shalt  }
0x83: {  	_ =	shalt  }
0x84: {  	_ =	shalt  }
0x85: {  	_ =	shalt  }
0x86: {  	_ =	shalt  }
0x87: {  	_ =	shalt  }
.Lfunc_end0:
.L_simem_size_0:
called_computation_lowered:
.L_overlay_start_0:
0x88: {  	s2 =	sld [smem:$0x3FD9]  }
0x89: {  	s3 =	sld [smem:$0x3FFE];
	_ =	sdelay $0x1  }
0x8a: {  	s1 =	srdreg.scid  }
0x8b: {  	s0 =	sand.u32 $0x1, s1  }
0x8c: {  	s17 =	sshll.u32 s0, $0xA;
	s2 =	sadd.s32 s3, s2  }
0x8d: {  	s2 =	sadd.s32 s2, s17  }
0x8e: {  	[smem:$0x3FBC] =	sst s2  }
0x8f: {  	_ = 	snop  }
0x90: {  	(tm) =	ssettm $0x1  }
0x91: {  	s18 =	sld [smem:$0x3FFB];
	_ =	sdelay $0x3  }
0x92: {  	_ =	strace s18  }
0x93: {  	s2 =	sld [smem:$0x3FFC];
	_ =	sdelay $0x3  }
0x94: {  	_ =	strace s2  }
0x95: {  	s2 =	sld [smem:$0x3FFD];
	_ =	sdelay $0x3  }
0x96: {  	_ =	strace s2  }
0x97: {  	_ =	strace $0x8FFFFFFF  }
0x98: {  	s19 =	sld [smem:$0x3FDB];
	_ =	sdelay $0x1  }
0x99: {  	s20 =	simm.s32 $_scs_section_size  }
0x9a: {  	s4 =	simm.s32 $_size__tile_overlayer_lowered;
	s5 =	simm.s32 $_tile_overlayer_lowered  }
0x9b: {  	s6 =	simm.s32 $0x1BFF;
	s21 =	sshll.u32 s5, $0x1;
	s3 =	sadd.s32 s20, s19  }
0x9c: {  	s22 =	simm.s32 $0x0;
	s4 =	sshll.u32 s4, $0x1;
	s5 =	sadd.s32 s21, s3  }
0x9d: {  	[timem:s22], [sflag:s6] =	dma.local [hbm:s5], s4  }
0x9e: {  	_ =	swait.ge [sflag:s6], s4  }
0x9f: {  	s4 =	ssub.s32 $0x0, s4;
	[sflag:s6] =	ssyncset.done $0x0  }
0xa0: {  	[sflag:s6] =	ssyncadd.s32 s4;
	_ =	sdelay $0x1  }
0xa1: {  	s23 =	simm.s32 $0x1B8B  }
0xa2: {  	_ =	swait.ge [sflag:s23], $0x1  }
0xa3: {  	[sflag:s23] =	ssyncset.done $0x0  }
0xa4: {  	[sflag:s23] =	ssyncadd.s32 $0xFFFFFFFF  }
0xa5: {  	s4 =	sld [smem:$0x0]  }
0xa6: {  	s5 =	sand.u32 $0xFFFFFFFE, s1  }
0xa7: {  	p0 =	sne.s32 s1, s5  }
0xa8: {  	s5 =	sshll.u32 @p0 s5, $0xE  }
0xa9: {  	s5 =	sadd.s32 @p0 $0x11B8D, s5;
	s6 =	sshll.u32 @p0 s4, $0x11  }
0xaa: {  	s5 =	sor.u32 @p0 s6, s5  }
0xab: {  	[sflag:s5] =	ssyncadd.remote.s32 @p0 $0x1;
	_ =	sdelay $0x1  }
0xac: {  	s5 =	simm.s32 @p0 $0x1B8D  }
0xad: {  	_ =	swait.eq @p0 [sflag:s5], $0x1  }
0xae: {  	[sflag:s5] =	ssyncadd.s32 @p0 $0xFFFFFFFF  }
0xaf: {  	s6 =	sshll.u32 @!p0 s1, $0xE  }
0xb0: {  	s6 =	sor.u32 @!p0 $0x4000, s6;
	s5 =	simm.s32 @!p0 $0x1B8D  }
0xb1: {  	s4 =	sshll.u32 @!p0 s4, $0x11;
	s6 =	sadd.s32 @!p0 $0x11B8D, s6;
	_ =	swait.eq @!p0 [sflag:s5], $0x1  }
0xb2: {  	s4 =	sor.u32 @!p0 s4, s6;
	[sflag:s5] =	ssyncadd.s32 @!p0 $0xFFFFFFFF  }
0xb3: {  	s25 =	simm.s32 $0x1B8E;
	s24 =	sld [smem:$0x3FFE];
	[sflag:s4] =	ssyncadd.remote.s32 @!p0 $0x1  }
0xb4: {  	s26 =	simm.s32 $execute0_lowered;
	[smem:$0x3FD2] =	sst s25  }
0xb5: {  	s5 =	sshll.u32 s26, $0x1;
	_ =	strace $0x80000049;
	[dreg:$0x1] =	wrdreg $0xFFFFFFFF  }
0xb6: {  	s28 =	simm.s32 $_size_execute0_lowered;
	s3 =	sadd.s32 s3, s5;
	[dreg:$0x0] =	wrdreg $0x0  }
0xb7: {  	s5 =	sshll.u32 s28, $0x1;
	[dreg:$0x2] =	wrdreg s3  }
0xb8: {  	[dreg:$0x3] =	wrdreg s5  }
0xb9: {  	[dreg:$0x4] =	wrdreg $0xC0  }
0xba: {  	_ =	task [dreg:s22], $0x5FFFF  }
0xbb: {  	[dreg:$0x1] =	wrdreg $0xFFFFFFFF  }
0xbc: {  	[dreg:$0x0] =	wrdreg $0x60  }
0xbd: {  	[dreg:$0x2] =	wrdreg s24  }
0xbe: {  	[dreg:$0x3] =	wrdreg $0x0  }
0xbf: {  	[dreg:$0x4] =	wrdreg $0x9  }
0xc0: {  	_ =	task.clear_ibuf [dreg:s22], $0x5FFFF;
	_ =	strace $0x90000049  }
0xc1: {  	s29 =	simm.s32 $0x9;
	_ =	strace $0x8000004B  }
0xc2: {  	_ =	swait.ge [sflag:s29], $0x1  }
0xc3: {  	[sflag:s29] =	ssyncadd.s32 $0xFFFFFFFF  }
0xc4: {  	_ =	strace $0x9000004B  }
0xc5: {  	_ =	sfence  }
0xc6: {  	s30 =	sld [smem:$0x0];
	_ =	sdelay $0x2  }
0xc7: {  	s31 =	sshll.u32 s1, $0xD;
	s1 =	sshrl.u32 s1, $0x2  }
0xc8: {  	s4 =	sand.u32 $0x4000, s31;
	s1 =	sadd.s32 s1, s30  }
0xc9: {  	s0 =	sor.u32 s4, s0;
	s1 =	sshll.u32 s1, $0x11  }
0xca: {  	s0 =	sor.u32 s1, s0  }
0xcb: {  	s0 =	sadd.s32 $0x8F2B, s0  }
0xcc: {  	[sflag:s0] =	ssyncadd.remote.s32 $0x1  }
0xcd: {  	_ =	sfence.sel $0xFFFF  }
0xce: {  	[dreg:$0x0] =	wrdreg $0xFFFFFFFF;
	(pc) =	sbr.abs _section_cstart, $3  }
0xcf: {  	[dreg:$0x1] =	wrdreg $0xFFFFFFFF  }
0xd0: {  	_ =	task.clear_ibuf [dreg:s22], $0x2FFFF;
	_ =	strace $0x9FFFFFFF  }
0xd1: {  	(tm) =	ssettm $0x7FFFFFFF  }
tec
execute0_lowered:
.L_overlay_start_1:
0x0: {  	(tag) =	ssettag $0x1  }
0x1: {  	s0 =	srdreg.scid;
	s4 =	rddreg [dreg:$0x0]  }
0x2: {  	s2 =	rddreg [dreg:$0x1];
	s1 =	stileid.u32  }
0x3: {  	s3 =	simm.s32 $0x0;
	s22 =	simm.s32 $0x1A080;
	s23 =	simm.s32 $0x2  }
0x4: {  	s25 =	simm.s32 $0x7D;
	s26 =	simm.s32 $0x16080;
	s28 =	simm.s32 $0x1  }
0x5: {  	s29 =	simm.s32 $0x0;
	s0 =	sand.u32 $0x1, s0;
	s8 =	smul.u32 $0x13800, s1  }
0x6: {  	[smem:$0x7FF] =	sst s3;
	s7 =	sadd.s32 $0x64A00, s4;
	s31 =	smul.u32 $0x4E000, s1  }
0x7: {  	p0 =	sne.s32 s1, $0xF;
	s5 =	sshll.u32 s0, $0x4;
	_ =	strace $0x8000004A  }
0x8: {  	s6 =	ssub.s32 $0x2, s0;
	s0 =	smul.u32 $0x138800, s0;
	s5 =	sor.u32 s1, s5  }
0x9: {  	s30 =	sshrl.u32 s6, $0x1;
	s10 =	sshrl.u32 s31, $0x2;
	s5 =	smul.u32 $0x500, s5  }
0xa: {  	s9 =	ssub.s32 s6, s30;
	s8 =	sadd.s32 s8, s0;
	s0 =	sshrl.u32 s0, $0x3  }
0xb: {  	s8 =	sshrl.u32 s8, $0x3;
	s0 =	sadd.s32 s7, s0;
	s9 =	smax.u32 s9, $0x1  }
0xc: {  	s5 =	sadd.s32 s5, s4;
	s4 =	sadd.s32 $0x138000, s2;
	s6 =	sadd.s32 s7, s8  }
0xd: {  	s7 =	sadd.s32 s10, s2;
	s8 =	sadd.s32 $0x27000, s0;
	s5 =	sadd.s32 $0x2800, s5  }
0xe: {  	s10 =	sadd.s32 $0x1800, s7;
	s11 =	sadd.s32 $0x3000, s7;
	s12 =	sadd.s32 $0x4800, s7  }
0xf: {  	s13 =	sadd.s32 $0x6000, s7;
	s14 =	sadd.s32 $0x7800, s7;
	s15 =	sadd.s32 $0x9000, s7  }
0x10: {  	s16 =	sadd.s32 $0xA800, s7;
	s17 =	sadd.s32 $0xC000, s7;
	s18 =	sadd.s32 $0xD800, s7  }
0x11: {  	v0 =	vimm.f32 $0.0e+00;
	v1 =	vimm.f32 $1.000000000e+00;
	s19 =	sadd.s32 $0xF000, s7;
	s20 =	sadd.s32 $0x10800, s7;
	s21 =	sadd.s32 $0x12000, s7  }
.LBB2_1:
0x12: {  	s0 =	sand.u32 $0x7E00, s3  }
0x13: {  	s24 =	sand.u32 $0x70, s3;
	s30 =	sshrl.u32 s0, $0x2  }
0x14: {  	s0 =	simm.s32 $0x40;
	s24 =	sor.u32 s24, s30;
	s30 =	simm.s32 $0x0  }
.LBB2_2:
0x15: {  	p1 =	sne.s32 s0, $0x5FC0  }
0x16: {  	[tilespmem:s24+$0x1A080] =	vst v0;
	s30 =	sadd.s32 $0x10, s30;
	s24 =	smov.u32 s0;
	s0 =	sadd.s32 $0x40, s0  }
.Ltmp0:
0x17: {  	(pc) =	sbr.rel @p1 .LBB2_2-.Ltmp0, $4  }
0x18: {  	_ = 	snop  }
0x19: {  	s24 =	sand.u32 $0x7E00, s24  }
0x1a: {  	s31 =	sand.u32 $0x70, s30;
	s24 =	sshrl.u32 s24, $0x2  }
0x1b: {  	s24 =	sor.u32 s31, s24  }
0x1c: {  	[tilespmem:s24+$0x1A080] =	vst v0  }
0x1d: {  	[spmem:s7] =	stream.linear.scatter [tilespmem:s22], [sflag:$0x2], $0x1800, $0x38;
	[tilespmem:$0x1B880] =	vst v63  }
0x1e: {  	_ =	swait.ge [sflag:s23], $0x1800  }
0x1f: {  	[sflag:s23] =	ssyncset.done $0x0  }
0x20: {  	[sflag:s23] =	ssyncadd.s32 $0xFFFFE800  }
0x21: {  	[spmem:s10] =	stream.linear.scatter [tilespmem:s22], [sflag:$0x2], $0x1800, $0x38;
	[tilespmem:$0x1B880] =	vst v63  }
0x22: {  	_ =	swait.ge [sflag:s23], $0x1800  }
0x23: {  	[sflag:s23] =	ssyncset.done $0x0  }
0x24: {  	[sflag:s23] =	ssyncadd.s32 $0xFFFFE800  }
0x25: {  	[spmem:s11] =	stream.linear.scatter [tilespmem:s22], [sflag:$0x2], $0x1800, $0x38;
	[tilespmem:$0x1B880] =	vst v63  }
0x26: {  	_ =	swait.ge [sflag:s23], $0x1800  }
0x27: {  	[sflag:s23] =	ssyncset.done $0x0  }
0x28: {  	[sflag:s23] =	ssyncadd.s32 $0xFFFFE800  }
0x29: {  	[spmem:s12] =	stream.linear.scatter [tilespmem:s22], [sflag:$0x2], $0x1800, $0x38;
	[tilespmem:$0x1B880] =	vst v63  }
0x2a: {  	_ =	swait.ge [sflag:s23], $0x1800  }
0x2b: {  	[sflag:s23] =	ssyncset.done $0x0  }
0x2c: {  	[sflag:s23] =	ssyncadd.s32 $0xFFFFE800  }
0x2d: {  	[spmem:s13] =	stream.linear.scatter [tilespmem:s22], [sflag:$0x2], $0x1800, $0x38;
	[tilespmem:$0x1B880] =	vst v63  }
0x2e: {  	_ =	swait.ge [sflag:s23], $0x1800  }
0x2f: {  	[sflag:s23] =	ssyncset.done $0x0  }
0x30: {  	[sflag:s23] =	ssyncadd.s32 $0xFFFFE800  }
0x31: {  	[spmem:s14] =	stream.linear.scatter [tilespmem:s22], [sflag:$0x2], $0x1800, $0x38;
	[tilespmem:$0x1B880] =	vst v63  }
0x32: {  	_ =	swait.ge [sflag:s23], $0x1800  }
0x33: {  	[sflag:s23] =	ssyncset.done $0x0  }
0x34: {  	[sflag:s23] =	ssyncadd.s32 $0xFFFFE800  }
0x35: {  	[spmem:s15] =	stream.linear.scatter [tilespmem:s22], [sflag:$0x2], $0x1800, $0x38;
	[tilespmem:$0x1B880] =	vst v63  }
0x36: {  	_ =	swait.ge [sflag:s23], $0x1800  }
0x37: {  	[sflag:s23] =	ssyncset.done $0x0  }
0x38: {  	[sflag:s23] =	ssyncadd.s32 $0xFFFFE800  }
0x39: {  	[spmem:s16] =	stream.linear.scatter [tilespmem:s22], [sflag:$0x2], $0x1800, $0x38;
	[tilespmem:$0x1B880] =	vst v63  }
0x3a: {  	_ =	swait.ge [sflag:s23], $0x1800  }
0x3b: {  	[sflag:s23] =	ssyncset.done $0x0  }
0x3c: {  	[sflag:s23] =	ssyncadd.s32 $0xFFFFE800  }
0x3d: {  	[spmem:s17] =	stream.linear.scatter [tilespmem:s22], [sflag:$0x2], $0x1800, $0x38;
	[tilespmem:$0x1B880] =	vst v63  }
0x3e: {  	_ =	swait.ge [sflag:s23], $0x1800  }
0x3f: {  	[sflag:s23] =	ssyncset.done $0x0  }
0x40: {  	[sflag:s23] =	ssyncadd.s32 $0xFFFFE800  }
0x41: {  	[spmem:s18] =	stream.linear.scatter [tilespmem:s22], [sflag:$0x2], $0x1800, $0x38;
	[tilespmem:$0x1B880] =	vst v63  }
0x42: {  	_ =	swait.ge [sflag:s23], $0x1800  }
0x43: {  	[sflag:s23] =	ssyncset.done $0x0  }
0x44: {  	[sflag:s23] =	ssyncadd.s32 $0xFFFFE800  }
0x45: {  	[spmem:s19] =	stream.linear.scatter [tilespmem:s22], [sflag:$0x2], $0x1800, $0x38;
	[tilespmem:$0x1B880] =	vst v63  }
0x46: {  	_ =	swait.ge [sflag:s23], $0x1800  }
0x47: {  	[sflag:s23] =	ssyncset.done $0x0  }
0x48: {  	[sflag:s23] =	ssyncadd.s32 $0xFFFFE800  }
0x49: {  	[spmem:s20] =	stream.linear.scatter [tilespmem:s22], [sflag:$0x2], $0x1800, $0x38;
	[tilespmem:$0x1B880] =	vst v63  }
0x4a: {  	_ =	swait.ge [sflag:s23], $0x1800  }
0x4b: {  	[sflag:s23] =	ssyncset.done $0x0  }
0x4c: {  	[sflag:s23] =	ssyncadd.s32 $0xFFFFE800  }
0x4d: {  	[spmem:s21] =	stream.linear.scatter [tilespmem:s22], [sflag:$0x2], $0x1800, $0x38;
	[tilespmem:$0x1B880] =	vst v63  }
0x4e: {  	_ =	swait.ge [sflag:s23], $0x1800  }
0x4f: {  	[sflag:s23] =	ssyncset.done $0x0  }
0x50: {  	s0 =	simm.s32 @!p0 $0x1A080;
	[sflag:s23] =	ssyncadd.s32 $0xFFFFE800  }
0x51: {  	[spmem:s4] =	stream.linear.scatter @!p0 [tilespmem:s0], [sflag:$0x2], $0x800, $0x38;
	[tilespmem:$0x1B880] =	vst v63  }
0x52: {  	s24 =	simm.s32 @!p0 $0x2;
	s0 =	simm.s32 $0x0  }
0x53: {  	_ =	swait.ge @!p0 [sflag:s24], $0x800;
	s30 =	sand.u32 $0xFE00, s0  }
0x54: {  	s31 =	sand.u32 $0x70, s0;
	[sflag:s24] =	ssyncset.done @!p0 $0x0;
	s1 =	sshrl.u32 s30, $0x2  }
0x55: {  	s30 =	simm.s32 $0x40;
	[sflag:s24] =	ssyncadd.s32 @!p0 $0xFFFFF800;
	s24 =	sor.u32 s31, s1  }
.LBB2_4:
0x56: {  	p1 =	sne.s32 s30, $0xF9C0  }
0x57: {  	[tilespmem:s24+$0x16080] =	vst v1;
	s0 =	sadd.s32 $0x10, s0;
	s1 =	smov.u32 s30;
	s30 =	sadd.s32 $0x40, s30  }
.Ltmp1:
0x58: {  	(pc) =	sbr.rel @p1 .LBB2_4-.Ltmp1, $4  }
0x59: {  	_ = 	snop  }
0x5a: {  	s1 =	sand.u32 $0xFE00, s1  }
0x5b: {  	s24 =	sand.u32 $0x70, s0;
	s1 =	sshrl.u32 s1, $0x2  }
0x5c: {  	s24 =	sor.u32 s24, s1  }
0x5d: {  	[tilespmem:s24+$0x16080] =	vst v1  }
0x5e: {  	s0 =	simm.s32 $0x0;
	s1 =	simm.s32 $0x13880;
	[bflag:$0x0] =	sbarrier.arrive $0xFFFF  }
0x5f: {  	[tilespmem:s1], [sflag:$0x2] =	stream.linear.gather [hbm4b:s5+s0], $0x2800, $0x38;
	[tilespmem:$0x1B880] =	vst v63  }
0x60: {  	_ =	swait.ge [sflag:s23], $0x2800  }
0x61: {  	[sflag:s23] =	ssyncset.done $0x0  }
0x62: {  	s24 =	simm.s32 $0x13880;
	[sflag:s23] =	ssyncadd.s32 $0xFFFFD800  }
0x63: {  	[spmem:s2] =	stream.indirect.scatter.add.f32 [tilespmem:s26], [sflag:$0x1], $0x80, s24, s25, $0xb8;
	[tilespmem:$0x1B880] =	vst v63  }
0x64: {  	s31 =	simm.s32 $0x13900  }
0x65: {  	[spmem:s2] =	stream.indirect.scatter.add.f32 [tilespmem:s26], [sflag:$0x1], $0x80, s31, s25, $0xb8;
	[tilespmem:$0x1B880] =	vst v63  }
0x66: {  	s1 =	simm.s32 $0x13980  }
0x67: {  	[spmem:s2] =	stream.indirect.scatter.add.f32 [tilespmem:s26], [sflag:$0x1], $0x80, s1, s25, $0xb8;
	[tilespmem:$0x1B880] =	vst v63  }
0x68: {  	s24 =	simm.s32 $0x13A00  }
0x69: {  	[spmem:s2] =	stream.indirect.scatter.add.f32 [tilespmem:s26], [sflag:$0x1], $0x80, s24, s25, $0xb8;
	[tilespmem:$0x1B880] =	vst v63  }
0x6a: {  	s31 =	simm.s32 $0x13A80  }
0x6b: {  	[spmem:s2] =	stream.indirect.scatter.add.f32 [tilespmem:s26], [sflag:$0x1], $0x80, s31, s25, $0xb8;
	[tilespmem:$0x1B880] =	vst v63  }
0x6c: {  	s1 =	simm.s32 $0x13B00  }
0x6d: {  	[spmem:s2] =	stream.indirect.scatter.add.f32 [tilespmem:s26], [sflag:$0x1], $0x80, s1, s25, $0xb8;
	[tilespmem:$0x1B880] =	vst v63  }
0x6e: {  	s24 =	simm.s32 $0x13B80  }
0x6f: {  	[spmem:s2] =	stream.indirect.scatter.add.f32 [tilespmem:s26], [sflag:$0x1], $0x80, s24, s25, $0xb8;
	[tilespmem:$0x1B880] =	vst v63  }
0x70: {  	s31 =	simm.s32 $0x13C00  }
0x71: {  	[spmem:s2] =	stream.indirect.scatter.add.f32 [tilespmem:s26], [sflag:$0x1], $0x80, s31, s25, $0xb8;
	[tilespmem:$0x1B880] =	vst v63  }
0x72: {  	_ =	swait.ge [sflag:s28], $0x3E80  }
0x73: {  	[sflag:s28] =	ssyncset.done $0x0  }
0x74: {  	[sflag:s28] =	ssyncadd.s32 $0xFFFFC180  }
0x75: {  	_ =	swait.ge [sflag:s28], $0x3E80  }
0x76: {  	[sflag:s28] =	ssyncset.done $0x0  }
0x77: {  	[sflag:s28] =	ssyncadd.s32 $0xFFFFC180  }
0x78: {  	_ =	swait.ge [sflag:s28], $0x3E80  }
0x79: {  	[sflag:s28] =	ssyncset.done $0x0  }
0x7a: {  	[sflag:s28] =	ssyncadd.s32 $0xFFFFC180  }
0x7b: {  	_ =	swait.ge [sflag:s28], $0x3E80  }
0x7c: {  	[sflag:s28] =	ssyncset.done $0x0  }
0x7d: {  	[sflag:s28] =	ssyncadd.s32 $0xFFFFC180  }
0x7e: {  	_ =	swait.ge [sflag:s28], $0x3E80  }
0x7f: {  	[sflag:s28] =	ssyncset.done $0x0  }
0x80: {  	[sflag:s28] =	ssyncadd.s32 $0xFFFFC180  }
0x81: {  	_ =	swait.ge [sflag:s28], $0x3E80  }
0x82: {  	[sflag:s28] =	ssyncset.done $0x0  }
0x83: {  	[sflag:s28] =	ssyncadd.s32 $0xFFFFC180  }
0x84: {  	_ =	swait.ge [sflag:s28], $0x3E80  }
0x85: {  	[sflag:s28] =	ssyncset.done $0x0  }
0x86: {  	[sflag:s28] =	ssyncadd.s32 $0xFFFFC180  }
0x87: {  	_ =	swait.ge [sflag:s28], $0x3E80  }
0x88: {  	s30 =	simm.s32 $0x2000;
	s0 =	simm.s32 $0x400;
	[sflag:s28] =	ssyncset.done $0x0  }
.LBB2_6:
0x89: {  	s1 =	sadd.s32 $0x13880, s0  }
0x8a: {  	[sflag:s28] =	ssyncadd.s32 $0xFFFFC180;
	s31 =	smov.u32 s30;
	s24 =	sadd.s32 $0x1000, s30  }
0x8b: {  	[spmem:s2] =	stream.indirect.scatter.add.f32 [tilespmem:s26], [sflag:$0x1], $0x80, s1, s25, $0xb8;
	[tilespmem:$0x1B880] =	vst v63  }
0x8c: {  	p1 =	sne.s32 s30, $0x9000;
	s1 =	sadd.s32 $0x13900, s0  }
0x8d: {  	[spmem:s2] =	stream.indirect.scatter.add.f32 [tilespmem:s26], [sflag:$0x1], $0x80, s1, s25, $0xb8;
	[tilespmem:$0x1B880] =	vst v63  }
0x8e: {  	s1 =	sadd.s32 $0x13980, s0  }
0x8f: {  	[spmem:s2] =	stream.indirect.scatter.add.f32 [tilespmem:s26], [sflag:$0x1], $0x80, s1, s25, $0xb8;
	[tilespmem:$0x1B880] =	vst v63  }
0x90: {  	s1 =	sadd.s32 $0x13A00, s0  }
0x91: {  	[spmem:s2] =	stream.indirect.scatter.add.f32 [tilespmem:s26], [sflag:$0x1], $0x80, s1, s25, $0xb8;
	[tilespmem:$0x1B880] =	vst v63  }
0x92: {  	s1 =	sadd.s32 $0x13A80, s0  }
0x93: {  	[spmem:s2] =	stream.indirect.scatter.add.f32 [tilespmem:s26], [sflag:$0x1], $0x80, s1, s25, $0xb8;
	[tilespmem:$0x1B880] =	vst v63  }
0x94: {  	s1 =	sadd.s32 $0x13B00, s0  }
0x95: {  	[spmem:s2] =	stream.indirect.scatter.add.f32 [tilespmem:s26], [sflag:$0x1], $0x80, s1, s25, $0xb8;
	[tilespmem:$0x1B880] =	vst v63  }
0x96: {  	s1 =	sadd.s32 $0x13B80, s0  }
0x97: {  	[spmem:s2] =	stream.indirect.scatter.add.f32 [tilespmem:s26], [sflag:$0x1], $0x80, s1, s25, $0xb8;
	[tilespmem:$0x1B880] =	vst v63  }
0x98: {  	s0 =	sadd.s32 $0x13C00, s0  }
0x99: {  	[spmem:s2] =	stream.indirect.scatter.add.f32 [tilespmem:s26], [sflag:$0x1], $0x80, s0, s25, $0xb8;
	[tilespmem:$0x1B880] =	vst v63  }
0x9a: {  	_ =	swait.ge [sflag:s28], $0x3E80  }
0x9b: {  	[sflag:s28] =	ssyncset.done $0x0  }
0x9c: {  	[sflag:s28] =	ssyncadd.s32 $0xFFFFC180  }
0x9d: {  	_ =	swait.ge [sflag:s28], $0x3E80  }
0x9e: {  	[sflag:s28] =	ssyncset.done $0x0  }
0x9f: {  	[sflag:s28] =	ssyncadd.s32 $0xFFFFC180  }
0xa0: {  	_ =	swait.ge [sflag:s28], $0x3E80  }
0xa1: {  	[sflag:s28] =	ssyncset.done $0x0  }
0xa2: {  	[sflag:s28] =	ssyncadd.s32 $0xFFFFC180  }
0xa3: {  	_ =	swait.ge [sflag:s28], $0x3E80  }
0xa4: {  	[sflag:s28] =	ssyncset.done $0x0  }
0xa5: {  	[sflag:s28] =	ssyncadd.s32 $0xFFFFC180  }
0xa6: {  	_ =	swait.ge [sflag:s28], $0x3E80  }
0xa7: {  	[sflag:s28] =	ssyncset.done $0x0  }
0xa8: {  	[sflag:s28] =	ssyncadd.s32 $0xFFFFC180  }
0xa9: {  	_ =	swait.ge [sflag:s28], $0x3E80  }
0xaa: {  	[sflag:s28] =	ssyncset.done $0x0  }
0xab: {  	[sflag:s28] =	ssyncadd.s32 $0xFFFFC180  }
.Ltmp2:
0xac: {  	_ =	swait.ge [sflag:s28], $0x3E80;
	(pc) =	sbr.rel @p1 .LBB2_6-.Ltmp2, $4  }
0xad: {  	[sflag:s28] =	ssyncset.done $0x0  }
0xae: {  	[sflag:s28] =	ssyncadd.s32 $0xFFFFC180  }
0xaf: {  	_ =	swait.ge [sflag:s28], $0x3E80  }
0xb0: {  	s30 =	smov.u32 s24;
	s0 =	sshra.s32 s31, $0x2;
	[sflag:s28] =	ssyncset.done $0x0  }
0xb1: {  	s1 =	sadd.s32 $0x13880, s0;
	[sflag:s28] =	ssyncadd.s32 $0xFFFFC180  }
0xb2: {  	[spmem:s2] =	stream.indirect.scatter.add.f32 [tilespmem:s26], [sflag:$0x1], $0x80, s1, s25, $0xb8;
	[tilespmem:$0x1B880] =	vst v63  }
0xb3: {  	s24 =	sadd.s32 $0x13900, s0  }
0xb4: {  	[spmem:s2] =	stream.indirect.scatter.add.f32 [tilespmem:s26], [sflag:$0x1], $0x80, s24, s25, $0xb8;
	[tilespmem:$0x1B880] =	vst v63  }
0xb5: {  	s30 =	sadd.s32 $0x13980, s0  }
0xb6: {  	[spmem:s2] =	stream.indirect.scatter.add.f32 [tilespmem:s26], [sflag:$0x1], $0x80, s30, s25, $0xb8;
	[tilespmem:$0x1B880] =	vst v63  }
0xb7: {  	s31 =	sadd.s32 $0x13A00, s0  }
0xb8: {  	[spmem:s2] =	stream.indirect.scatter.add.f32 [tilespmem:s26], [sflag:$0x1], $0x80, s31, s25, $0xb8;
	[tilespmem:$0x1B880] =	vst v63  }
0xb9: {  	s24 =	sadd.s32 $0x13A80, s0  }
0xba: {  	[spmem:s2] =	stream.indirect.scatter.add.f32 [tilespmem:s26], [sflag:$0x1], $0x80, s24, s25, $0xb8;
	[tilespmem:$0x1B880] =	vst v63  }
0xbb: {  	s30 =	sadd.s32 $0x13B00, s0  }
0xbc: {  	[spmem:s2] =	stream.indirect.scatter.add.f32 [tilespmem:s26], [sflag:$0x1], $0x80, s30, s25, $0xb8;
	[tilespmem:$0x1B880] =	vst v63  }
0xbd: {  	s31 =	sadd.s32 $0x13B80, s0  }
0xbe: {  	[spmem:s2] =	stream.indirect.scatter.add.f32 [tilespmem:s26], [sflag:$0x1], $0x80, s31, s25, $0xb8;
	[tilespmem:$0x1B880] =	vst v63  }
0xbf: {  	s24 =	sadd.s32 $0x13C00, s0  }
0xc0: {  	[spmem:s2] =	stream.indirect.scatter.add.f32 [tilespmem:s26], [sflag:$0x1], $0x80, s24, s25, $0xb8;
	[tilespmem:$0x1B880] =	vst v63  }
0xc1: {  	_ =	swait.ge [sflag:s28], $0x3E80  }
0xc2: {  	[sflag:s28] =	ssyncset.done $0x0  }
0xc3: {  	[sflag:s28] =	ssyncadd.s32 $0xFFFFC180  }
0xc4: {  	_ =	swait.ge [sflag:s28], $0x3E80  }
0xc5: {  	[sflag:s28] =	ssyncset.done $0x0  }
0xc6: {  	[sflag:s28] =	ssyncadd.s32 $0xFFFFC180  }
0xc7: {  	_ =	swait.ge [sflag:s28], $0x3E80  }
0xc8: {  	[sflag:s28] =	ssyncset.done $0x0  }
0xc9: {  	[sflag:s28] =	ssyncadd.s32 $0xFFFFC180  }
0xca: {  	_ =	swait.ge [sflag:s28], $0x3E80  }
0xcb: {  	[sflag:s28] =	ssyncset.done $0x0  }
0xcc: {  	[sflag:s28] =	ssyncadd.s32 $0xFFFFC180  }
0xcd: {  	_ =	swait.ge [sflag:s28], $0x3E80  }
0xce: {  	[sflag:s28] =	ssyncset.done $0x0  }
0xcf: {  	[sflag:s28] =	ssyncadd.s32 $0xFFFFC180  }
0xd0: {  	_ =	swait.ge [sflag:s28], $0x3E80  }
0xd1: {  	[sflag:s28] =	ssyncset.done $0x0  }
0xd2: {  	[sflag:s28] =	ssyncadd.s32 $0xFFFFC180  }
0xd3: {  	_ =	swait.ge [sflag:s28], $0x3E80  }
0xd4: {  	[sflag:s28] =	ssyncset.done $0x0  }
0xd5: {  	[sflag:s28] =	ssyncadd.s32 $0xFFFFC180  }
0xd6: {  	_ =	swait.ge [sflag:s28], $0x3E80  }
0xd7: {  	s30 =	stileid.u32;
	[sflag:s28] =	ssyncset.done $0x0  }
0xd8: {  	s0 =	sshll.u32 s30, $0x6;
	[sflag:s28] =	ssyncadd.s32 $0xFFFFC180  }
0xd9: {  	s0 =	sor.u32 $0x1C02, s0;
	s31 =	sshrl.u32 s7, $0x3;
	[bflag:$0x0] =	sbarrier.arrive $0xFFFF  }
0xda: {  	[hbm:s6], [sflag:s0] =	dma.local [spmem:s31], $0x2700  }
0xdb: {  	_ =	swait.ge [sflag:s23], $0x2700  }
0xdc: {  	s29 =	sadd.s32 $0x1, s29;
	[sflag:s23] =	ssyncset.done $0x0  }
0xdd: {  	s1 =	sshrl.u32 @!p0 s4, $0x3;
	p1 =	sne.s32 s29, s9;
	[sflag:s23] =	ssyncadd.s32 $0xFFFFD900  }
0xde: {  	[hbm:s8], [sflag:s0] =	dma.local @!p0 [spmem:s1], $0x100  }
.Ltmp3:
0xdf: {  	_ = 	snop;
	(pc) =	sbr.rel @p1 .LBB2_1-.Ltmp3, $4  }
0xe0: {  	s0 =	simm.s32 @!p0 $0x2  }
0xe1: {  	_ =	swait.ge @!p0 [sflag:s0], $0x100  }
0xe2: {  	[sflag:s0] =	ssyncset.done @!p0 $0x0  }
0xe3: {  	[sflag:s0] =	ssyncadd.s32 @!p0 $0xFFFFFF00  }
0xe4: {  	_ =	sfence.sel $0x180000  }
0xe5: {  	[bflag:$0x0] =	sbarrier.arrive $0xFFFF  }
0xe6: {  	_ =	strace $0x9000004A  }
0xe7: {  	s0 =	stileid.u32;
	[bflag:$0x2] =	sbarrier.arrive $0xFFFF  }
0xe8: {  	p0 =	sne.s32 s0, $0x0;
	s0 =	rddreg [dreg:$0x2]  }
0xe9: {  	s0 =	sadd.s32 @!p0 $0x100000, s0  }
0xea: {  	[sflag:s0] =	ssyncadd.tile.s32 @!p0 $0x1;
	_ =	shalt  }
.Lfunc_end2:
_tile_overlayer_lowered:
.L_overlay_start_2:
0xeb: {  	(tag) =	ssettag $0x2  }
0xec: {  	s0 =	rddreg [dreg:$0x0];
	s2 =	stileid.u32  }
0xed: {  	s1 =	rddreg [dreg:$0x1];
	p0 =	sne.s32 s2, $0x0  }
0xee: {  	s3 =	rddreg [dreg:$0x2];
	[bflag:$0x3] =	sbarrier.arrive $0xFFFF;
	s2 =	simm.s32 @!p0 $0x1C02  }
0xef: {  	[timem:s3], [sflag:s2] =	dma.local @!p0 [hbm:s0], s1  }
0xf0: {  	s0 =	simm.s32 @!p0 $0x2  }
0xf1: {  	_ =	swait.ge @!p0 [sflag:s0], s1  }
0xf2: {  	s1 =	ssub.s32 @!p0 $0x0, s1;
	[sflag:s0] =	ssyncset.done @!p0 $0x0  }
0xf3: {  	[sflag:s0] =	ssyncadd.s32 @!p0 s1  }
0xf4: {  	[bflag:$0x3] =	sbarrier.arrive $0xFFFF  }
0xf5: {  	_ =	shalt  }

</sc_bundles>
